<compile_context>
chip_gen: v7x
topology: tpu7x:2x2x1
jax: 0.10.2.dev20260603
libtpu: 0.0.44.dev20260713+nightly
codegen_flags: <defaults>
</compile_context>

<pallas_src>
import functools

import jax
import jax.numpy as jnp
from jax import lax
from jax.experimental import pallas as pl
from jax.experimental.pallas import tpu as pltpu
from jax.experimental.pallas import tpu_sc as plsc

_N = 10000
_D = 128
_H = 8
_HID = 16
_C = 40
_NP = 10240
_NC = 2
_NS = 16
_NW = _NC * _NS
_B = 128
_NB = 81
_EPAD = _NW * _NB * _B
_BLK = 256



def _accum_bound(aa, a_ref, i):
    bm = jnp.max(aa, axis=0, keepdims=True)
    @pl.when(i == 0)
    def _():
        a_ref[...] = jnp.full((1, 16), -jnp.inf, jnp.float32)
    a_ref[...] = jnp.maximum(a_ref[...], bm)

    @pl.when(i == _NP // _BLK - 1)
    def _():
        m = a_ref[...]
        s = m[:, :_H] + m[:, _H:]
        a = jnp.maximum(s, 0.2 * s)
        a_ref[...] = jnp.concatenate([a, a], axis=1)


def _mm_attn_body(x_ref, w_ref, am_ref, h_ref, aa_ref, a_ref):
    h = jnp.dot(x_ref[...], w_ref[...], preferred_element_type=jnp.float32)
    h_ref[...] = h
    aa = jnp.dot(h, am_ref[...], preferred_element_type=jnp.float32)
    aa_ref[...] = aa
    _accum_bound(aa, a_ref, pl.program_id(0))


def _mm_attn(xp, w, am):
    return pl.pallas_call(
        _mm_attn_body,
        grid=(_NP // _BLK,),
        in_specs=[
            pl.BlockSpec((_BLK, _D), lambda i: (i, 0)),
            pl.BlockSpec((_D, _D), lambda i: (0, 0)),
            pl.BlockSpec((_D, 16), lambda i: (0, 0)),
        ],
        out_specs=[
            pl.BlockSpec((_BLK, _D), lambda i: (i, 0)),
            pl.BlockSpec((_BLK, 16), lambda i: (i, 0)),
            pl.BlockSpec((1, 16), lambda i: (0, 0)),
        ],
        out_shape=[
            jax.ShapeDtypeStruct((_NP, _D), jnp.float32),
            jax.ShapeDtypeStruct((_NP, 16), jnp.float32),
            jax.ShapeDtypeStruct((1, 16), jnp.float32),
        ],
    )(xp, w, am)


def _fin_body(np_ref, dp_ref, exp_ref, b_ref, w_ref, am_ref, h_ref, aa_ref,
              a_ref):
    num = np_ref[0] + np_ref[1]
    den = dp_ref[0] + dp_ref[1]
    dex = jnp.dot(den, exp_ref[...], preferred_element_type=jnp.float32) + 1e-16
    h1 = jnp.maximum(num / dex + b_ref[...], 0.0)
    h2 = jnp.dot(h1, w_ref[...], preferred_element_type=jnp.float32)
    h_ref[...] = h2
    aa = jnp.dot(h2, am_ref[...], preferred_element_type=jnp.float32)
    aa_ref[...] = aa
    _accum_bound(aa, a_ref, pl.program_id(0))


def _fin(nump, denp, expand, b, w, am):
    return pl.pallas_call(
        _fin_body,
        grid=(_NP // _BLK,),
        in_specs=[
            pl.BlockSpec((2, _BLK, _D), lambda i: (0, i, 0)),
            pl.BlockSpec((2, _BLK, _H), lambda i: (0, i, 0)),
            pl.BlockSpec((_H, _D), lambda i: (0, 0)),
            pl.BlockSpec((1, _D), lambda i: (0, 0)),
            pl.BlockSpec((_D, _D), lambda i: (0, 0)),
            pl.BlockSpec((_D, 16), lambda i: (0, 0)),
        ],
        out_specs=[
            pl.BlockSpec((_BLK, _D), lambda i: (i, 0)),
            pl.BlockSpec((_BLK, 16), lambda i: (i, 0)),
            pl.BlockSpec((1, 16), lambda i: (0, 0)),
        ],
        out_shape=[
            jax.ShapeDtypeStruct((_NP, _D), jnp.float32),
            jax.ShapeDtypeStruct((_NP, 16), jnp.float32),
            jax.ShapeDtypeStruct((1, 16), jnp.float32),
        ],
    )(nump, denp, expand, b, w, am)


def _out_body(np_ref, dp_ref, exp_ref, b_ref, w_ref, bo_ref, o_ref):
    num = np_ref[0] + np_ref[1]
    den = dp_ref[0] + dp_ref[1]
    dex = jnp.dot(den, exp_ref[...], preferred_element_type=jnp.float32) + 1e-16
    h2 = jnp.maximum(num / dex + b_ref[...], 0.0)
    o_ref[...] = jnp.dot(h2, w_ref[...], preferred_element_type=jnp.float32) + bo_ref[...]


def _out(nump, denp, expand, b, w, bo):
    return pl.pallas_call(
        _out_body,
        grid=(_NP // _BLK,),
        in_specs=[
            pl.BlockSpec((2, _BLK, _D), lambda i: (0, i, 0)),
            pl.BlockSpec((2, _BLK, _H), lambda i: (0, i, 0)),
            pl.BlockSpec((_H, _D), lambda i: (0, 0)),
            pl.BlockSpec((1, _D), lambda i: (0, 0)),
            pl.BlockSpec((_D, _D), lambda i: (0, 0)),
            pl.BlockSpec((1, _D), lambda i: (0, 0)),
        ],
        out_specs=pl.BlockSpec((_BLK, _D), lambda i: (i, 0)),
        out_shape=jax.ShapeDtypeStruct((_NP, _D), jnp.float32),
    )(nump, denp, expand, b, w, bo)



_SC_PARAMS = pltpu.CompilerParams(
    needs_layout_passes=False, use_tc_tiling_on_sc=False)
_STRIPE = _NP // _NS
_NZ = _STRIPE // _B


def _edge_body(h_hbm, aa1_hbm, aa2_hbm, a_hbm, src_hbm, dst_hbm,
               nump_hbm, denp_hbm,
               src_v, dst_v, rows_v, ag1_v, ag2_v, ex_v, a_v,
               num_sp, den_sp,
               sem1, sem2, sem3):
    cid = lax.axis_index("c")
    sid = lax.axis_index("s")
    wid = sid * _NC + cid

    pltpu.sync_copy(src_hbm.at[wid], src_v)
    pltpu.sync_copy(dst_hbm.at[wid], dst_v)
    pltpu.sync_copy(a_hbm, a_v)
    areg = a_v[0, :]

    iot = lax.iota(jnp.int32, 16)
    rowoff = jnp.where(iot < _H, 0, 1)
    colv = jnp.bitwise_and(iot, _H - 1)

    def zrow(e, c):
        for k in range(_H):
            rows_v[e, pl.ds(16 * k, 16)] = jnp.zeros((16,), jnp.float32)
        return c
    lax.fori_loop(0, _B, zrow, 0)

    def zex(e2, c):
        plsc.store_scatter(
            ex_v, [jnp.full((16,), 2 * e2, jnp.int32) + rowoff, colv],
            jnp.zeros((16,), jnp.float32))
        return c
    lax.fori_loop(0, _B // 2, zex, 0)

    def zacc(t, c):
        r = sid * _STRIPE + t * _B
        pltpu.sync_copy(rows_v, num_sp.at[pl.ds(r, _B)])
        pltpu.sync_copy(ex_v, den_sp.at[pl.ds(r, _B)])
        return c
    lax.fori_loop(0, _NZ, zacc, 0)
    plsc.subcore_barrier()

    def blk(b, c):
        sidx = src_v.at[b]
        didx = dst_v.at[b]
        c1 = pltpu.async_copy(h_hbm.at[sidx], rows_v, sem1)
        c2 = pltpu.async_copy(aa1_hbm.at[sidx], ag1_v, sem2)
        c3 = pltpu.async_copy(aa2_hbm.at[didx], ag2_v, sem3)
        c2.wait()
        c3.wait()

        c1.wait()

        def exsc(e2, cc):
            e = 2 * e2
            rowv = jnp.full((16,), e, jnp.int32) + rowoff
            a1 = plsc.load_gather(ag1_v, [rowv, colv])
            a2 = plsc.load_gather(ag2_v, [rowv, colv])
            s = a1 + a2
            al = jnp.maximum(s, 0.2 * s)
            ex = jnp.exp(al - areg)
            plsc.store_scatter(ex_v, [rowv, colv], ex)
            for hh in range(_H):
                cef = jnp.full((16,), ex[hh], jnp.float32)
                rows_v[e, pl.ds(16 * hh, 16)] = rows_v[e, pl.ds(16 * hh, 16)] * cef
            for hh in range(_H):
                cef = jnp.full((16,), ex[_H + hh], jnp.float32)
                rows_v[e + 1, pl.ds(16 * hh, 16)] = rows_v[e + 1, pl.ds(16 * hh, 16)] * cef
            return cc
        lax.fori_loop(0, _B // 2, exsc, 0)
        pltpu.sync_copy(ex_v, den_sp.at[didx], add=True)
        pltpu.sync_copy(rows_v, num_sp.at[didx], add=True)
        return c
    lax.fori_loop(0, _NB, blk, 0)
    plsc.subcore_barrier()

    def dump(t, c):
        r = sid * _STRIPE + t * _B
        pltpu.sync_copy(num_sp.at[pl.ds(r, _B)], rows_v)
        pltpu.sync_copy(rows_v, nump_hbm.at[cid, pl.ds(r, _B)])
        pltpu.sync_copy(den_sp.at[pl.ds(r, _B)], ex_v)
        pltpu.sync_copy(ex_v, denp_hbm.at[cid, pl.ds(r, _B)])
        return c
    lax.fori_loop(0, _NZ, dump, 0)


_edge_call = functools.partial(
    pl.kernel,
    out_type=[
        jax.ShapeDtypeStruct((_NC, _NP, _D), jnp.float32),
        jax.ShapeDtypeStruct((_NC, _NP, _H), jnp.float32),
    ],
    mesh=plsc.VectorSubcoreMesh(core_axis_name="c", subcore_axis_name="s"),
    compiler_params=_SC_PARAMS,
    scratch_types=[
        pltpu.VMEM((_NB, _B), jnp.int32),
        pltpu.VMEM((_NB, _B), jnp.int32),
        pltpu.VMEM((_B, _D), jnp.float32),
        pltpu.VMEM((_B, _H), jnp.float32),
        pltpu.VMEM((_B, _H), jnp.float32),
        pltpu.VMEM((_B, _H), jnp.float32),
        pltpu.VMEM((1, 16), jnp.float32),
        pltpu.VMEM_SHARED((_NP, _D), jnp.float32),
        pltpu.VMEM_SHARED((_NP, _H), jnp.float32),
        pltpu.SemaphoreType.DMA,
        pltpu.SemaphoreType.DMA,
        pltpu.SemaphoreType.DMA,
    ],
)(_edge_body)


def _edge(h, aas, aad, a, src, dst):
    return _edge_call(h, aas, aad, a, src, dst)



def kernel(x, edge_index, W1, a_src1, a_dst1, b1, W2, a_src2, a_dst2, b2,
           W_out, b_out):
    xp = jnp.zeros((_NP, _D), jnp.float32).at[:_N].set(x)
    loop = jnp.arange(_N, dtype=jnp.int32)
    src = jnp.concatenate([edge_index[0], loop])
    dst = jnp.concatenate([edge_index[1], loop])
    pad = _EPAD - src.shape[0]
    padv = jnp.full((pad,), _N, jnp.int32)
    src = jnp.concatenate([src, padv]).reshape(_NW, _NB, _B)
    dst = jnp.concatenate([dst, padv]).reshape(_NW, _NB, _B)

    M = jnp.repeat(jnp.eye(_H, dtype=jnp.float32), _HID, axis=0)
    am1 = jnp.concatenate(
        [M * a_src1.reshape(-1, 1), M * a_dst1.reshape(-1, 1)], axis=1)
    am2 = jnp.concatenate(
        [M * a_src2.reshape(-1, 1), M * a_dst2.reshape(-1, 1)], axis=1)
    expand = M.T
    wout = jnp.zeros((_D, _D), jnp.float32).at[:, :_C].set(W_out)
    bout = jnp.zeros((1, _D), jnp.float32).at[0, :_C].set(b_out)

    h1p, aa1, a1 = _mm_attn(xp, W1, am1)
    num1, den1 = _edge(h1p, aa1[:, :_H], aa1[:, _H:], a1, src, dst)

    h2p, aa2, a2 = _fin(num1, den1, expand, b1.reshape(1, -1), W2, am2)
    num2, den2 = _edge(h2p, aa2[:, :_H], aa2[:, _H:], a2, src, dst)

    outp = _out(num2, den2, expand, b2.reshape(1, -1), wout, bout)
    return outp[:_N, :_C]

# --- scband reference (transcript-rebuilt; emitter-appended) ---
"""Pipeline reference for scband-gat-39977555591300 (READ-ONLY COPY).

The authoritative reference and input builder live on the scoring server;
editing this copy changes nothing except your own understanding.
"""

import jax, jax.numpy as jnp
import numpy as np

N = 10000
E = 320000
D = 128
H = 8
HID = 16
C = 40


def _gat_conv(x, src, dst, W, a_src, a_dst, b):
    n = x.shape[0]
    h = (x @ W).reshape(n, H, HID)
    alpha_src = (h * a_src).sum(-1)
    alpha_dst = (h * a_dst).sum(-1)
    alpha = jax.nn.leaky_relu(alpha_src[src] + alpha_dst[dst], 0.2)
    amax = jax.ops.segment_max(alpha, dst, num_segments=n)
    ex = jnp.exp(alpha - amax[dst])
    denom = jax.ops.segment_sum(ex, dst, num_segments=n)
    coef = ex / (denom[dst] + 1e-16)
    out = jax.ops.segment_sum(h[src] * coef[:, :, None], dst, num_segments=n)
    return out.reshape(n, H * HID) + b


def setup_inputs(seed: int = 0):
    key = jax.random.key(seed)
    ks = jax.random.split(key, 12)
    x = jax.random.normal(ks[0], (N, D), dtype=jnp.float32)
    edge_index = jax.random.randint(ks[1], (2, E), 0, N, dtype=jnp.int32)
    W1 = jax.random.normal(ks[2], (D, H * HID), dtype=jnp.float32) * 0.1
    a_src1 = jax.random.normal(ks[3], (1, H, HID), dtype=jnp.float32) * 0.1
    a_dst1 = jax.random.normal(ks[4], (1, H, HID), dtype=jnp.float32) * 0.1
    b1 = jnp.zeros((H * HID,), dtype=jnp.float32)
    W2 = jax.random.normal(ks[5], (H * HID, H * HID), dtype=jnp.float32) * 0.1
    a_src2 = jax.random.normal(ks[6], (1, H, HID), dtype=jnp.float32) * 0.1
    a_dst2 = jax.random.normal(ks[7], (1, H, HID), dtype=jnp.float32) * 0.1
    b2 = jnp.zeros((H * HID,), dtype=jnp.float32)
    W_out = jax.random.normal(ks[8], (H * HID, C), dtype=jnp.float32) * 0.1
    b_out = jnp.zeros((C,), dtype=jnp.float32)
    return {"x": x, "edge_index": edge_index, "W1": W1, "a_src1": a_src1, "a_dst1": a_dst1, "b1": b1, "W2": W2, "a_src2": a_src2, "a_dst2": a_dst2, "b2": b2, "W_out": W_out, "b_out": b_out}


def reference(x, edge_index, W1, a_src1, a_dst1, b1, W2, a_src2, a_dst2, b2, W_out, b_out):
    n = x.shape[0]
    loop = jnp.arange(n, dtype=edge_index.dtype)
    src = jnp.concatenate([edge_index[0], loop])
    dst = jnp.concatenate([edge_index[1], loop])
    h = _gat_conv(x, src, dst, W1, a_src1, a_dst1, b1)
    h = jax.nn.relu(h)
    h = _gat_conv(h, src, dst, W2, a_src2, a_dst2, b2)
    h = jax.nn.relu(h)
    return h @ W_out + b_out

if __name__ == "__main__":
    import jax
    _d = setup_inputs()
    print(jax.jit(kernel)(*tuple(_d.values())))

</pallas_src>

<mosaic_0001>
#map = affine_map<(d0, d1) -> (0, 0)>
#map1 = affine_map<(d0, d1) -> (0, 0, 0)>
module attributes {stable_mosaic.version = 14 : i64} {
  func.func @_edge_body(%arg0: i32, %arg1: i32, %arg2: memref<10240x128xf32, #tpu.memory_space<hbm>>, %arg3: memref<10240x8xf32, #tpu.memory_space<hbm>>, %arg4: memref<10240x8xf32, #tpu.memory_space<hbm>>, %arg5: memref<1x16xf32, #tpu.memory_space<hbm>>, %arg6: memref<32x81x128xi32, #tpu.memory_space<hbm>>, %arg7: memref<32x81x128xi32, #tpu.memory_space<hbm>>, %arg8: memref<2x10240x128xf32, #tpu.memory_space<hbm>>, %arg9: memref<2x10240x8xf32, #tpu.memory_space<hbm>>, %arg10: memref<81x128xi32, #tpu.memory_space<vmem>>, %arg11: memref<81x128xi32, #tpu.memory_space<vmem>>, %arg12: memref<128x128xf32, #tpu.memory_space<vmem>>, %arg13: memref<128x8xf32, #tpu.memory_space<vmem>>, %arg14: memref<128x8xf32, #tpu.memory_space<vmem>>, %arg15: memref<128x8xf32, #tpu.memory_space<vmem>>, %arg16: memref<1x16xf32, #tpu.memory_space<vmem>>, %arg17: memref<10240x128xf32, #tpu.memory_space<vmem_shared>>, %arg18: memref<10240x8xf32, #tpu.memory_space<vmem_shared>>, %arg19: memref<!tpu.dma_semaphore, #tpu.memory_space<semaphore_mem>>, %arg20: memref<!tpu.dma_semaphore, #tpu.memory_space<semaphore_mem>>, %arg21: memref<!tpu.dma_semaphore, #tpu.memory_space<semaphore_mem>>) attributes {dimension_semantics = [#tpu.dimension_semantics<core_parallel>, #tpu.dimension_semantics<subcore_parallel>], iteration_bounds = array<i64: 2, 16>, scalar_prefetch = 0 : i64, scratch_operands = 12 : i64, tpu.core_type = #tpu.core_type<sc_vector_subcore>, window_params = [{transform_indices = #map}, {transform_indices = #map}, {transform_indices = #map}, {transform_indices = #map}, {transform_indices = #map1}, {transform_indices = #map1}, {transform_indices = #map1}, {transform_indices = #map1}]} {
    %mul3A = arith.constant 2 : i32
    %mul3A_0 = arith.muli %arg1, %mul3A : i32
    %add3A = arith.addi %mul3A_0, %arg0 : i32
    "tpu.region"() ({
      %run_scoped3A = tpu.sem_alloc : memref<!tpu.dma_semaphore, #tpu.memory_space<semaphore_mem>>
      %dma_start3A = arith.constant 0 : i32
      %dma_start3A_40 = arith.constant 0 : i32
      %dma_start3A_41 = tpu.memref_slice %arg6[%add3A, %dma_start3A, %dma_start3A_40] : memref<32x81x128xi32, #tpu.memory_space<hbm>> -> memref<1x81x128xi32, #tpu.memory_space<hbm>>
      %dma_start3A_42 = tpu.memref_squeeze %dma_start3A_41 : memref<1x81x128xi32, #tpu.memory_space<hbm>> -> memref<81x128xi32, #tpu.memory_space<hbm>>
      %dma_start3A_43 = arith.constant 0 : i32
      %dma_start3A_44 = arith.constant 0 : i32
      %dma_start3A_45 = tpu.memref_slice %arg6[%add3A, %dma_start3A_43, %dma_start3A_44] : memref<32x81x128xi32, #tpu.memory_space<hbm>> -> memref<1x81x128xi32, #tpu.memory_space<hbm>>
      %dma_start3A_46 = tpu.memref_squeeze %dma_start3A_45 : memref<1x81x128xi32, #tpu.memory_space<hbm>> -> memref<81x128xi32, #tpu.memory_space<hbm>>
      tpu.enqueue_dma source(%dma_start3A_46 : memref<81x128xi32, #tpu.memory_space<hbm>>) target(%arg10 : memref<81x128xi32, #tpu.memory_space<vmem>>) target_semaphore(%run_scoped3A : memref<!tpu.dma_semaphore, #tpu.memory_space<semaphore_mem>>)
      %dma_wait3A = arith.constant 0 : i32
      %dma_wait3A_47 = arith.constant 0 : i32
      %dma_wait3A_48 = tpu.memref_slice %arg6[%add3A, %dma_wait3A, %dma_wait3A_47] : memref<32x81x128xi32, #tpu.memory_space<hbm>> -> memref<1x81x128xi32, #tpu.memory_space<hbm>>
      %dma_wait3A_49 = tpu.memref_squeeze %dma_wait3A_48 : memref<1x81x128xi32, #tpu.memory_space<hbm>> -> memref<81x128xi32, #tpu.memory_space<hbm>>
      %dma_wait3A_50 = arith.constant 0 : i32
      %dma_wait3A_51 = arith.constant 0 : i32
      %dma_wait3A_52 = tpu.memref_slice %arg6[%add3A, %dma_wait3A_50, %dma_wait3A_51] : memref<32x81x128xi32, #tpu.memory_space<hbm>> -> memref<1x81x128xi32, #tpu.memory_space<hbm>>
      %dma_wait3A_53 = tpu.memref_squeeze %dma_wait3A_52 : memref<1x81x128xi32, #tpu.memory_space<hbm>> -> memref<81x128xi32, #tpu.memory_space<hbm>>
      tpu.wait_dma2 semaphore(%run_scoped3A : memref<!tpu.dma_semaphore, #tpu.memory_space<semaphore_mem>>) src(%dma_wait3A_53 : memref<81x128xi32, #tpu.memory_space<hbm>>) dst(%arg10 : memref<81x128xi32, #tpu.memory_space<vmem>>)
      tpu.yield
    }) : () -> ()
    "tpu.region"() ({
      %run_scoped3A = tpu.sem_alloc : memref<!tpu.dma_semaphore, #tpu.memory_space<semaphore_mem>>
      %dma_start3A = arith.constant 0 : i32
      %dma_start3A_40 = arith.constant 0 : i32
      %dma_start3A_41 = tpu.memref_slice %arg7[%add3A, %dma_start3A, %dma_start3A_40] : memref<32x81x128xi32, #tpu.memory_space<hbm>> -> memref<1x81x128xi32, #tpu.memory_space<hbm>>
      %dma_start3A_42 = tpu.memref_squeeze %dma_start3A_41 : memref<1x81x128xi32, #tpu.memory_space<hbm>> -> memref<81x128xi32, #tpu.memory_space<hbm>>
      %dma_start3A_43 = arith.constant 0 : i32
      %dma_start3A_44 = arith.constant 0 : i32
      %dma_start3A_45 = tpu.memref_slice %arg7[%add3A, %dma_start3A_43, %dma_start3A_44] : memref<32x81x128xi32, #tpu.memory_space<hbm>> -> memref<1x81x128xi32, #tpu.memory_space<hbm>>
      %dma_start3A_46 = tpu.memref_squeeze %dma_start3A_45 : memref<1x81x128xi32, #tpu.memory_space<hbm>> -> memref<81x128xi32, #tpu.memory_space<hbm>>
      tpu.enqueue_dma source(%dma_start3A_46 : memref<81x128xi32, #tpu.memory_space<hbm>>) target(%arg11 : memref<81x128xi32, #tpu.memory_space<vmem>>) target_semaphore(%run_scoped3A : memref<!tpu.dma_semaphore, #tpu.memory_space<semaphore_mem>>)
      %dma_wait3A = arith.constant 0 : i32
      %dma_wait3A_47 = arith.constant 0 : i32
      %dma_wait3A_48 = tpu.memref_slice %arg7[%add3A, %dma_wait3A, %dma_wait3A_47] : memref<32x81x128xi32, #tpu.memory_space<hbm>> -> memref<1x81x128xi32, #tpu.memory_space<hbm>>
      %dma_wait3A_49 = tpu.memref_squeeze %dma_wait3A_48 : memref<1x81x128xi32, #tpu.memory_space<hbm>> -> memref<81x128xi32, #tpu.memory_space<hbm>>
      %dma_wait3A_50 = arith.constant 0 : i32
      %dma_wait3A_51 = arith.constant 0 : i32
      %dma_wait3A_52 = tpu.memref_slice %arg7[%add3A, %dma_wait3A_50, %dma_wait3A_51] : memref<32x81x128xi32, #tpu.memory_space<hbm>> -> memref<1x81x128xi32, #tpu.memory_space<hbm>>
      %dma_wait3A_53 = tpu.memref_squeeze %dma_wait3A_52 : memref<1x81x128xi32, #tpu.memory_space<hbm>> -> memref<81x128xi32, #tpu.memory_space<hbm>>
      tpu.wait_dma2 semaphore(%run_scoped3A : memref<!tpu.dma_semaphore, #tpu.memory_space<semaphore_mem>>) src(%dma_wait3A_53 : memref<81x128xi32, #tpu.memory_space<hbm>>) dst(%arg11 : memref<81x128xi32, #tpu.memory_space<vmem>>)
      tpu.yield
    }) : () -> ()
    "tpu.region"() ({
      %run_scoped3A = tpu.sem_alloc : memref<!tpu.dma_semaphore, #tpu.memory_space<semaphore_mem>>
      tpu.enqueue_dma source(%arg5 : memref<1x16xf32, #tpu.memory_space<hbm>>) target(%arg16 : memref<1x16xf32, #tpu.memory_space<vmem>>) target_semaphore(%run_scoped3A : memref<!tpu.dma_semaphore, #tpu.memory_space<semaphore_mem>>)
      tpu.wait_dma2 semaphore(%run_scoped3A : memref<!tpu.dma_semaphore, #tpu.memory_space<semaphore_mem>>) src(%arg5 : memref<1x16xf32, #tpu.memory_space<hbm>>) dst(%arg16 : memref<1x16xf32, #tpu.memory_space<vmem>>)
      tpu.yield
    }) : () -> ()
    %get3A = arith.constant 0 : i32
    %get3A_1 = arith.index_cast %get3A : i32 to index
    %get3A_2 = arith.constant 0 : index
    %get3A_3 = tpu.vector_load %arg16[%get3A_1, %get3A_2] {strides = array<i32>} : memref<1x16xf32, #tpu.memory_space<vmem>>, vector<16xf32>,
    %iota3A = tpu.iota {dimensions = array<i32: 0>} : vector<16xi32>
    %lt3A = arith.constant 8 : i32
    %lt3A_4 = vector.broadcast %lt3A : i32 to vector<16xi32>
    %lt3A_5 = arith.cmpi slt, %iota3A, %lt3A_4 : vector<16xi32>
    %jit3A = arith.constant 0 : i32
    %jit3A_6 = arith.constant 1 : i32
    %broadcast_in_dim3A = vector.broadcast %jit3A : i32 to vector<16xi32>
    %broadcast_in_dim3A_7 = vector.broadcast %jit3A_6 : i32 to vector<16xi32>
    %select_n3A = arith.select %lt3A_5, %broadcast_in_dim3A, %broadcast_in_dim3A_7 : vector<16xi1>, vector<16xi32>
    %and3A = arith.constant 7 : i32
    %and3A_8 = vector.broadcast %and3A : i32 to vector<16xi32>
    %and3A_9 = arith.andi %iota3A, %and3A_8 : vector<16xi32>
    %scan3A = arith.constant 0 : i32
    %scan3A_10 = arith.constant 0 : i32
    %scan3A_11 = arith.constant 128 : i32
    %scan3A_12 = arith.addi %scan3A_10, %scan3A_11 : i32
    %scan3A_13 = arith.constant 1 : i32
    scf.for %scan3A_40 = %scan3A_10 to %scan3A_12 step %scan3A_13  : i32 {
      %broadcast_in_dim3A_41 = arith.constant 0.000000e+00 : f32
      %broadcast_in_dim3A_42 = vector.broadcast %broadcast_in_dim3A_41 : f32 to vector<16xf32>
      %swap3A = arith.index_cast %scan3A_40 : i32 to index
      %swap3A_43 = arith.constant 0 : index
      %swap3A_44 = tpu.vector_load %arg12[%swap3A, %swap3A_43] {strides = array<i32>} : memref<128x128xf32, #tpu.memory_space<vmem>>, vector<16xf32>,
      tpu.vector_store %arg12[%swap3A, %swap3A_43], %broadcast_in_dim3A_42 {strides = array<i32>} : memref<128x128xf32, #tpu.memory_space<vmem>>, vector<16xf32>,
      %broadcast_in_dim3A_45 = arith.constant 0.000000e+00 : f32
      %broadcast_in_dim3A_46 = vector.broadcast %broadcast_in_dim3A_45 : f32 to vector<16xf32>
      %swap3A_47 = arith.index_cast %scan3A_40 : i32 to index
      %swap3A_48 = arith.constant 16 : index
      %swap3A_49 = tpu.vector_load %arg12[%swap3A_47, %swap3A_48] {strides = array<i32>} : memref<128x128xf32, #tpu.memory_space<vmem>>, vector<16xf32>,
      tpu.vector_store %arg12[%swap3A_47, %swap3A_48], %broadcast_in_dim3A_46 {strides = array<i32>} : memref<128x128xf32, #tpu.memory_space<vmem>>, vector<16xf32>,
      %broadcast_in_dim3A_50 = arith.constant 0.000000e+00 : f32
      %broadcast_in_dim3A_51 = vector.broadcast %broadcast_in_dim3A_50 : f32 to vector<16xf32>
      %swap3A_52 = arith.index_cast %scan3A_40 : i32 to index
      %swap3A_53 = arith.constant 32 : index
      %swap3A_54 = tpu.vector_load %arg12[%swap3A_52, %swap3A_53] {strides = array<i32>} : memref<128x128xf32, #tpu.memory_space<vmem>>, vector<16xf32>,
      tpu.vector_store %arg12[%swap3A_52, %swap3A_53], %broadcast_in_dim3A_51 {strides = array<i32>} : memref<128x128xf32, #tpu.memory_space<vmem>>, vector<16xf32>,
      %broadcast_in_dim3A_55 = arith.constant 0.000000e+00 : f32
      %broadcast_in_dim3A_56 = vector.broadcast %broadcast_in_dim3A_55 : f32 to vector<16xf32>
      %swap3A_57 = arith.index_cast %scan3A_40 : i32 to index
      %swap3A_58 = arith.constant 48 : index
      %swap3A_59 = tpu.vector_load %arg12[%swap3A_57, %swap3A_58] {strides = array<i32>} : memref<128x128xf32, #tpu.memory_space<vmem>>, vector<16xf32>,
      tpu.vector_store %arg12[%swap3A_57, %swap3A_58], %broadcast_in_dim3A_56 {strides = array<i32>} : memref<128x128xf32, #tpu.memory_space<vmem>>, vector<16xf32>,
      %broadcast_in_dim3A_60 = arith.constant 0.000000e+00 : f32
      %broadcast_in_dim3A_61 = vector.broadcast %broadcast_in_dim3A_60 : f32 to vector<16xf32>
      %swap3A_62 = arith.index_cast %scan3A_40 : i32 to index
      %swap3A_63 = arith.constant 64 : index
      %swap3A_64 = tpu.vector_load %arg12[%swap3A_62, %swap3A_63] {strides = array<i32>} : memref<128x128xf32, #tpu.memory_space<vmem>>, vector<16xf32>,
      tpu.vector_store %arg12[%swap3A_62, %swap3A_63], %broadcast_in_dim3A_61 {strides = array<i32>} : memref<128x128xf32, #tpu.memory_space<vmem>>, vector<16xf32>,
      %broadcast_in_dim3A_65 = arith.constant 0.000000e+00 : f32
      %broadcast_in_dim3A_66 = vector.broadcast %broadcast_in_dim3A_65 : f32 to vector<16xf32>
      %swap3A_67 = arith.index_cast %scan3A_40 : i32 to index
      %swap3A_68 = arith.constant 80 : index
      %swap3A_69 = tpu.vector_load %arg12[%swap3A_67, %swap3A_68] {strides = array<i32>} : memref<128x128xf32, #tpu.memory_space<vmem>>, vector<16xf32>,
      tpu.vector_store %arg12[%swap3A_67, %swap3A_68], %broadcast_in_dim3A_66 {strides = array<i32>} : memref<128x128xf32, #tpu.memory_space<vmem>>, vector<16xf32>,
      %broadcast_in_dim3A_70 = arith.constant 0.000000e+00 : f32
      %broadcast_in_dim3A_71 = vector.broadcast %broadcast_in_dim3A_70 : f32 to vector<16xf32>
      %swap3A_72 = arith.index_cast %scan3A_40 : i32 to index
      %swap3A_73 = arith.constant 96 : index
      %swap3A_74 = tpu.vector_load %arg12[%swap3A_72, %swap3A_73] {strides = array<i32>} : memref<128x128xf32, #tpu.memory_space<vmem>>, vector<16xf32>,
      tpu.vector_store %arg12[%swap3A_72, %swap3A_73], %broadcast_in_dim3A_71 {strides = array<i32>} : memref<128x128xf32, #tpu.memory_space<vmem>>, vector<16xf32>,
      %broadcast_in_dim3A_75 = arith.constant 0.000000e+00 : f32
      %broadcast_in_dim3A_76 = vector.broadcast %broadcast_in_dim3A_75 : f32 to vector<16xf32>
      %swap3A_77 = arith.index_cast %scan3A_40 : i32 to index
      %swap3A_78 = arith.constant 112 : index
      %swap3A_79 = tpu.vector_load %arg12[%swap3A_77, %swap3A_78] {strides = array<i32>} : memref<128x128xf32, #tpu.memory_space<vmem>>, vector<16xf32>,
      tpu.vector_store %arg12[%swap3A_77, %swap3A_78], %broadcast_in_dim3A_76 {strides = array<i32>} : memref<128x128xf32, #tpu.memory_space<vmem>>, vector<16xf32>,
    }
    %scan3A_14 = arith.constant 128 : i32
    %scan3A_15 = arith.constant 0 : i32
    %scan3A_16 = arith.constant 0 : i32
    %scan3A_17 = arith.constant 64 : i32
    %scan3A_18 = arith.addi %scan3A_16, %scan3A_17 : i32
    %scan3A_19 = arith.constant 1 : i32
    scf.for %scan3A_40 = %scan3A_16 to %scan3A_18 step %scan3A_19  : i32 {
      %mul3A_41 = arith.constant 2 : i32
      %mul3A_42 = arith.muli %mul3A_41, %scan3A_40 : i32
      %broadcast_in_dim3A_43 = vector.broadcast %mul3A_42 : i32 to vector<16xi32>
      %add3A_44 = arith.addi %broadcast_in_dim3A_43, %select_n3A : vector<16xi32>
      %broadcast_in_dim3A_45 = arith.constant 0.000000e+00 : f32
      %broadcast_in_dim3A_46 = vector.broadcast %broadcast_in_dim3A_45 : f32 to vector<16xf32>
      tpu.vector_store_idx %arg15[%add3A_44, %and3A_9], %broadcast_in_dim3A_46 : memref<128x8xf32, #tpu.memory_space<vmem>>[vector<16xi32>, vector<16xi32>], vector<16xf32>,
    }
    %scan3A_20 = arith.constant 64 : i32
    %scan3A_21 = arith.constant 0 : i32
    %scan3A_22 = arith.constant 0 : i32
    %scan3A_23 = arith.constant 5 : i32
    %scan3A_24 = arith.addi %scan3A_22, %scan3A_23 : i32
    %scan3A_25 = arith.constant 1 : i32
    scf.for %scan3A_40 = %scan3A_22 to %scan3A_24 step %scan3A_25  : i32 {
      %mul3A_41 = arith.constant 640 : i32
      %mul3A_42 = arith.muli %arg1, %mul3A_41 : i32
      %mul3A_43 = arith.constant 128 : i32
      %mul3A_44 = arith.muli %scan3A_40, %mul3A_43 : i32
      %add3A_45 = arith.addi %mul3A_42, %mul3A_44 : i32
      "tpu.region"() ({
        %run_scoped3A = tpu.sem_alloc : memref<!tpu.dma_semaphore, #tpu.memory_space<semaphore_mem>>
        %dma_start3A = arith.constant 0 : i32
        %dma_start3A_46 = tpu.memref_slice %arg17[%add3A_45, %dma_start3A] : memref<10240x128xf32, #tpu.memory_space<vmem_shared>> -> memref<128x128xf32, #tpu.memory_space<vmem_shared>>
        %dma_start3A_47 = arith.constant 0 : i32
        %dma_start3A_48 = tpu.memref_slice %arg17[%add3A_45, %dma_start3A_47] : memref<10240x128xf32, #tpu.memory_space<vmem_shared>> -> memref<128x128xf32, #tpu.memory_space<vmem_shared>>
        tpu.enqueue_dma source(%arg12 : memref<128x128xf32, #tpu.memory_space<vmem>>) target(%dma_start3A_48 : memref<128x128xf32, #tpu.memory_space<vmem_shared>>) target_semaphore(%run_scoped3A : memref<!tpu.dma_semaphore, #tpu.memory_space<semaphore_mem>>)
        %dma_wait3A = arith.constant 0 : i32
        %dma_wait3A_49 = tpu.memref_slice %arg17[%add3A_45, %dma_wait3A] : memref<10240x128xf32, #tpu.memory_space<vmem_shared>> -> memref<128x128xf32, #tpu.memory_space<vmem_shared>>
        %dma_wait3A_50 = arith.constant 0 : i32
        %dma_wait3A_51 = tpu.memref_slice %arg17[%add3A_45, %dma_wait3A_50] : memref<10240x128xf32, #tpu.memory_space<vmem_shared>> -> memref<128x128xf32, #tpu.memory_space<vmem_shared>>
        tpu.wait_dma2 semaphore(%run_scoped3A : memref<!tpu.dma_semaphore, #tpu.memory_space<semaphore_mem>>) src(%arg12 : memref<128x128xf32, #tpu.memory_space<vmem>>) dst(%dma_wait3A_51 : memref<128x128xf32, #tpu.memory_space<vmem_shared>>)
        tpu.yield
      }) : () -> ()
      "tpu.region"() ({
        %run_scoped3A = tpu.sem_alloc : memref<!tpu.dma_semaphore, #tpu.memory_space<semaphore_mem>>
        %dma_start3A = arith.constant 0 : i32
        %dma_start3A_46 = tpu.memref_slice %arg18[%add3A_45, %dma_start3A] : memref<10240x8xf32, #tpu.memory_space<vmem_shared>> -> memref<128x8xf32, #tpu.memory_space<vmem_shared>>
        %dma_start3A_47 = arith.constant 0 : i32
        %dma_start3A_48 = tpu.memref_slice %arg18[%add3A_45, %dma_start3A_47] : memref<10240x8xf32, #tpu.memory_space<vmem_shared>> -> memref<128x8xf32, #tpu.memory_space<vmem_shared>>
        tpu.enqueue_dma source(%arg15 : memref<128x8xf32, #tpu.memory_space<vmem>>) target(%dma_start3A_48 : memref<128x8xf32, #tpu.memory_space<vmem_shared>>) target_semaphore(%run_scoped3A : memref<!tpu.dma_semaphore, #tpu.memory_space<semaphore_mem>>)
        %dma_wait3A = arith.constant 0 : i32
        %dma_wait3A_49 = tpu.memref_slice %arg18[%add3A_45, %dma_wait3A] : memref<10240x8xf32, #tpu.memory_space<vmem_shared>> -> memref<128x8xf32, #tpu.memory_space<vmem_shared>>
        %dma_wait3A_50 = arith.constant 0 : i32
        %dma_wait3A_51 = tpu.memref_slice %arg18[%add3A_45, %dma_wait3A_50] : memref<10240x8xf32, #tpu.memory_space<vmem_shared>> -> memref<128x8xf32, #tpu.memory_space<vmem_shared>>
        tpu.wait_dma2 semaphore(%run_scoped3A : memref<!tpu.dma_semaphore, #tpu.memory_space<semaphore_mem>>) src(%arg15 : memref<128x8xf32, #tpu.memory_space<vmem>>) dst(%dma_wait3A_51 : memref<128x8xf32, #tpu.memory_space<vmem_shared>>)
        tpu.yield
      }) : () -> ()
    }
    %scan3A_26 = arith.constant 5 : i32
    %barrier3A = arith.constant 0 : index
    tpu.barrier barrier_id(%barrier3A)
    %scan3A_27 = arith.constant 0 : i32
    %scan3A_28 = arith.constant 0 : i32
    %scan3A_29 = arith.constant 81 : i32
    %scan3A_30 = arith.addi %scan3A_28, %scan3A_29 : i32
    %scan3A_31 = arith.constant 1 : i32
    scf.for %scan3A_40 = %scan3A_28 to %scan3A_30 step %scan3A_31  : i32 {
      %dma_start3A = arith.constant 0 : i32
      %dma_start3A_41 = tpu.memref_slice %arg10[%scan3A_40, %dma_start3A] : memref<81x128xi32, #tpu.memory_space<vmem>> -> memref<1x128xi32, #tpu.memory_space<vmem>>
      %dma_start3A_42 = tpu.memref_squeeze %dma_start3A_41 : memref<1x128xi32, #tpu.memory_space<vmem>> -> memref<128xi32, #tpu.memory_space<vmem>>
      %dma_start3A_43 = arith.constant 0 : i32
      %dma_start3A_44 = arith.constant 0 : i32
      %dma_start3A_45 = tpu.memref_slice %arg2[%dma_start3A_43, %dma_start3A_44] : memref<10240x128xf32, #tpu.memory_space<hbm>> -> memref<10240x128xf32, #tpu.memory_space<hbm>>
      tpu.enqueue_indirect_dma source(%dma_start3A_45 : memref<10240x128xf32, #tpu.memory_space<hbm>>) target(%arg12 : memref<128x128xf32, #tpu.memory_space<vmem>>) offsets(%dma_start3A_42 : memref<128xi32, #tpu.memory_space<vmem>>) semaphore(%arg19 : memref<!tpu.dma_semaphore, #tpu.memory_space<semaphore_mem>>)
      %dma_start3A_46 = arith.constant 0 : i32
      %dma_start3A_47 = tpu.memref_slice %arg10[%scan3A_40, %dma_start3A_46] : memref<81x128xi32, #tpu.memory_space<vmem>> -> memref<1x128xi32, #tpu.memory_space<vmem>>
      %dma_start3A_48 = tpu.memref_squeeze %dma_start3A_47 : memref<1x128xi32, #tpu.memory_space<vmem>> -> memref<128xi32, #tpu.memory_space<vmem>>
      %dma_start3A_49 = arith.constant 0 : i32
      %dma_start3A_50 = arith.constant 0 : i32
      %dma_start3A_51 = tpu.memref_slice %arg3[%dma_start3A_49, %dma_start3A_50] : memref<10240x8xf32, #tpu.memory_space<hbm>> -> memref<10240x8xf32, #tpu.memory_space<hbm>>
      tpu.enqueue_indirect_dma source(%dma_start3A_51 : memref<10240x8xf32, #tpu.memory_space<hbm>>) target(%arg13 : memref<128x8xf32, #tpu.memory_space<vmem>>) offsets(%dma_start3A_48 : memref<128xi32, #tpu.memory_space<vmem>>) semaphore(%arg20 : memref<!tpu.dma_semaphore, #tpu.memory_space<semaphore_mem>>)
      %dma_start3A_52 = arith.constant 0 : i32
      %dma_start3A_53 = tpu.memref_slice %arg11[%scan3A_40, %dma_start3A_52] : memref<81x128xi32, #tpu.memory_space<vmem>> -> memref<1x128xi32, #tpu.memory_space<vmem>>
      %dma_start3A_54 = tpu.memref_squeeze %dma_start3A_53 : memref<1x128xi32, #tpu.memory_space<vmem>> -> memref<128xi32, #tpu.memory_space<vmem>>
      %dma_start3A_55 = arith.constant 0 : i32
      %dma_start3A_56 = arith.constant 0 : i32
      %dma_start3A_57 = tpu.memref_slice %arg4[%dma_start3A_55, %dma_start3A_56] : memref<10240x8xf32, #tpu.memory_space<hbm>> -> memref<10240x8xf32, #tpu.memory_space<hbm>>
      tpu.enqueue_indirect_dma source(%dma_start3A_57 : memref<10240x8xf32, #tpu.memory_space<hbm>>) target(%arg14 : memref<128x8xf32, #tpu.memory_space<vmem>>) offsets(%dma_start3A_54 : memref<128xi32, #tpu.memory_space<vmem>>) semaphore(%arg21 : memref<!tpu.dma_semaphore, #tpu.memory_space<semaphore_mem>>)
      %dma_wait3A = arith.constant 0 : i32
      %dma_wait3A_58 = tpu.memref_slice %arg10[%scan3A_40, %dma_wait3A] : memref<81x128xi32, #tpu.memory_space<vmem>> -> memref<1x128xi32, #tpu.memory_space<vmem>>
      %dma_wait3A_59 = tpu.memref_squeeze %dma_wait3A_58 : memref<1x128xi32, #tpu.memory_space<vmem>> -> memref<128xi32, #tpu.memory_space<vmem>>
      %dma_wait3A_60 = arith.constant 0 : i32
      %dma_wait3A_61 = arith.constant 0 : i32
      %dma_wait3A_62 = tpu.memref_slice %arg3[%dma_wait3A_60, %dma_wait3A_61] : memref<10240x8xf32, #tpu.memory_space<hbm>> -> memref<10240x8xf32, #tpu.memory_space<hbm>>
      tpu.wait_indirect_dma semaphore(%arg20 : memref<!tpu.dma_semaphore, #tpu.memory_space<semaphore_mem>>) src(%dma_wait3A_62 : memref<10240x8xf32, #tpu.memory_space<hbm>>) dst(%arg13 : memref<128x8xf32, #tpu.memory_space<vmem>>)
      %dma_wait3A_63 = arith.constant 0 : i32
      %dma_wait3A_64 = tpu.memref_slice %arg11[%scan3A_40, %dma_wait3A_63] : memref<81x128xi32, #tpu.memory_space<vmem>> -> memref<1x128xi32, #tpu.memory_space<vmem>>
      %dma_wait3A_65 = tpu.memref_squeeze %dma_wait3A_64 : memref<1x128xi32, #tpu.memory_space<vmem>> -> memref<128xi32, #tpu.memory_space<vmem>>
      %dma_wait3A_66 = arith.constant 0 : i32
      %dma_wait3A_67 = arith.constant 0 : i32
      %dma_wait3A_68 = tpu.memref_slice %arg4[%dma_wait3A_66, %dma_wait3A_67] : memref<10240x8xf32, #tpu.memory_space<hbm>> -> memref<10240x8xf32, #tpu.memory_space<hbm>>
      tpu.wait_indirect_dma semaphore(%arg21 : memref<!tpu.dma_semaphore, #tpu.memory_space<semaphore_mem>>) src(%dma_wait3A_68 : memref<10240x8xf32, #tpu.memory_space<hbm>>) dst(%arg14 : memref<128x8xf32, #tpu.memory_space<vmem>>)
      %dma_wait3A_69 = arith.constant 0 : i32
      %dma_wait3A_70 = tpu.memref_slice %arg10[%scan3A_40, %dma_wait3A_69] : memref<81x128xi32, #tpu.memory_space<vmem>> -> memref<1x128xi32, #tpu.memory_space<vmem>>
      %dma_wait3A_71 = tpu.memref_squeeze %dma_wait3A_70 : memref<1x128xi32, #tpu.memory_space<vmem>> -> memref<128xi32, #tpu.memory_space<vmem>>
      %dma_wait3A_72 = arith.constant 0 : i32
      %dma_wait3A_73 = arith.constant 0 : i32
      %dma_wait3A_74 = tpu.memref_slice %arg2[%dma_wait3A_72, %dma_wait3A_73] : memref<10240x128xf32, #tpu.memory_space<hbm>> -> memref<10240x128xf32, #tpu.memory_space<hbm>>
      tpu.wait_indirect_dma semaphore(%arg19 : memref<!tpu.dma_semaphore, #tpu.memory_space<semaphore_mem>>) src(%dma_wait3A_74 : memref<10240x128xf32, #tpu.memory_space<hbm>>) dst(%arg12 : memref<128x128xf32, #tpu.memory_space<vmem>>)
      %scan3A_75 = arith.constant 0 : i32
      %scan3A_76 = arith.constant 0 : i32
      %scan3A_77 = arith.constant 64 : i32
      %scan3A_78 = arith.addi %scan3A_76, %scan3A_77 : i32
      %scan3A_79 = arith.constant 1 : i32
      scf.for %scan3A_81 = %scan3A_76 to %scan3A_78 step %scan3A_79  : i32 {
        %mul3A_82 = arith.constant 2 : i32
        %mul3A_83 = arith.muli %mul3A_82, %scan3A_81 : i32
        %broadcast_in_dim3A_84 = vector.broadcast %mul3A_83 : i32 to vector<16xi32>
        %add3A_85 = arith.addi %broadcast_in_dim3A_84, %select_n3A : vector<16xi32>
        %gather3A = tpu.vector_load_idx %arg13[%add3A_85, %and3A_9] : memref<128x8xf32, #tpu.memory_space<vmem>>[vector<16xi32>, vector<16xi32>], vector<16xf32>,
        %gather3A_86 = tpu.vector_load_idx %arg14[%add3A_85, %and3A_9] : memref<128x8xf32, #tpu.memory_space<vmem>>[vector<16xi32>, vector<16xi32>], vector<16xf32>,
        %add3A_87 = arith.addf %gather3A, %gather3A_86 : vector<16xf32>
        %mul3A_88 = arith.constant 2.000000e-01 : f32
        %mul3A_89 = vector.broadcast %mul3A_88 : f32 to vector<16xf32>
        %mul3A_90 = arith.mulf %mul3A_89, %add3A_87 : vector<16xf32>
        %max3A = arith.maximumf %add3A_87, %mul3A_90 : vector<16xf32>
        %sub3A = arith.subf %max3A, %get3A_3 : vector<16xf32>
        %exp3A = math.exp %sub3A : vector<16xf32>
        tpu.vector_store_idx %arg15[%add3A_85, %and3A_9], %exp3A : memref<128x8xf32, #tpu.memory_space<vmem>>[vector<16xi32>, vector<16xi32>], vector<16xf32>,
        %slice3A = vector.extract_strided_slice %exp3A {offsets = [0], sizes = [1], strides = [1]} : vector<16xf32> to vector<1xf32>
        %squeeze3A = vector.extract %slice3A[0] : f32 from vector<1xf32>
        %broadcast_in_dim3A_91 = vector.broadcast %squeeze3A : f32 to vector<16xf32>
        %get3A_92 = arith.index_cast %mul3A_83 : i32 to index
        %get3A_93 = arith.constant 0 : index
        %get3A_94 = tpu.vector_load %arg12[%get3A_92, %get3A_93] {strides = array<i32>} : memref<128x128xf32, #tpu.memory_space<vmem>>, vector<16xf32>,
        %mul3A_95 = arith.mulf %get3A_94, %broadcast_in_dim3A_91 : vector<16xf32>
        %swap3A = arith.index_cast %mul3A_83 : i32 to index
        %swap3A_96 = arith.constant 0 : index
        %swap3A_97 = tpu.vector_load %arg12[%swap3A, %swap3A_96] {strides = array<i32>} : memref<128x128xf32, #tpu.memory_space<vmem>>, vector<16xf32>,
        tpu.vector_store %arg12[%swap3A, %swap3A_96], %mul3A_95 {strides = array<i32>} : memref<128x128xf32, #tpu.memory_space<vmem>>, vector<16xf32>,
        %slice3A_98 = vector.extract_strided_slice %exp3A {offsets = [1], sizes = [1], strides = [1]} : vector<16xf32> to vector<1xf32>
        %squeeze3A_99 = vector.extract %slice3A_98[0] : f32 from vector<1xf32>
        %broadcast_in_dim3A_100 = vector.broadcast %squeeze3A_99 : f32 to vector<16xf32>
        %get3A_101 = arith.index_cast %mul3A_83 : i32 to index
        %get3A_102 = arith.constant 16 : index
        %get3A_103 = tpu.vector_load %arg12[%get3A_101, %get3A_102] {strides = array<i32>} : memref<128x128xf32, #tpu.memory_space<vmem>>, vector<16xf32>,
        %mul3A_104 = arith.mulf %get3A_103, %broadcast_in_dim3A_100 : vector<16xf32>
        %swap3A_105 = arith.index_cast %mul3A_83 : i32 to index
        %swap3A_106 = arith.constant 16 : index
        %swap3A_107 = tpu.vector_load %arg12[%swap3A_105, %swap3A_106] {strides = array<i32>} : memref<128x128xf32, #tpu.memory_space<vmem>>, vector<16xf32>,
        tpu.vector_store %arg12[%swap3A_105, %swap3A_106], %mul3A_104 {strides = array<i32>} : memref<128x128xf32, #tpu.memory_space<vmem>>, vector<16xf32>,
        %slice3A_108 = vector.extract_strided_slice %exp3A {offsets = [2], sizes = [1], strides = [1]} : vector<16xf32> to vector<1xf32>
        %squeeze3A_109 = vector.extract %slice3A_108[0] : f32 from vector<1xf32>
        %broadcast_in_dim3A_110 = vector.broadcast %squeeze3A_109 : f32 to vector<16xf32>
        %get3A_111 = arith.index_cast %mul3A_83 : i32 to index
        %get3A_112 = arith.constant 32 : index
        %get3A_113 = tpu.vector_load %arg12[%get3A_111, %get3A_112] {strides = array<i32>} : memref<128x128xf32, #tpu.memory_space<vmem>>, vector<16xf32>,
        %mul3A_114 = arith.mulf %get3A_113, %broadcast_in_dim3A_110 : vector<16xf32>
        %swap3A_115 = arith.index_cast %mul3A_83 : i32 to index
        %swap3A_116 = arith.constant 32 : index
        %swap3A_117 = tpu.vector_load %arg12[%swap3A_115, %swap3A_116] {strides = array<i32>} : memref<128x128xf32, #tpu.memory_space<vmem>>, vector<16xf32>,
        tpu.vector_store %arg12[%swap3A_115, %swap3A_116], %mul3A_114 {strides = array<i32>} : memref<128x128xf32, #tpu.memory_space<vmem>>, vector<16xf32>,
        %slice3A_118 = vector.extract_strided_slice %exp3A {offsets = [3], sizes = [1], strides = [1]} : vector<16xf32> to vector<1xf32>
        %squeeze3A_119 = vector.extract %slice3A_118[0] : f32 from vector<1xf32>
        %broadcast_in_dim3A_120 = vector.broadcast %squeeze3A_119 : f32 to vector<16xf32>
        %get3A_121 = arith.index_cast %mul3A_83 : i32 to index
        %get3A_122 = arith.constant 48 : index
        %get3A_123 = tpu.vector_load %arg12[%get3A_121, %get3A_122] {strides = array<i32>} : memref<128x128xf32, #tpu.memory_space<vmem>>, vector<16xf32>,
        %mul3A_124 = arith.mulf %get3A_123, %broadcast_in_dim3A_120 : vector<16xf32>
        %swap3A_125 = arith.index_cast %mul3A_83 : i32 to index
        %swap3A_126 = arith.constant 48 : index
        %swap3A_127 = tpu.vector_load %arg12[%swap3A_125, %swap3A_126] {strides = array<i32>} : memref<128x128xf32, #tpu.memory_space<vmem>>, vector<16xf32>,
        tpu.vector_store %arg12[%swap3A_125, %swap3A_126], %mul3A_124 {strides = array<i32>} : memref<128x128xf32, #tpu.memory_space<vmem>>, vector<16xf32>,
        %slice3A_128 = vector.extract_strided_slice %exp3A {offsets = [4], sizes = [1], strides = [1]} : vector<16xf32> to vector<1xf32>
        %squeeze3A_129 = vector.extract %slice3A_128[0] : f32 from vector<1xf32>
        %broadcast_in_dim3A_130 = vector.broadcast %squeeze3A_129 : f32 to vector<16xf32>
        %get3A_131 = arith.index_cast %mul3A_83 : i32 to index
        %get3A_132 = arith.constant 64 : index
        %get3A_133 = tpu.vector_load %arg12[%get3A_131, %get3A_132] {strides = array<i32>} : memref<128x128xf32, #tpu.memory_space<vmem>>, vector<16xf32>,
        %mul3A_134 = arith.mulf %get3A_133, %broadcast_in_dim3A_130 : vector<16xf32>
        %swap3A_135 = arith.index_cast %mul3A_83 : i32 to index
        %swap3A_136 = arith.constant 64 : index
        %swap3A_137 = tpu.vector_load %arg12[%swap3A_135, %swap3A_136] {strides = array<i32>} : memref<128x128xf32, #tpu.memory_space<vmem>>, vector<16xf32>,
        tpu.vector_store %arg12[%swap3A_135, %swap3A_136], %mul3A_134 {strides = array<i32>} : memref<128x128xf32, #tpu.memory_space<vmem>>, vector<16xf32>,
        %slice3A_138 = vector.extract_strided_slice %exp3A {offsets = [5], sizes = [1], strides = [1]} : vector<16xf32> to vector<1xf32>
        %squeeze3A_139 = vector.extract %slice3A_138[0] : f32 from vector<1xf32>
        %broadcast_in_dim3A_140 = vector.broadcast %squeeze3A_139 : f32 to vector<16xf32>
        %get3A_141 = arith.index_cast %mul3A_83 : i32 to index
        %get3A_142 = arith.constant 80 : index
        %get3A_143 = tpu.vector_load %arg12[%get3A_141, %get3A_142] {strides = array<i32>} : memref<128x128xf32, #tpu.memory_space<vmem>>, vector<16xf32>,
        %mul3A_144 = arith.mulf %get3A_143, %broadcast_in_dim3A_140 : vector<16xf32>
        %swap3A_145 = arith.index_cast %mul3A_83 : i32 to index
        %swap3A_146 = arith.constant 80 : index
        %swap3A_147 = tpu.vector_load %arg12[%swap3A_145, %swap3A_146] {strides = array<i32>} : memref<128x128xf32, #tpu.memory_space<vmem>>, vector<16xf32>,
        tpu.vector_store %arg12[%swap3A_145, %swap3A_146], %mul3A_144 {strides = array<i32>} : memref<128x128xf32, #tpu.memory_space<vmem>>, vector<16xf32>,
        %slice3A_148 = vector.extract_strided_slice %exp3A {offsets = [6], sizes = [1], strides = [1]} : vector<16xf32> to vector<1xf32>
        %squeeze3A_149 = vector.extract %slice3A_148[0] : f32 from vector<1xf32>
        %broadcast_in_dim3A_150 = vector.broadcast %squeeze3A_149 : f32 to vector<16xf32>
        %get3A_151 = arith.index_cast %mul3A_83 : i32 to index
        %get3A_152 = arith.constant 96 : index
        %get3A_153 = tpu.vector_load %arg12[%get3A_151, %get3A_152] {strides = array<i32>} : memref<128x128xf32, #tpu.memory_space<vmem>>, vector<16xf32>,
        %mul3A_154 = arith.mulf %get3A_153, %broadcast_in_dim3A_150 : vector<16xf32>
        %swap3A_155 = arith.index_cast %mul3A_83 : i32 to index
        %swap3A_156 = arith.constant 96 : index
        %swap3A_157 = tpu.vector_load %arg12[%swap3A_155, %swap3A_156] {strides = array<i32>} : memref<128x128xf32, #tpu.memory_space<vmem>>, vector<16xf32>,
        tpu.vector_store %arg12[%swap3A_155, %swap3A_156], %mul3A_154 {strides = array<i32>} : memref<128x128xf32, #tpu.memory_space<vmem>>, vector<16xf32>,
        %slice3A_158 = vector.extract_strided_slice %exp3A {offsets = [7], sizes = [1], strides = [1]} : vector<16xf32> to vector<1xf32>
        %squeeze3A_159 = vector.extract %slice3A_158[0] : f32 from vector<1xf32>
        %broadcast_in_dim3A_160 = vector.broadcast %squeeze3A_159 : f32 to vector<16xf32>
        %get3A_161 = arith.index_cast %mul3A_83 : i32 to index
        %get3A_162 = arith.constant 112 : index
        %get3A_163 = tpu.vector_load %arg12[%get3A_161, %get3A_162] {strides = array<i32>} : memref<128x128xf32, #tpu.memory_space<vmem>>, vector<16xf32>,
        %mul3A_164 = arith.mulf %get3A_163, %broadcast_in_dim3A_160 : vector<16xf32>
        %swap3A_165 = arith.index_cast %mul3A_83 : i32 to index
        %swap3A_166 = arith.constant 112 : index
        %swap3A_167 = tpu.vector_load %arg12[%swap3A_165, %swap3A_166] {strides = array<i32>} : memref<128x128xf32, #tpu.memory_space<vmem>>, vector<16xf32>,
        tpu.vector_store %arg12[%swap3A_165, %swap3A_166], %mul3A_164 {strides = array<i32>} : memref<128x128xf32, #tpu.memory_space<vmem>>, vector<16xf32>,
        %slice3A_168 = vector.extract_strided_slice %exp3A {offsets = [8], sizes = [1], strides = [1]} : vector<16xf32> to vector<1xf32>
        %squeeze3A_169 = vector.extract %slice3A_168[0] : f32 from vector<1xf32>
        %broadcast_in_dim3A_170 = vector.broadcast %squeeze3A_169 : f32 to vector<16xf32>
        %add3A_171 = arith.constant 1 : i32
        %add3A_172 = arith.addi %mul3A_83, %add3A_171 : i32
        %get3A_173 = arith.index_cast %add3A_172 : i32 to index
        %get3A_174 = arith.constant 0 : index
        %get3A_175 = tpu.vector_load %arg12[%get3A_173, %get3A_174] {strides = array<i32>} : memref<128x128xf32, #tpu.memory_space<vmem>>, vector<16xf32>,
        %mul3A_176 = arith.mulf %get3A_175, %broadcast_in_dim3A_170 : vector<16xf32>
        %add3A_177 = arith.constant 1 : i32
        %add3A_178 = arith.addi %mul3A_83, %add3A_177 : i32
        %swap3A_179 = arith.index_cast %add3A_178 : i32 to index
        %swap3A_180 = arith.constant 0 : index
        %swap3A_181 = tpu.vector_load %arg12[%swap3A_179, %swap3A_180] {strides = array<i32>} : memref<128x128xf32, #tpu.memory_space<vmem>>, vector<16xf32>,
        tpu.vector_store %arg12[%swap3A_179, %swap3A_180], %mul3A_176 {strides = array<i32>} : memref<128x128xf32, #tpu.memory_space<vmem>>, vector<16xf32>,
        %slice3A_182 = vector.extract_strided_slice %exp3A {offsets = [9], sizes = [1], strides = [1]} : vector<16xf32> to vector<1xf32>
        %squeeze3A_183 = vector.extract %slice3A_182[0] : f32 from vector<1xf32>
        %broadcast_in_dim3A_184 = vector.broadcast %squeeze3A_183 : f32 to vector<16xf32>
        %add3A_185 = arith.constant 1 : i32
        %add3A_186 = arith.addi %mul3A_83, %add3A_185 : i32
        %get3A_187 = arith.index_cast %add3A_186 : i32 to index
        %get3A_188 = arith.constant 16 : index
        %get3A_189 = tpu.vector_load %arg12[%get3A_187, %get3A_188] {strides = array<i32>} : memref<128x128xf32, #tpu.memory_space<vmem>>, vector<16xf32>,
        %mul3A_190 = arith.mulf %get3A_189, %broadcast_in_dim3A_184 : vector<16xf32>
        %add3A_191 = arith.constant 1 : i32
        %add3A_192 = arith.addi %mul3A_83, %add3A_191 : i32
        %swap3A_193 = arith.index_cast %add3A_192 : i32 to index
        %swap3A_194 = arith.constant 16 : index
        %swap3A_195 = tpu.vector_load %arg12[%swap3A_193, %swap3A_194] {strides = array<i32>} : memref<128x128xf32, #tpu.memory_space<vmem>>, vector<16xf32>,
        tpu.vector_store %arg12[%swap3A_193, %swap3A_194], %mul3A_190 {strides = array<i32>} : memref<128x128xf32, #tpu.memory_space<vmem>>, vector<16xf32>,
        %slice3A_196 = vector.extract_strided_slice %exp3A {offsets = [10], sizes = [1], strides = [1]} : vector<16xf32> to vector<1xf32>
        %squeeze3A_197 = vector.extract %slice3A_196[0] : f32 from vector<1xf32>
        %broadcast_in_dim3A_198 = vector.broadcast %squeeze3A_197 : f32 to vector<16xf32>
        %add3A_199 = arith.constant 1 : i32
        %add3A_200 = arith.addi %mul3A_83, %add3A_199 : i32
        %get3A_201 = arith.index_cast %add3A_200 : i32 to index
        %get3A_202 = arith.constant 32 : index
        %get3A_203 = tpu.vector_load %arg12[%get3A_201, %get3A_202] {strides = array<i32>} : memref<128x128xf32, #tpu.memory_space<vmem>>, vector<16xf32>,
        %mul3A_204 = arith.mulf %get3A_203, %broadcast_in_dim3A_198 : vector<16xf32>
        %add3A_205 = arith.constant 1 : i32
        %add3A_206 = arith.addi %mul3A_83, %add3A_205 : i32
        %swap3A_207 = arith.index_cast %add3A_206 : i32 to index
        %swap3A_208 = arith.constant 32 : index
        %swap3A_209 = tpu.vector_load %arg12[%swap3A_207, %swap3A_208] {strides = array<i32>} : memref<128x128xf32, #tpu.memory_space<vmem>>, vector<16xf32>,
        tpu.vector_store %arg12[%swap3A_207, %swap3A_208], %mul3A_204 {strides = array<i32>} : memref<128x128xf32, #tpu.memory_space<vmem>>, vector<16xf32>,
        %slice3A_210 = vector.extract_strided_slice %exp3A {offsets = [11], sizes = [1], strides = [1]} : vector<16xf32> to vector<1xf32>
        %squeeze3A_211 = vector.extract %slice3A_210[0] : f32 from vector<1xf32>
        %broadcast_in_dim3A_212 = vector.broadcast %squeeze3A_211 : f32 to vector<16xf32>
        %add3A_213 = arith.constant 1 : i32
        %add3A_214 = arith.addi %mul3A_83, %add3A_213 : i32
        %get3A_215 = arith.index_cast %add3A_214 : i32 to index
        %get3A_216 = arith.constant 48 : index
        %get3A_217 = tpu.vector_load %arg12[%get3A_215, %get3A_216] {strides = array<i32>} : memref<128x128xf32, #tpu.memory_space<vmem>>, vector<16xf32>,
        %mul3A_218 = arith.mulf %get3A_217, %broadcast_in_dim3A_212 : vector<16xf32>
        %add3A_219 = arith.constant 1 : i32
        %add3A_220 = arith.addi %mul3A_83, %add3A_219 : i32
        %swap3A_221 = arith.index_cast %add3A_220 : i32 to index
        %swap3A_222 = arith.constant 48 : index
        %swap3A_223 = tpu.vector_load %arg12[%swap3A_221, %swap3A_222] {strides = array<i32>} : memref<128x128xf32, #tpu.memory_space<vmem>>, vector<16xf32>,
        tpu.vector_store %arg12[%swap3A_221, %swap3A_222], %mul3A_218 {strides = array<i32>} : memref<128x128xf32, #tpu.memory_space<vmem>>, vector<16xf32>,
        %slice3A_224 = vector.extract_strided_slice %exp3A {offsets = [12], sizes = [1], strides = [1]} : vector<16xf32> to vector<1xf32>
        %squeeze3A_225 = vector.extract %slice3A_224[0] : f32 from vector<1xf32>
        %broadcast_in_dim3A_226 = vector.broadcast %squeeze3A_225 : f32 to vector<16xf32>
        %add3A_227 = arith.constant 1 : i32
        %add3A_228 = arith.addi %mul3A_83, %add3A_227 : i32
        %get3A_229 = arith.index_cast %add3A_228 : i32 to index
        %get3A_230 = arith.constant 64 : index
        %get3A_231 = tpu.vector_load %arg12[%get3A_229, %get3A_230] {strides = array<i32>} : memref<128x128xf32, #tpu.memory_space<vmem>>, vector<16xf32>,
        %mul3A_232 = arith.mulf %get3A_231, %broadcast_in_dim3A_226 : vector<16xf32>
        %add3A_233 = arith.constant 1 : i32
        %add3A_234 = arith.addi %mul3A_83, %add3A_233 : i32
        %swap3A_235 = arith.index_cast %add3A_234 : i32 to index
        %swap3A_236 = arith.constant 64 : index
        %swap3A_237 = tpu.vector_load %arg12[%swap3A_235, %swap3A_236] {strides = array<i32>} : memref<128x128xf32, #tpu.memory_space<vmem>>, vector<16xf32>,
        tpu.vector_store %arg12[%swap3A_235, %swap3A_236], %mul3A_232 {strides = array<i32>} : memref<128x128xf32, #tpu.memory_space<vmem>>, vector<16xf32>,
        %slice3A_238 = vector.extract_strided_slice %exp3A {offsets = [13], sizes = [1], strides = [1]} : vector<16xf32> to vector<1xf32>
        %squeeze3A_239 = vector.extract %slice3A_238[0] : f32 from vector<1xf32>
        %broadcast_in_dim3A_240 = vector.broadcast %squeeze3A_239 : f32 to vector<16xf32>
        %add3A_241 = arith.constant 1 : i32
        %add3A_242 = arith.addi %mul3A_83, %add3A_241 : i32
        %get3A_243 = arith.index_cast %add3A_242 : i32 to index
        %get3A_244 = arith.constant 80 : index
        %get3A_245 = tpu.vector_load %arg12[%get3A_243, %get3A_244] {strides = array<i32>} : memref<128x128xf32, #tpu.memory_space<vmem>>, vector<16xf32>,
        %mul3A_246 = arith.mulf %get3A_245, %broadcast_in_dim3A_240 : vector<16xf32>
        %add3A_247 = arith.constant 1 : i32
        %add3A_248 = arith.addi %mul3A_83, %add3A_247 : i32
        %swap3A_249 = arith.index_cast %add3A_248 : i32 to index
        %swap3A_250 = arith.constant 80 : index
        %swap3A_251 = tpu.vector_load %arg12[%swap3A_249, %swap3A_250] {strides = array<i32>} : memref<128x128xf32, #tpu.memory_space<vmem>>, vector<16xf32>,
        tpu.vector_store %arg12[%swap3A_249, %swap3A_250], %mul3A_246 {strides = array<i32>} : memref<128x128xf32, #tpu.memory_space<vmem>>, vector<16xf32>,
        %slice3A_252 = vector.extract_strided_slice %exp3A {offsets = [14], sizes = [1], strides = [1]} : vector<16xf32> to vector<1xf32>
        %squeeze3A_253 = vector.extract %slice3A_252[0] : f32 from vector<1xf32>
        %broadcast_in_dim3A_254 = vector.broadcast %squeeze3A_253 : f32 to vector<16xf32>
        %add3A_255 = arith.constant 1 : i32
        %add3A_256 = arith.addi %mul3A_83, %add3A_255 : i32
        %get3A_257 = arith.index_cast %add3A_256 : i32 to index
        %get3A_258 = arith.constant 96 : index
        %get3A_259 = tpu.vector_load %arg12[%get3A_257, %get3A_258] {strides = array<i32>} : memref<128x128xf32, #tpu.memory_space<vmem>>, vector<16xf32>,
        %mul3A_260 = arith.mulf %get3A_259, %broadcast_in_dim3A_254 : vector<16xf32>
        %add3A_261 = arith.constant 1 : i32
        %add3A_262 = arith.addi %mul3A_83, %add3A_261 : i32
        %swap3A_263 = arith.index_cast %add3A_262 : i32 to index
        %swap3A_264 = arith.constant 96 : index
        %swap3A_265 = tpu.vector_load %arg12[%swap3A_263, %swap3A_264] {strides = array<i32>} : memref<128x128xf32, #tpu.memory_space<vmem>>, vector<16xf32>,
        tpu.vector_store %arg12[%swap3A_263, %swap3A_264], %mul3A_260 {strides = array<i32>} : memref<128x128xf32, #tpu.memory_space<vmem>>, vector<16xf32>,
        %slice3A_266 = vector.extract_strided_slice %exp3A {offsets = [15], sizes = [1], strides = [1]} : vector<16xf32> to vector<1xf32>
        %squeeze3A_267 = vector.extract %slice3A_266[0] : f32 from vector<1xf32>
        %broadcast_in_dim3A_268 = vector.broadcast %squeeze3A_267 : f32 to vector<16xf32>
        %add3A_269 = arith.constant 1 : i32
        %add3A_270 = arith.addi %mul3A_83, %add3A_269 : i32
        %get3A_271 = arith.index_cast %add3A_270 : i32 to index
        %get3A_272 = arith.constant 112 : index
        %get3A_273 = tpu.vector_load %arg12[%get3A_271, %get3A_272] {strides = array<i32>} : memref<128x128xf32, #tpu.memory_space<vmem>>, vector<16xf32>,
        %mul3A_274 = arith.mulf %get3A_273, %broadcast_in_dim3A_268 : vector<16xf32>
        %add3A_275 = arith.constant 1 : i32
        %add3A_276 = arith.addi %mul3A_83, %add3A_275 : i32
        %swap3A_277 = arith.index_cast %add3A_276 : i32 to index
        %swap3A_278 = arith.constant 112 : index
        %swap3A_279 = tpu.vector_load %arg12[%swap3A_277, %swap3A_278] {strides = array<i32>} : memref<128x128xf32, #tpu.memory_space<vmem>>, vector<16xf32>,
        tpu.vector_store %arg12[%swap3A_277, %swap3A_278], %mul3A_274 {strides = array<i32>} : memref<128x128xf32, #tpu.memory_space<vmem>>, vector<16xf32>,
      }
      %scan3A_80 = arith.constant 64 : i32
      "tpu.region"() ({
        %run_scoped3A = tpu.sem_alloc : memref<!tpu.dma_semaphore, #tpu.memory_space<semaphore_mem>>
        %dma_start3A_81 = arith.constant 0 : i32
        %dma_start3A_82 = tpu.memref_slice %arg11[%scan3A_40, %dma_start3A_81] : memref<81x128xi32, #tpu.memory_space<vmem>> -> memref<1x128xi32, #tpu.memory_space<vmem>>
        %dma_start3A_83 = tpu.memref_squeeze %dma_start3A_82 : memref<1x128xi32, #tpu.memory_space<vmem>> -> memref<128xi32, #tpu.memory_space<vmem>>
        %dma_start3A_84 = arith.constant 0 : i32
        %dma_start3A_85 = arith.constant 0 : i32
        %dma_start3A_86 = tpu.memref_slice %arg18[%dma_start3A_84, %dma_start3A_85] : memref<10240x8xf32, #tpu.memory_space<vmem_shared>> -> memref<10240x8xf32, #tpu.memory_space<vmem_shared>>
        tpu.enqueue_indirect_dma source(%arg15 : memref<128x8xf32, #tpu.memory_space<vmem>>) target(%dma_start3A_86 : memref<10240x8xf32, #tpu.memory_space<vmem_shared>>) offsets(%dma_start3A_83 : memref<128xi32, #tpu.memory_space<vmem>>) semaphore(%run_scoped3A : memref<!tpu.dma_semaphore, #tpu.memory_space<semaphore_mem>>) {add = true}
        %dma_wait3A_87 = arith.constant 0 : i32
        %dma_wait3A_88 = tpu.memref_slice %arg11[%scan3A_40, %dma_wait3A_87] : memref<81x128xi32, #tpu.memory_space<vmem>> -> memref<1x128xi32, #tpu.memory_space<vmem>>
        %dma_wait3A_89 = tpu.memref_squeeze %dma_wait3A_88 : memref<1x128xi32, #tpu.memory_space<vmem>> -> memref<128xi32, #tpu.memory_space<vmem>>
        %dma_wait3A_90 = arith.constant 0 : i32
        %dma_wait3A_91 = arith.constant 0 : i32
        %dma_wait3A_92 = tpu.memref_slice %arg18[%dma_wait3A_90, %dma_wait3A_91] : memref<10240x8xf32, #tpu.memory_space<vmem_shared>> -> memref<10240x8xf32, #tpu.memory_space<vmem_shared>>
        tpu.wait_indirect_dma semaphore(%run_scoped3A : memref<!tpu.dma_semaphore, #tpu.memory_space<semaphore_mem>>) src(%arg15 : memref<128x8xf32, #tpu.memory_space<vmem>>) dst(%dma_wait3A_92 : memref<10240x8xf32, #tpu.memory_space<vmem_shared>>)
        tpu.yield
      }) : () -> ()
      "tpu.region"() ({
        %run_scoped3A = tpu.sem_alloc : memref<!tpu.dma_semaphore, #tpu.memory_space<semaphore_mem>>
        %dma_start3A_81 = arith.constant 0 : i32
        %dma_start3A_82 = tpu.memref_slice %arg11[%scan3A_40, %dma_start3A_81] : memref<81x128xi32, #tpu.memory_space<vmem>> -> memref<1x128xi32, #tpu.memory_space<vmem>>
        %dma_start3A_83 = tpu.memref_squeeze %dma_start3A_82 : memref<1x128xi32, #tpu.memory_space<vmem>> -> memref<128xi32, #tpu.memory_space<vmem>>
        %dma_start3A_84 = arith.constant 0 : i32
        %dma_start3A_85 = arith.constant 0 : i32
        %dma_start3A_86 = tpu.memref_slice %arg17[%dma_start3A_84, %dma_start3A_85] : memref<10240x128xf32, #tpu.memory_space<vmem_shared>> -> memref<10240x128xf32, #tpu.memory_space<vmem_shared>>
        tpu.enqueue_indirect_dma source(%arg12 : memref<128x128xf32, #tpu.memory_space<vmem>>) target(%dma_start3A_86 : memref<10240x128xf32, #tpu.memory_space<vmem_shared>>) offsets(%dma_start3A_83 : memref<128xi32, #tpu.memory_space<vmem>>) semaphore(%run_scoped3A : memref<!tpu.dma_semaphore, #tpu.memory_space<semaphore_mem>>) {add = true}
        %dma_wait3A_87 = arith.constant 0 : i32
        %dma_wait3A_88 = tpu.memref_slice %arg11[%scan3A_40, %dma_wait3A_87] : memref<81x128xi32, #tpu.memory_space<vmem>> -> memref<1x128xi32, #tpu.memory_space<vmem>>
        %dma_wait3A_89 = tpu.memref_squeeze %dma_wait3A_88 : memref<1x128xi32, #tpu.memory_space<vmem>> -> memref<128xi32, #tpu.memory_space<vmem>>
        %dma_wait3A_90 = arith.constant 0 : i32
        %dma_wait3A_91 = arith.constant 0 : i32
        %dma_wait3A_92 = tpu.memref_slice %arg17[%dma_wait3A_90, %dma_wait3A_91] : memref<10240x128xf32, #tpu.memory_space<vmem_shared>> -> memref<10240x128xf32, #tpu.memory_space<vmem_shared>>
        tpu.wait_indirect_dma semaphore(%run_scoped3A : memref<!tpu.dma_semaphore, #tpu.memory_space<semaphore_mem>>) src(%arg12 : memref<128x128xf32, #tpu.memory_space<vmem>>) dst(%dma_wait3A_92 : memref<10240x128xf32, #tpu.memory_space<vmem_shared>>)
        tpu.yield
      }) : () -> ()
    }
    %scan3A_32 = arith.constant 81 : i32
    %barrier3A_33 = arith.constant 0 : index
    tpu.barrier barrier_id(%barrier3A_33)
    %scan3A_34 = arith.constant 0 : i32
    %scan3A_35 = arith.constant 0 : i32
    %scan3A_36 = arith.constant 5 : i32
    %scan3A_37 = arith.addi %scan3A_35, %scan3A_36 : i32
    %scan3A_38 = arith.constant 1 : i32
    scf.for %scan3A_40 = %scan3A_35 to %scan3A_37 step %scan3A_38  : i32 {
      %mul3A_41 = arith.constant 640 : i32
      %mul3A_42 = arith.muli %arg1, %mul3A_41 : i32
      %mul3A_43 = arith.constant 128 : i32
      %mul3A_44 = arith.muli %scan3A_40, %mul3A_43 : i32
      %add3A_45 = arith.addi %mul3A_42, %mul3A_44 : i32
      "tpu.region"() ({
        %run_scoped3A = tpu.sem_alloc : memref<!tpu.dma_semaphore, #tpu.memory_space<semaphore_mem>>
        %dma_start3A = arith.constant 0 : i32
        %dma_start3A_46 = tpu.memref_slice %arg17[%add3A_45, %dma_start3A] : memref<10240x128xf32, #tpu.memory_space<vmem_shared>> -> memref<128x128xf32, #tpu.memory_space<vmem_shared>>
        %dma_start3A_47 = arith.constant 0 : i32
        %dma_start3A_48 = tpu.memref_slice %arg17[%add3A_45, %dma_start3A_47] : memref<10240x128xf32, #tpu.memory_space<vmem_shared>> -> memref<128x128xf32, #tpu.memory_space<vmem_shared>>
        tpu.enqueue_dma source(%dma_start3A_48 : memref<128x128xf32, #tpu.memory_space<vmem_shared>>) target(%arg12 : memref<128x128xf32, #tpu.memory_space<vmem>>) target_semaphore(%run_scoped3A : memref<!tpu.dma_semaphore, #tpu.memory_space<semaphore_mem>>)
        %dma_wait3A = arith.constant 0 : i32
        %dma_wait3A_49 = tpu.memref_slice %arg17[%add3A_45, %dma_wait3A] : memref<10240x128xf32, #tpu.memory_space<vmem_shared>> -> memref<128x128xf32, #tpu.memory_space<vmem_shared>>
        %dma_wait3A_50 = arith.constant 0 : i32
        %dma_wait3A_51 = tpu.memref_slice %arg17[%add3A_45, %dma_wait3A_50] : memref<10240x128xf32, #tpu.memory_space<vmem_shared>> -> memref<128x128xf32, #tpu.memory_space<vmem_shared>>
        tpu.wait_dma2 semaphore(%run_scoped3A : memref<!tpu.dma_semaphore, #tpu.memory_space<semaphore_mem>>) src(%dma_wait3A_51 : memref<128x128xf32, #tpu.memory_space<vmem_shared>>) dst(%arg12 : memref<128x128xf32, #tpu.memory_space<vmem>>)
        tpu.yield
      }) : () -> ()
      "tpu.region"() ({
        %run_scoped3A = tpu.sem_alloc : memref<!tpu.dma_semaphore, #tpu.memory_space<semaphore_mem>>
        %dma_start3A = arith.constant 0 : i32
        %dma_start3A_46 = tpu.memref_slice %arg8[%arg0, %add3A_45, %dma_start3A] : memref<2x10240x128xf32, #tpu.memory_space<hbm>> -> memref<1x128x128xf32, #tpu.memory_space<hbm>>
        %dma_start3A_47 = tpu.memref_squeeze %dma_start3A_46 : memref<1x128x128xf32, #tpu.memory_space<hbm>> -> memref<128x128xf32, #tpu.memory_space<hbm>>
        %dma_start3A_48 = arith.constant 0 : i32
        %dma_start3A_49 = tpu.memref_slice %arg8[%arg0, %add3A_45, %dma_start3A_48] : memref<2x10240x128xf32, #tpu.memory_space<hbm>> -> memref<1x128x128xf32, #tpu.memory_space<hbm>>
        %dma_start3A_50 = tpu.memref_squeeze %dma_start3A_49 : memref<1x128x128xf32, #tpu.memory_space<hbm>> -> memref<128x128xf32, #tpu.memory_space<hbm>>
        tpu.enqueue_dma source(%arg12 : memref<128x128xf32, #tpu.memory_space<vmem>>) target(%dma_start3A_50 : memref<128x128xf32, #tpu.memory_space<hbm>>) target_semaphore(%run_scoped3A : memref<!tpu.dma_semaphore, #tpu.memory_space<semaphore_mem>>)
        %dma_wait3A = arith.constant 0 : i32
        %dma_wait3A_51 = tpu.memref_slice %arg8[%arg0, %add3A_45, %dma_wait3A] : memref<2x10240x128xf32, #tpu.memory_space<hbm>> -> memref<1x128x128xf32, #tpu.memory_space<hbm>>
        %dma_wait3A_52 = tpu.memref_squeeze %dma_wait3A_51 : memref<1x128x128xf32, #tpu.memory_space<hbm>> -> memref<128x128xf32, #tpu.memory_space<hbm>>
        %dma_wait3A_53 = arith.constant 0 : i32
        %dma_wait3A_54 = tpu.memref_slice %arg8[%arg0, %add3A_45, %dma_wait3A_53] : memref<2x10240x128xf32, #tpu.memory_space<hbm>> -> memref<1x128x128xf32, #tpu.memory_space<hbm>>
        %dma_wait3A_55 = tpu.memref_squeeze %dma_wait3A_54 : memref<1x128x128xf32, #tpu.memory_space<hbm>> -> memref<128x128xf32, #tpu.memory_space<hbm>>
        tpu.wait_dma2 semaphore(%run_scoped3A : memref<!tpu.dma_semaphore, #tpu.memory_space<semaphore_mem>>) src(%arg12 : memref<128x128xf32, #tpu.memory_space<vmem>>) dst(%dma_wait3A_55 : memref<128x128xf32, #tpu.memory_space<hbm>>)
        tpu.yield
      }) : () -> ()
      "tpu.region"() ({
        %run_scoped3A = tpu.sem_alloc : memref<!tpu.dma_semaphore, #tpu.memory_space<semaphore_mem>>
        %dma_start3A = arith.constant 0 : i32
        %dma_start3A_46 = tpu.memref_slice %arg18[%add3A_45, %dma_start3A] : memref<10240x8xf32, #tpu.memory_space<vmem_shared>> -> memref<128x8xf32, #tpu.memory_space<vmem_shared>>
        %dma_start3A_47 = arith.constant 0 : i32
        %dma_start3A_48 = tpu.memref_slice %arg18[%add3A_45, %dma_start3A_47] : memref<10240x8xf32, #tpu.memory_space<vmem_shared>> -> memref<128x8xf32, #tpu.memory_space<vmem_shared>>
        tpu.enqueue_dma source(%dma_start3A_48 : memref<128x8xf32, #tpu.memory_space<vmem_shared>>) target(%arg15 : memref<128x8xf32, #tpu.memory_space<vmem>>) target_semaphore(%run_scoped3A : memref<!tpu.dma_semaphore, #tpu.memory_space<semaphore_mem>>)
        %dma_wait3A = arith.constant 0 : i32
        %dma_wait3A_49 = tpu.memref_slice %arg18[%add3A_45, %dma_wait3A] : memref<10240x8xf32, #tpu.memory_space<vmem_shared>> -> memref<128x8xf32, #tpu.memory_space<vmem_shared>>
        %dma_wait3A_50 = arith.constant 0 : i32
        %dma_wait3A_51 = tpu.memref_slice %arg18[%add3A_45, %dma_wait3A_50] : memref<10240x8xf32, #tpu.memory_space<vmem_shared>> -> memref<128x8xf32, #tpu.memory_space<vmem_shared>>
        tpu.wait_dma2 semaphore(%run_scoped3A : memref<!tpu.dma_semaphore, #tpu.memory_space<semaphore_mem>>) src(%dma_wait3A_51 : memref<128x8xf32, #tpu.memory_space<vmem_shared>>) dst(%arg15 : memref<128x8xf32, #tpu.memory_space<vmem>>)
        tpu.yield
      }) : () -> ()
      "tpu.region"() ({
        %run_scoped3A = tpu.sem_alloc : memref<!tpu.dma_semaphore, #tpu.memory_space<semaphore_mem>>
        %dma_start3A = arith.constant 0 : i32
        %dma_start3A_46 = tpu.memref_slice %arg9[%arg0, %add3A_45, %dma_start3A] : memref<2x10240x8xf32, #tpu.memory_space<hbm>> -> memref<1x128x8xf32, #tpu.memory_space<hbm>>
        %dma_start3A_47 = tpu.memref_squeeze %dma_start3A_46 : memref<1x128x8xf32, #tpu.memory_space<hbm>> -> memref<128x8xf32, #tpu.memory_space<hbm>>
        %dma_start3A_48 = arith.constant 0 : i32
        %dma_start3A_49 = tpu.memref_slice %arg9[%arg0, %add3A_45, %dma_start3A_48] : memref<2x10240x8xf32, #tpu.memory_space<hbm>> -> memref<1x128x8xf32, #tpu.memory_space<hbm>>
        %dma_start3A_50 = tpu.memref_squeeze %dma_start3A_49 : memref<1x128x8xf32, #tpu.memory_space<hbm>> -> memref<128x8xf32, #tpu.memory_space<hbm>>
        tpu.enqueue_dma source(%arg15 : memref<128x8xf32, #tpu.memory_space<vmem>>) target(%dma_start3A_50 : memref<128x8xf32, #tpu.memory_space<hbm>>) target_semaphore(%run_scoped3A : memref<!tpu.dma_semaphore, #tpu.memory_space<semaphore_mem>>)
        %dma_wait3A = arith.constant 0 : i32
        %dma_wait3A_51 = tpu.memref_slice %arg9[%arg0, %add3A_45, %dma_wait3A] : memref<2x10240x8xf32, #tpu.memory_space<hbm>> -> memref<1x128x8xf32, #tpu.memory_space<hbm>>
        %dma_wait3A_52 = tpu.memref_squeeze %dma_wait3A_51 : memref<1x128x8xf32, #tpu.memory_space<hbm>> -> memref<128x8xf32, #tpu.memory_space<hbm>>
        %dma_wait3A_53 = arith.constant 0 : i32
        %dma_wait3A_54 = tpu.memref_slice %arg9[%arg0, %add3A_45, %dma_wait3A_53] : memref<2x10240x8xf32, #tpu.memory_space<hbm>> -> memref<1x128x8xf32, #tpu.memory_space<hbm>>
        %dma_wait3A_55 = tpu.memref_squeeze %dma_wait3A_54 : memref<1x128x8xf32, #tpu.memory_space<hbm>> -> memref<128x8xf32, #tpu.memory_space<hbm>>
        tpu.wait_dma2 semaphore(%run_scoped3A : memref<!tpu.dma_semaphore, #tpu.memory_space<semaphore_mem>>) src(%arg15 : memref<128x8xf32, #tpu.memory_space<vmem>>) dst(%dma_wait3A_55 : memref<128x8xf32, #tpu.memory_space<hbm>>)
        tpu.yield
      }) : () -> ()
    }
    %scan3A_39 = arith.constant 5 : i32
    return
  }
}

#map = affine_map<(d0, d1) -> (0, 0)>
#map1 = affine_map<(d0, d1) -> (0, 0, 0)>
module attributes {stable_mosaic.version = 14 : i64} {
  func.func @_edge_body(%arg0: i32, %arg1: i32, %arg2: memref<10240x128xf32, #tpu.memory_space<hbm>>, %arg3: memref<10240x8xf32, #tpu.memory_space<hbm>>, %arg4: memref<10240x8xf32, #tpu.memory_space<hbm>>, %arg5: memref<1x16xf32, #tpu.memory_space<hbm>>, %arg6: memref<32x81x128xi32, #tpu.memory_space<hbm>>, %arg7: memref<32x81x128xi32, #tpu.memory_space<hbm>>, %arg8: memref<2x10240x128xf32, #tpu.memory_space<hbm>>, %arg9: memref<2x10240x8xf32, #tpu.memory_space<hbm>>, %arg10: memref<81x128xi32, #tpu.memory_space<vmem>>, %arg11: memref<81x128xi32, #tpu.memory_space<vmem>>, %arg12: memref<128x128xf32, #tpu.memory_space<vmem>>, %arg13: memref<128x8xf32, #tpu.memory_space<vmem>>, %arg14: memref<128x8xf32, #tpu.memory_space<vmem>>, %arg15: memref<128x8xf32, #tpu.memory_space<vmem>>, %arg16: memref<1x16xf32, #tpu.memory_space<vmem>>, %arg17: memref<10240x128xf32, #tpu.memory_space<vmem_shared>>, %arg18: memref<10240x8xf32, #tpu.memory_space<vmem_shared>>, %arg19: memref<!tpu.dma_semaphore, #tpu.memory_space<semaphore_mem>>, %arg20: memref<!tpu.dma_semaphore, #tpu.memory_space<semaphore_mem>>, %arg21: memref<!tpu.dma_semaphore, #tpu.memory_space<semaphore_mem>>) attributes {dimension_semantics = [#tpu.dimension_semantics<core_parallel>, #tpu.dimension_semantics<subcore_parallel>], iteration_bounds = array<i64: 2, 16>, scalar_prefetch = 0 : i64, scratch_operands = 12 : i64, tpu.core_type = #tpu.core_type<sc_vector_subcore>, window_params = [{transform_indices = #map}, {transform_indices = #map}, {transform_indices = #map}, {transform_indices = #map}, {transform_indices = #map1}, {transform_indices = #map1}, {transform_indices = #map1}, {transform_indices = #map1}]} {
    %mul3A = arith.constant 2 : i32
    %mul3A_0 = arith.muli %arg1, %mul3A : i32
    %add3A = arith.addi %mul3A_0, %arg0 : i32
    "tpu.region"() ({
      %run_scoped3A = tpu.sem_alloc : memref<!tpu.dma_semaphore, #tpu.memory_space<semaphore_mem>>
      %dma_start3A = arith.constant 0 : i32
      %dma_start3A_40 = arith.constant 0 : i32
      %dma_start3A_41 = tpu.memref_slice %arg6[%add3A, %dma_start3A, %dma_start3A_40] : memref<32x81x128xi32, #tpu.memory_space<hbm>> -> memref<1x81x128xi32, #tpu.memory_space<hbm>>
      %dma_start3A_42 = tpu.memref_squeeze %dma_start3A_41 : memref<1x81x128xi32, #tpu.memory_space<hbm>> -> memref<81x128xi32, #tpu.memory_space<hbm>>
      %dma_start3A_43 = arith.constant 0 : i32
      %dma_start3A_44 = arith.constant 0 : i32
      %dma_start3A_45 = tpu.memref_slice %arg6[%add3A, %dma_start3A_43, %dma_start3A_44] : memref<32x81x128xi32, #tpu.memory_space<hbm>> -> memref<1x81x128xi32, #tpu.memory_space<hbm>>
      %dma_start3A_46 = tpu.memref_squeeze %dma_start3A_45 : memref<1x81x128xi32, #tpu.memory_space<hbm>> -> memref<81x128xi32, #tpu.memory_space<hbm>>
      tpu.enqueue_dma source(%dma_start3A_46 : memref<81x128xi32, #tpu.memory_space<hbm>>) target(%arg10 : memref<81x128xi32, #tpu.memory_space<vmem>>) target_semaphore(%run_scoped3A : memref<!tpu.dma_semaphore, #tpu.memory_space<semaphore_mem>>)
      %dma_wait3A = arith.constant 0 : i32
      %dma_wait3A_47 = arith.constant 0 : i32
      %dma_wait3A_48 = tpu.memref_slice %arg6[%add3A, %dma_wait3A, %dma_wait3A_47] : memref<32x81x128xi32, #tpu.memory_space<hbm>> -> memref<1x81x128xi32, #tpu.memory_space<hbm>>
      %dma_wait3A_49 = tpu.memref_squeeze %dma_wait3A_48 : memref<1x81x128xi32, #tpu.memory_space<hbm>> -> memref<81x128xi32, #tpu.memory_space<hbm>>
      %dma_wait3A_50 = arith.constant 0 : i32
      %dma_wait3A_51 = arith.constant 0 : i32
      %dma_wait3A_52 = tpu.memref_slice %arg6[%add3A, %dma_wait3A_50, %dma_wait3A_51] : memref<32x81x128xi32, #tpu.memory_space<hbm>> -> memref<1x81x128xi32, #tpu.memory_space<hbm>>
      %dma_wait3A_53 = tpu.memref_squeeze %dma_wait3A_52 : memref<1x81x128xi32, #tpu.memory_space<hbm>> -> memref<81x128xi32, #tpu.memory_space<hbm>>
      tpu.wait_dma2 semaphore(%run_scoped3A : memref<!tpu.dma_semaphore, #tpu.memory_space<semaphore_mem>>) src(%dma_wait3A_53 : memref<81x128xi32, #tpu.memory_space<hbm>>) dst(%arg10 : memref<81x128xi32, #tpu.memory_space<vmem>>)
      tpu.yield
    }) : () -> ()
    "tpu.region"() ({
      %run_scoped3A = tpu.sem_alloc : memref<!tpu.dma_semaphore, #tpu.memory_space<semaphore_mem>>
      %dma_start3A = arith.constant 0 : i32
      %dma_start3A_40 = arith.constant 0 : i32
      %dma_start3A_41 = tpu.memref_slice %arg7[%add3A, %dma_start3A, %dma_start3A_40] : memref<32x81x128xi32, #tpu.memory_space<hbm>> -> memref<1x81x128xi32, #tpu.memory_space<hbm>>
      %dma_start3A_42 = tpu.memref_squeeze %dma_start3A_41 : memref<1x81x128xi32, #tpu.memory_space<hbm>> -> memref<81x128xi32, #tpu.memory_space<hbm>>
      %dma_start3A_43 = arith.constant 0 : i32
      %dma_start3A_44 = arith.constant 0 : i32
      %dma_start3A_45 = tpu.memref_slice %arg7[%add3A, %dma_start3A_43, %dma_start3A_44] : memref<32x81x128xi32, #tpu.memory_space<hbm>> -> memref<1x81x128xi32, #tpu.memory_space<hbm>>
      %dma_start3A_46 = tpu.memref_squeeze %dma_start3A_45 : memref<1x81x128xi32, #tpu.memory_space<hbm>> -> memref<81x128xi32, #tpu.memory_space<hbm>>
      tpu.enqueue_dma source(%dma_start3A_46 : memref<81x128xi32, #tpu.memory_space<hbm>>) target(%arg11 : memref<81x128xi32, #tpu.memory_space<vmem>>) target_semaphore(%run_scoped3A : memref<!tpu.dma_semaphore, #tpu.memory_space<semaphore_mem>>)
      %dma_wait3A = arith.constant 0 : i32
      %dma_wait3A_47 = arith.constant 0 : i32
      %dma_wait3A_48 = tpu.memref_slice %arg7[%add3A, %dma_wait3A, %dma_wait3A_47] : memref<32x81x128xi32, #tpu.memory_space<hbm>> -> memref<1x81x128xi32, #tpu.memory_space<hbm>>
      %dma_wait3A_49 = tpu.memref_squeeze %dma_wait3A_48 : memref<1x81x128xi32, #tpu.memory_space<hbm>> -> memref<81x128xi32, #tpu.memory_space<hbm>>
      %dma_wait3A_50 = arith.constant 0 : i32
      %dma_wait3A_51 = arith.constant 0 : i32
      %dma_wait3A_52 = tpu.memref_slice %arg7[%add3A, %dma_wait3A_50, %dma_wait3A_51] : memref<32x81x128xi32, #tpu.memory_space<hbm>> -> memref<1x81x128xi32, #tpu.memory_space<hbm>>
      %dma_wait3A_53 = tpu.memref_squeeze %dma_wait3A_52 : memref<1x81x128xi32, #tpu.memory_space<hbm>> -> memref<81x128xi32, #tpu.memory_space<hbm>>
      tpu.wait_dma2 semaphore(%run_scoped3A : memref<!tpu.dma_semaphore, #tpu.memory_space<semaphore_mem>>) src(%dma_wait3A_53 : memref<81x128xi32, #tpu.memory_space<hbm>>) dst(%arg11 : memref<81x128xi32, #tpu.memory_space<vmem>>)
      tpu.yield
    }) : () -> ()
    "tpu.region"() ({
      %run_scoped3A = tpu.sem_alloc : memref<!tpu.dma_semaphore, #tpu.memory_space<semaphore_mem>>
      tpu.enqueue_dma source(%arg5 : memref<1x16xf32, #tpu.memory_space<hbm>>) target(%arg16 : memref<1x16xf32, #tpu.memory_space<vmem>>) target_semaphore(%run_scoped3A : memref<!tpu.dma_semaphore, #tpu.memory_space<semaphore_mem>>)
      tpu.wait_dma2 semaphore(%run_scoped3A : memref<!tpu.dma_semaphore, #tpu.memory_space<semaphore_mem>>) src(%arg5 : memref<1x16xf32, #tpu.memory_space<hbm>>) dst(%arg16 : memref<1x16xf32, #tpu.memory_space<vmem>>)
      tpu.yield
    }) : () -> ()
    %get3A = arith.constant 0 : i32
    %get3A_1 = arith.index_cast %get3A : i32 to index
    %get3A_2 = arith.constant 0 : index
    %get3A_3 = tpu.vector_load %arg16[%get3A_1, %get3A_2] {strides = array<i32>} : memref<1x16xf32, #tpu.memory_space<vmem>>, vector<16xf32>,
    %iota3A = tpu.iota {dimensions = array<i32: 0>} : vector<16xi32>
    %lt3A = arith.constant 8 : i32
    %lt3A_4 = vector.broadcast %lt3A : i32 to vector<16xi32>
    %lt3A_5 = arith.cmpi slt, %iota3A, %lt3A_4 : vector<16xi32>
    %jit3A = arith.constant 0 : i32
    %jit3A_6 = arith.constant 1 : i32
    %broadcast_in_dim3A = vector.broadcast %jit3A : i32 to vector<16xi32>
    %broadcast_in_dim3A_7 = vector.broadcast %jit3A_6 : i32 to vector<16xi32>
    %select_n3A = arith.select %lt3A_5, %broadcast_in_dim3A, %broadcast_in_dim3A_7 : vector<16xi1>, vector<16xi32>
    %and3A = arith.constant 7 : i32
    %and3A_8 = vector.broadcast %and3A : i32 to vector<16xi32>
    %and3A_9 = arith.andi %iota3A, %and3A_8 : vector<16xi32>
    %scan3A = arith.constant 0 : i32
    %scan3A_10 = arith.constant 0 : i32
    %scan3A_11 = arith.constant 128 : i32
    %scan3A_12 = arith.addi %scan3A_10, %scan3A_11 : i32
    %scan3A_13 = arith.constant 1 : i32
    scf.for %scan3A_40 = %scan3A_10 to %scan3A_12 step %scan3A_13  : i32 {
      %broadcast_in_dim3A_41 = arith.constant 0.000000e+00 : f32
      %broadcast_in_dim3A_42 = vector.broadcast %broadcast_in_dim3A_41 : f32 to vector<16xf32>
      %swap3A = arith.index_cast %scan3A_40 : i32 to index
      %swap3A_43 = arith.constant 0 : index
      %swap3A_44 = tpu.vector_load %arg12[%swap3A, %swap3A_43] {strides = array<i32>} : memref<128x128xf32, #tpu.memory_space<vmem>>, vector<16xf32>,
      tpu.vector_store %arg12[%swap3A, %swap3A_43], %broadcast_in_dim3A_42 {strides = array<i32>} : memref<128x128xf32, #tpu.memory_space<vmem>>, vector<16xf32>,
      %broadcast_in_dim3A_45 = arith.constant 0.000000e+00 : f32
      %broadcast_in_dim3A_46 = vector.broadcast %broadcast_in_dim3A_45 : f32 to vector<16xf32>
      %swap3A_47 = arith.index_cast %scan3A_40 : i32 to index
      %swap3A_48 = arith.constant 16 : index
      %swap3A_49 = tpu.vector_load %arg12[%swap3A_47, %swap3A_48] {strides = array<i32>} : memref<128x128xf32, #tpu.memory_space<vmem>>, vector<16xf32>,
      tpu.vector_store %arg12[%swap3A_47, %swap3A_48], %broadcast_in_dim3A_46 {strides = array<i32>} : memref<128x128xf32, #tpu.memory_space<vmem>>, vector<16xf32>,
      %broadcast_in_dim3A_50 = arith.constant 0.000000e+00 : f32
      %broadcast_in_dim3A_51 = vector.broadcast %broadcast_in_dim3A_50 : f32 to vector<16xf32>
      %swap3A_52 = arith.index_cast %scan3A_40 : i32 to index
      %swap3A_53 = arith.constant 32 : index
      %swap3A_54 = tpu.vector_load %arg12[%swap3A_52, %swap3A_53] {strides = array<i32>} : memref<128x128xf32, #tpu.memory_space<vmem>>, vector<16xf32>,
      tpu.vector_store %arg12[%swap3A_52, %swap3A_53], %broadcast_in_dim3A_51 {strides = array<i32>} : memref<128x128xf32, #tpu.memory_space<vmem>>, vector<16xf32>,
      %broadcast_in_dim3A_55 = arith.constant 0.000000e+00 : f32
      %broadcast_in_dim3A_56 = vector.broadcast %broadcast_in_dim3A_55 : f32 to vector<16xf32>
      %swap3A_57 = arith.index_cast %scan3A_40 : i32 to index
      %swap3A_58 = arith.constant 48 : index
      %swap3A_59 = tpu.vector_load %arg12[%swap3A_57, %swap3A_58] {strides = array<i32>} : memref<128x128xf32, #tpu.memory_space<vmem>>, vector<16xf32>,
      tpu.vector_store %arg12[%swap3A_57, %swap3A_58], %broadcast_in_dim3A_56 {strides = array<i32>} : memref<128x128xf32, #tpu.memory_space<vmem>>, vector<16xf32>,
      %broadcast_in_dim3A_60 = arith.constant 0.000000e+00 : f32
      %broadcast_in_dim3A_61 = vector.broadcast %broadcast_in_dim3A_60 : f32 to vector<16xf32>
      %swap3A_62 = arith.index_cast %scan3A_40 : i32 to index
      %swap3A_63 = arith.constant 64 : index
      %swap3A_64 = tpu.vector_load %arg12[%swap3A_62, %swap3A_63] {strides = array<i32>} : memref<128x128xf32, #tpu.memory_space<vmem>>, vector<16xf32>,
      tpu.vector_store %arg12[%swap3A_62, %swap3A_63], %broadcast_in_dim3A_61 {strides = array<i32>} : memref<128x128xf32, #tpu.memory_space<vmem>>, vector<16xf32>,
      %broadcast_in_dim3A_65 = arith.constant 0.000000e+00 : f32
      %broadcast_in_dim3A_66 = vector.broadcast %broadcast_in_dim3A_65 : f32 to vector<16xf32>
      %swap3A_67 = arith.index_cast %scan3A_40 : i32 to index
      %swap3A_68 = arith.constant 80 : index
      %swap3A_69 = tpu.vector_load %arg12[%swap3A_67, %swap3A_68] {strides = array<i32>} : memref<128x128xf32, #tpu.memory_space<vmem>>, vector<16xf32>,
      tpu.vector_store %arg12[%swap3A_67, %swap3A_68], %broadcast_in_dim3A_66 {strides = array<i32>} : memref<128x128xf32, #tpu.memory_space<vmem>>, vector<16xf32>,
      %broadcast_in_dim3A_70 = arith.constant 0.000000e+00 : f32
      %broadcast_in_dim3A_71 = vector.broadcast %broadcast_in_dim3A_70 : f32 to vector<16xf32>
      %swap3A_72 = arith.index_cast %scan3A_40 : i32 to index
      %swap3A_73 = arith.constant 96 : index
      %swap3A_74 = tpu.vector_load %arg12[%swap3A_72, %swap3A_73] {strides = array<i32>} : memref<128x128xf32, #tpu.memory_space<vmem>>, vector<16xf32>,
      tpu.vector_store %arg12[%swap3A_72, %swap3A_73], %broadcast_in_dim3A_71 {strides = array<i32>} : memref<128x128xf32, #tpu.memory_space<vmem>>, vector<16xf32>,
      %broadcast_in_dim3A_75 = arith.constant 0.000000e+00 : f32
      %broadcast_in_dim3A_76 = vector.broadcast %broadcast_in_dim3A_75 : f32 to vector<16xf32>
      %swap3A_77 = arith.index_cast %scan3A_40 : i32 to index
      %swap3A_78 = arith.constant 112 : index
      %swap3A_79 = tpu.vector_load %arg12[%swap3A_77, %swap3A_78] {strides = array<i32>} : memref<128x128xf32, #tpu.memory_space<vmem>>, vector<16xf32>,
      tpu.vector_store %arg12[%swap3A_77, %swap3A_78], %broadcast_in_dim3A_76 {strides = array<i32>} : memref<128x128xf32, #tpu.memory_space<vmem>>, vector<16xf32>,
    }
    %scan3A_14 = arith.constant 128 : i32
    %scan3A_15 = arith.constant 0 : i32
    %scan3A_16 = arith.constant 0 : i32
    %scan3A_17 = arith.constant 64 : i32
    %scan3A_18 = arith.addi %scan3A_16, %scan3A_17 : i32
    %scan3A_19 = arith.constant 1 : i32
    scf.for %scan3A_40 = %scan3A_16 to %scan3A_18 step %scan3A_19  : i32 {
      %mul3A_41 = arith.constant 2 : i32
      %mul3A_42 = arith.muli %mul3A_41, %scan3A_40 : i32
      %broadcast_in_dim3A_43 = vector.broadcast %mul3A_42 : i32 to vector<16xi32>
      %add3A_44 = arith.addi %broadcast_in_dim3A_43, %select_n3A : vector<16xi32>
      %broadcast_in_dim3A_45 = arith.constant 0.000000e+00 : f32
      %broadcast_in_dim3A_46 = vector.broadcast %broadcast_in_dim3A_45 : f32 to vector<16xf32>
      tpu.vector_store_idx %arg15[%add3A_44, %and3A_9], %broadcast_in_dim3A_46 : memref<128x8xf32, #tpu.memory_space<vmem>>[vector<16xi32>, vector<16xi32>], vector<16xf32>,
    }
    %scan3A_20 = arith.constant 64 : i32
    %scan3A_21 = arith.constant 0 : i32
    %scan3A_22 = arith.constant 0 : i32
    %scan3A_23 = arith.constant 5 : i32
    %scan3A_24 = arith.addi %scan3A_22, %scan3A_23 : i32
    %scan3A_25 = arith.constant 1 : i32
    scf.for %scan3A_40 = %scan3A_22 to %scan3A_24 step %scan3A_25  : i32 {
      %mul3A_41 = arith.constant 640 : i32
      %mul3A_42 = arith.muli %arg1, %mul3A_41 : i32
      %mul3A_43 = arith.constant 128 : i32
      %mul3A_44 = arith.muli %scan3A_40, %mul3A_43 : i32
      %add3A_45 = arith.addi %mul3A_42, %mul3A_44 : i32
      "tpu.region"() ({
        %run_scoped3A = tpu.sem_alloc : memref<!tpu.dma_semaphore, #tpu.memory_space<semaphore_mem>>
        %dma_start3A = arith.constant 0 : i32
        %dma_start3A_46 = tpu.memref_slice %arg17[%add3A_45, %dma_start3A] : memref<10240x128xf32, #tpu.memory_space<vmem_shared>> -> memref<128x128xf32, #tpu.memory_space<vmem_shared>>
        %dma_start3A_47 = arith.constant 0 : i32
        %dma_start3A_48 = tpu.memref_slice %arg17[%add3A_45, %dma_start3A_47] : memref<10240x128xf32, #tpu.memory_space<vmem_shared>> -> memref<128x128xf32, #tpu.memory_space<vmem_shared>>
        tpu.enqueue_dma source(%arg12 : memref<128x128xf32, #tpu.memory_space<vmem>>) target(%dma_start3A_48 : memref<128x128xf32, #tpu.memory_space<vmem_shared>>) target_semaphore(%run_scoped3A : memref<!tpu.dma_semaphore, #tpu.memory_space<semaphore_mem>>)
        %dma_wait3A = arith.constant 0 : i32
        %dma_wait3A_49 = tpu.memref_slice %arg17[%add3A_45, %dma_wait3A] : memref<10240x128xf32, #tpu.memory_space<vmem_shared>> -> memref<128x128xf32, #tpu.memory_space<vmem_shared>>
        %dma_wait3A_50 = arith.constant 0 : i32
        %dma_wait3A_51 = tpu.memref_slice %arg17[%add3A_45, %dma_wait3A_50] : memref<10240x128xf32, #tpu.memory_space<vmem_shared>> -> memref<128x128xf32, #tpu.memory_space<vmem_shared>>
        tpu.wait_dma2 semaphore(%run_scoped3A : memref<!tpu.dma_semaphore, #tpu.memory_space<semaphore_mem>>) src(%arg12 : memref<128x128xf32, #tpu.memory_space<vmem>>) dst(%dma_wait3A_51 : memref<128x128xf32, #tpu.memory_space<vmem_shared>>)
        tpu.yield
      }) : () -> ()
      "tpu.region"() ({
        %run_scoped3A = tpu.sem_alloc : memref<!tpu.dma_semaphore, #tpu.memory_space<semaphore_mem>>
        %dma_start3A = arith.constant 0 : i32
        %dma_start3A_46 = tpu.memref_slice %arg18[%add3A_45, %dma_start3A] : memref<10240x8xf32, #tpu.memory_space<vmem_shared>> -> memref<128x8xf32, #tpu.memory_space<vmem_shared>>
        %dma_start3A_47 = arith.constant 0 : i32
        %dma_start3A_48 = tpu.memref_slice %arg18[%add3A_45, %dma_start3A_47] : memref<10240x8xf32, #tpu.memory_space<vmem_shared>> -> memref<128x8xf32, #tpu.memory_space<vmem_shared>>
        tpu.enqueue_dma source(%arg15 : memref<128x8xf32, #tpu.memory_space<vmem>>) target(%dma_start3A_48 : memref<128x8xf32, #tpu.memory_space<vmem_shared>>) target_semaphore(%run_scoped3A : memref<!tpu.dma_semaphore, #tpu.memory_space<semaphore_mem>>)
        %dma_wait3A = arith.constant 0 : i32
        %dma_wait3A_49 = tpu.memref_slice %arg18[%add3A_45, %dma_wait3A] : memref<10240x8xf32, #tpu.memory_space<vmem_shared>> -> memref<128x8xf32, #tpu.memory_space<vmem_shared>>
        %dma_wait3A_50 = arith.constant 0 : i32
        %dma_wait3A_51 = tpu.memref_slice %arg18[%add3A_45, %dma_wait3A_50] : memref<10240x8xf32, #tpu.memory_space<vmem_shared>> -> memref<128x8xf32, #tpu.memory_space<vmem_shared>>
        tpu.wait_dma2 semaphore(%run_scoped3A : memref<!tpu.dma_semaphore, #tpu.memory_space<semaphore_mem>>) src(%arg15 : memref<128x8xf32, #tpu.memory_space<vmem>>) dst(%dma_wait3A_51 : memref<128x8xf32, #tpu.memory_space<vmem_shared>>)
        tpu.yield
      }) : () -> ()
    }
    %scan3A_26 = arith.constant 5 : i32
    %barrier3A = arith.constant 0 : index
    tpu.barrier barrier_id(%barrier3A)
    %scan3A_27 = arith.constant 0 : i32
    %scan3A_28 = arith.constant 0 : i32
    %scan3A_29 = arith.constant 81 : i32
    %scan3A_30 = arith.addi %scan3A_28, %scan3A_29 : i32
    %scan3A_31 = arith.constant 1 : i32
    scf.for %scan3A_40 = %scan3A_28 to %scan3A_30 step %scan3A_31  : i32 {
      %dma_start3A = arith.constant 0 : i32
      %dma_start3A_41 = tpu.memref_slice %arg10[%scan3A_40, %dma_start3A] : memref<81x128xi32, #tpu.memory_space<vmem>> -> memref<1x128xi32, #tpu.memory_space<vmem>>
      %dma_start3A_42 = tpu.memref_squeeze %dma_start3A_41 : memref<1x128xi32, #tpu.memory_space<vmem>> -> memref<128xi32, #tpu.memory_space<vmem>>
      %dma_start3A_43 = arith.constant 0 : i32
      %dma_start3A_44 = arith.constant 0 : i32
      %dma_start3A_45 = tpu.memref_slice %arg2[%dma_start3A_43, %dma_start3A_44] : memref<10240x128xf32, #tpu.memory_space<hbm>> -> memref<10240x128xf32, #tpu.memory_space<hbm>>
      tpu.enqueue_indirect_dma source(%dma_start3A_45 : memref<10240x128xf32, #tpu.memory_space<hbm>>) target(%arg12 : memref<128x128xf32, #tpu.memory_space<vmem>>) offsets(%dma_start3A_42 : memref<128xi32, #tpu.memory_space<vmem>>) semaphore(%arg19 : memref<!tpu.dma_semaphore, #tpu.memory_space<semaphore_mem>>)
      %dma_start3A_46 = arith.constant 0 : i32
      %dma_start3A_47 = tpu.memref_slice %arg10[%scan3A_40, %dma_start3A_46] : memref<81x128xi32, #tpu.memory_space<vmem>> -> memref<1x128xi32, #tpu.memory_space<vmem>>
      %dma_start3A_48 = tpu.memref_squeeze %dma_start3A_47 : memref<1x128xi32, #tpu.memory_space<vmem>> -> memref<128xi32, #tpu.memory_space<vmem>>
      %dma_start3A_49 = arith.constant 0 : i32
      %dma_start3A_50 = arith.constant 0 : i32
      %dma_start3A_51 = tpu.memref_slice %arg3[%dma_start3A_49, %dma_start3A_50] : memref<10240x8xf32, #tpu.memory_space<hbm>> -> memref<10240x8xf32, #tpu.memory_space<hbm>>
      tpu.enqueue_indirect_dma source(%dma_start3A_51 : memref<10240x8xf32, #tpu.memory_space<hbm>>) target(%arg13 : memref<128x8xf32, #tpu.memory_space<vmem>>) offsets(%dma_start3A_48 : memref<128xi32, #tpu.memory_space<vmem>>) semaphore(%arg20 : memref<!tpu.dma_semaphore, #tpu.memory_space<semaphore_mem>>)
      %dma_start3A_52 = arith.constant 0 : i32
      %dma_start3A_53 = tpu.memref_slice %arg11[%scan3A_40, %dma_start3A_52] : memref<81x128xi32, #tpu.memory_space<vmem>> -> memref<1x128xi32, #tpu.memory_space<vmem>>
      %dma_start3A_54 = tpu.memref_squeeze %dma_start3A_53 : memref<1x128xi32, #tpu.memory_space<vmem>> -> memref<128xi32, #tpu.memory_space<vmem>>
      %dma_start3A_55 = arith.constant 0 : i32
      %dma_start3A_56 = arith.constant 0 : i32
      %dma_start3A_57 = tpu.memref_slice %arg4[%dma_start3A_55, %dma_start3A_56] : memref<10240x8xf32, #tpu.memory_space<hbm>> -> memref<10240x8xf32, #tpu.memory_space<hbm>>
      tpu.enqueue_indirect_dma source(%dma_start3A_57 : memref<10240x8xf32, #tpu.memory_space<hbm>>) target(%arg14 : memref<128x8xf32, #tpu.memory_space<vmem>>) offsets(%dma_start3A_54 : memref<128xi32, #tpu.memory_space<vmem>>) semaphore(%arg21 : memref<!tpu.dma_semaphore, #tpu.memory_space<semaphore_mem>>)
      %dma_wait3A = arith.constant 0 : i32
      %dma_wait3A_58 = tpu.memref_slice %arg10[%scan3A_40, %dma_wait3A] : memref<81x128xi32, #tpu.memory_space<vmem>> -> memref<1x128xi32, #tpu.memory_space<vmem>>
      %dma_wait3A_59 = tpu.memref_squeeze %dma_wait3A_58 : memref<1x128xi32, #tpu.memory_space<vmem>> -> memref<128xi32, #tpu.memory_space<vmem>>
      %dma_wait3A_60 = arith.constant 0 : i32
      %dma_wait3A_61 = arith.constant 0 : i32
      %dma_wait3A_62 = tpu.memref_slice %arg3[%dma_wait3A_60, %dma_wait3A_61] : memref<10240x8xf32, #tpu.memory_space<hbm>> -> memref<10240x8xf32, #tpu.memory_space<hbm>>
      tpu.wait_indirect_dma semaphore(%arg20 : memref<!tpu.dma_semaphore, #tpu.memory_space<semaphore_mem>>) src(%dma_wait3A_62 : memref<10240x8xf32, #tpu.memory_space<hbm>>) dst(%arg13 : memref<128x8xf32, #tpu.memory_space<vmem>>)
      %dma_wait3A_63 = arith.constant 0 : i32
      %dma_wait3A_64 = tpu.memref_slice %arg11[%scan3A_40, %dma_wait3A_63] : memref<81x128xi32, #tpu.memory_space<vmem>> -> memref<1x128xi32, #tpu.memory_space<vmem>>
      %dma_wait3A_65 = tpu.memref_squeeze %dma_wait3A_64 : memref<1x128xi32, #tpu.memory_space<vmem>> -> memref<128xi32, #tpu.memory_space<vmem>>
      %dma_wait3A_66 = arith.constant 0 : i32
      %dma_wait3A_67 = arith.constant 0 : i32
      %dma_wait3A_68 = tpu.memref_slice %arg4[%dma_wait3A_66, %dma_wait3A_67] : memref<10240x8xf32, #tpu.memory_space<hbm>> -> memref<10240x8xf32, #tpu.memory_space<hbm>>
      tpu.wait_indirect_dma semaphore(%arg21 : memref<!tpu.dma_semaphore, #tpu.memory_space<semaphore_mem>>) src(%dma_wait3A_68 : memref<10240x8xf32, #tpu.memory_space<hbm>>) dst(%arg14 : memref<128x8xf32, #tpu.memory_space<vmem>>)
      %dma_wait3A_69 = arith.constant 0 : i32
      %dma_wait3A_70 = tpu.memref_slice %arg10[%scan3A_40, %dma_wait3A_69] : memref<81x128xi32, #tpu.memory_space<vmem>> -> memref<1x128xi32, #tpu.memory_space<vmem>>
      %dma_wait3A_71 = tpu.memref_squeeze %dma_wait3A_70 : memref<1x128xi32, #tpu.memory_space<vmem>> -> memref<128xi32, #tpu.memory_space<vmem>>
      %dma_wait3A_72 = arith.constant 0 : i32
      %dma_wait3A_73 = arith.constant 0 : i32
      %dma_wait3A_74 = tpu.memref_slice %arg2[%dma_wait3A_72, %dma_wait3A_73] : memref<10240x128xf32, #tpu.memory_space<hbm>> -> memref<10240x128xf32, #tpu.memory_space<hbm>>
      tpu.wait_indirect_dma semaphore(%arg19 : memref<!tpu.dma_semaphore, #tpu.memory_space<semaphore_mem>>) src(%dma_wait3A_74 : memref<10240x128xf32, #tpu.memory_space<hbm>>) dst(%arg12 : memref<128x128xf32, #tpu.memory_space<vmem>>)
      %scan3A_75 = arith.constant 0 : i32
      %scan3A_76 = arith.constant 0 : i32
      %scan3A_77 = arith.constant 64 : i32
      %scan3A_78 = arith.addi %scan3A_76, %scan3A_77 : i32
      %scan3A_79 = arith.constant 1 : i32
      scf.for %scan3A_81 = %scan3A_76 to %scan3A_78 step %scan3A_79  : i32 {
        %mul3A_82 = arith.constant 2 : i32
        %mul3A_83 = arith.muli %mul3A_82, %scan3A_81 : i32
        %broadcast_in_dim3A_84 = vector.broadcast %mul3A_83 : i32 to vector<16xi32>
        %add3A_85 = arith.addi %broadcast_in_dim3A_84, %select_n3A : vector<16xi32>
        %gather3A = tpu.vector_load_idx %arg13[%add3A_85, %and3A_9] : memref<128x8xf32, #tpu.memory_space<vmem>>[vector<16xi32>, vector<16xi32>], vector<16xf32>,
        %gather3A_86 = tpu.vector_load_idx %arg14[%add3A_85, %and3A_9] : memref<128x8xf32, #tpu.memory_space<vmem>>[vector<16xi32>, vector<16xi32>], vector<16xf32>,
        %add3A_87 = arith.addf %gather3A, %gather3A_86 : vector<16xf32>
        %mul3A_88 = arith.constant 2.000000e-01 : f32
        %mul3A_89 = vector.broadcast %mul3A_88 : f32 to vector<16xf32>
        %mul3A_90 = arith.mulf %mul3A_89, %add3A_87 : vector<16xf32>
        %max3A = arith.maximumf %add3A_87, %mul3A_90 : vector<16xf32>
        %sub3A = arith.subf %max3A, %get3A_3 : vector<16xf32>
        %exp3A = math.exp %sub3A : vector<16xf32>
        tpu.vector_store_idx %arg15[%add3A_85, %and3A_9], %exp3A : memref<128x8xf32, #tpu.memory_space<vmem>>[vector<16xi32>, vector<16xi32>], vector<16xf32>,
        %slice3A = vector.extract_strided_slice %exp3A {offsets = [0], sizes = [1], strides = [1]} : vector<16xf32> to vector<1xf32>
        %squeeze3A = vector.extract %slice3A[0] : f32 from vector<1xf32>
        %broadcast_in_dim3A_91 = vector.broadcast %squeeze3A : f32 to vector<16xf32>
        %get3A_92 = arith.index_cast %mul3A_83 : i32 to index
        %get3A_93 = arith.constant 0 : index
        %get3A_94 = tpu.vector_load %arg12[%get3A_92, %get3A_93] {strides = array<i32>} : memref<128x128xf32, #tpu.memory_space<vmem>>, vector<16xf32>,
        %mul3A_95 = arith.mulf %get3A_94, %broadcast_in_dim3A_91 : vector<16xf32>
        %swap3A = arith.index_cast %mul3A_83 : i32 to index
        %swap3A_96 = arith.constant 0 : index
        %swap3A_97 = tpu.vector_load %arg12[%swap3A, %swap3A_96] {strides = array<i32>} : memref<128x128xf32, #tpu.memory_space<vmem>>, vector<16xf32>,
        tpu.vector_store %arg12[%swap3A, %swap3A_96], %mul3A_95 {strides = array<i32>} : memref<128x128xf32, #tpu.memory_space<vmem>>, vector<16xf32>,
        %slice3A_98 = vector.extract_strided_slice %exp3A {offsets = [1], sizes = [1], strides = [1]} : vector<16xf32> to vector<1xf32>
        %squeeze3A_99 = vector.extract %slice3A_98[0] : f32 from vector<1xf32>
        %broadcast_in_dim3A_100 = vector.broadcast %squeeze3A_99 : f32 to vector<16xf32>
        %get3A_101 = arith.index_cast %mul3A_83 : i32 to index
        %get3A_102 = arith.constant 16 : index
        %get3A_103 = tpu.vector_load %arg12[%get3A_101, %get3A_102] {strides = array<i32>} : memref<128x128xf32, #tpu.memory_space<vmem>>, vector<16xf32>,
        %mul3A_104 = arith.mulf %get3A_103, %broadcast_in_dim3A_100 : vector<16xf32>
        %swap3A_105 = arith.index_cast %mul3A_83 : i32 to index
        %swap3A_106 = arith.constant 16 : index
        %swap3A_107 = tpu.vector_load %arg12[%swap3A_105, %swap3A_106] {strides = array<i32>} : memref<128x128xf32, #tpu.memory_space<vmem>>, vector<16xf32>,
        tpu.vector_store %arg12[%swap3A_105, %swap3A_106], %mul3A_104 {strides = array<i32>} : memref<128x128xf32, #tpu.memory_space<vmem>>, vector<16xf32>,
        %slice3A_108 = vector.extract_strided_slice %exp3A {offsets = [2], sizes = [1], strides = [1]} : vector<16xf32> to vector<1xf32>
        %squeeze3A_109 = vector.extract %slice3A_108[0] : f32 from vector<1xf32>
        %broadcast_in_dim3A_110 = vector.broadcast %squeeze3A_109 : f32 to vector<16xf32>
        %get3A_111 = arith.index_cast %mul3A_83 : i32 to index
        %get3A_112 = arith.constant 32 : index
        %get3A_113 = tpu.vector_load %arg12[%get3A_111, %get3A_112] {strides = array<i32>} : memref<128x128xf32, #tpu.memory_space<vmem>>, vector<16xf32>,
        %mul3A_114 = arith.mulf %get3A_113, %broadcast_in_dim3A_110 : vector<16xf32>
        %swap3A_115 = arith.index_cast %mul3A_83 : i32 to index
        %swap3A_116 = arith.constant 32 : index
        %swap3A_117 = tpu.vector_load %arg12[%swap3A_115, %swap3A_116] {strides = array<i32>} : memref<128x128xf32, #tpu.memory_space<vmem>>, vector<16xf32>,
        tpu.vector_store %arg12[%swap3A_115, %swap3A_116], %mul3A_114 {strides = array<i32>} : memref<128x128xf32, #tpu.memory_space<vmem>>, vector<16xf32>,
        %slice3A_118 = vector.extract_strided_slice %exp3A {offsets = [3], sizes = [1], strides = [1]} : vector<16xf32> to vector<1xf32>
        %squeeze3A_119 = vector.extract %slice3A_118[0] : f32 from vector<1xf32>
        %broadcast_in_dim3A_120 = vector.broadcast %squeeze3A_119 : f32 to vector<16xf32>
        %get3A_121 = arith.index_cast %mul3A_83 : i32 to index
        %get3A_122 = arith.constant 48 : index
        %get3A_123 = tpu.vector_load %arg12[%get3A_121, %get3A_122] {strides = array<i32>} : memref<128x128xf32, #tpu.memory_space<vmem>>, vector<16xf32>,
        %mul3A_124 = arith.mulf %get3A_123, %broadcast_in_dim3A_120 : vector<16xf32>
        %swap3A_125 = arith.index_cast %mul3A_83 : i32 to index
        %swap3A_126 = arith.constant 48 : index
        %swap3A_127 = tpu.vector_load %arg12[%swap3A_125, %swap3A_126] {strides = array<i32>} : memref<128x128xf32, #tpu.memory_space<vmem>>, vector<16xf32>,
        tpu.vector_store %arg12[%swap3A_125, %swap3A_126], %mul3A_124 {strides = array<i32>} : memref<128x128xf32, #tpu.memory_space<vmem>>, vector<16xf32>,
        %slice3A_128 = vector.extract_strided_slice %exp3A {offsets = [4], sizes = [1], strides = [1]} : vector<16xf32> to vector<1xf32>
        %squeeze3A_129 = vector.extract %slice3A_128[0] : f32 from vector<1xf32>
        %broadcast_in_dim3A_130 = vector.broadcast %squeeze3A_129 : f32 to vector<16xf32>
        %get3A_131 = arith.index_cast %mul3A_83 : i32 to index
        %get3A_132 = arith.constant 64 : index
        %get3A_133 = tpu.vector_load %arg12[%get3A_131, %get3A_132] {strides = array<i32>} : memref<128x128xf32, #tpu.memory_space<vmem>>, vector<16xf32>,
        %mul3A_134 = arith.mulf %get3A_133, %broadcast_in_dim3A_130 : vector<16xf32>
        %swap3A_135 = arith.index_cast %mul3A_83 : i32 to index
        %swap3A_136 = arith.constant 64 : index
        %swap3A_137 = tpu.vector_load %arg12[%swap3A_135, %swap3A_136] {strides = array<i32>} : memref<128x128xf32, #tpu.memory_space<vmem>>, vector<16xf32>,
        tpu.vector_store %arg12[%swap3A_135, %swap3A_136], %mul3A_134 {strides = array<i32>} : memref<128x128xf32, #tpu.memory_space<vmem>>, vector<16xf32>,
        %slice3A_138 = vector.extract_strided_slice %exp3A {offsets = [5], sizes = [1], strides = [1]} : vector<16xf32> to vector<1xf32>
        %squeeze3A_139 = vector.extract %slice3A_138[0] : f32 from vector<1xf32>
        %broadcast_in_dim3A_140 = vector.broadcast %squeeze3A_139 : f32 to vector<16xf32>
        %get3A_141 = arith.index_cast %mul3A_83 : i32 to index
        %get3A_142 = arith.constant 80 : index
        %get3A_143 = tpu.vector_load %arg12[%get3A_141, %get3A_142] {strides = array<i32>} : memref<128x128xf32, #tpu.memory_space<vmem>>, vector<16xf32>,
        %mul3A_144 = arith.mulf %get3A_143, %broadcast_in_dim3A_140 : vector<16xf32>
        %swap3A_145 = arith.index_cast %mul3A_83 : i32 to index
        %swap3A_146 = arith.constant 80 : index
        %swap3A_147 = tpu.vector_load %arg12[%swap3A_145, %swap3A_146] {strides = array<i32>} : memref<128x128xf32, #tpu.memory_space<vmem>>, vector<16xf32>,
        tpu.vector_store %arg12[%swap3A_145, %swap3A_146], %mul3A_144 {strides = array<i32>} : memref<128x128xf32, #tpu.memory_space<vmem>>, vector<16xf32>,
        %slice3A_148 = vector.extract_strided_slice %exp3A {offsets = [6], sizes = [1], strides = [1]} : vector<16xf32> to vector<1xf32>
        %squeeze3A_149 = vector.extract %slice3A_148[0] : f32 from vector<1xf32>
        %broadcast_in_dim3A_150 = vector.broadcast %squeeze3A_149 : f32 to vector<16xf32>
        %get3A_151 = arith.index_cast %mul3A_83 : i32 to index
        %get3A_152 = arith.constant 96 : index
        %get3A_153 = tpu.vector_load %arg12[%get3A_151, %get3A_152] {strides = array<i32>} : memref<128x128xf32, #tpu.memory_space<vmem>>, vector<16xf32>,
        %mul3A_154 = arith.mulf %get3A_153, %broadcast_in_dim3A_150 : vector<16xf32>
        %swap3A_155 = arith.index_cast %mul3A_83 : i32 to index
        %swap3A_156 = arith.constant 96 : index
        %swap3A_157 = tpu.vector_load %arg12[%swap3A_155, %swap3A_156] {strides = array<i32>} : memref<128x128xf32, #tpu.memory_space<vmem>>, vector<16xf32>,
        tpu.vector_store %arg12[%swap3A_155, %swap3A_156], %mul3A_154 {strides = array<i32>} : memref<128x128xf32, #tpu.memory_space<vmem>>, vector<16xf32>,
        %slice3A_158 = vector.extract_strided_slice %exp3A {offsets = [7], sizes = [1], strides = [1]} : vector<16xf32> to vector<1xf32>
        %squeeze3A_159 = vector.extract %slice3A_158[0] : f32 from vector<1xf32>
        %broadcast_in_dim3A_160 = vector.broadcast %squeeze3A_159 : f32 to vector<16xf32>
        %get3A_161 = arith.index_cast %mul3A_83 : i32 to index
        %get3A_162 = arith.constant 112 : index
        %get3A_163 = tpu.vector_load %arg12[%get3A_161, %get3A_162] {strides = array<i32>} : memref<128x128xf32, #tpu.memory_space<vmem>>, vector<16xf32>,
        %mul3A_164 = arith.mulf %get3A_163, %broadcast_in_dim3A_160 : vector<16xf32>
        %swap3A_165 = arith.index_cast %mul3A_83 : i32 to index
        %swap3A_166 = arith.constant 112 : index
        %swap3A_167 = tpu.vector_load %arg12[%swap3A_165, %swap3A_166] {strides = array<i32>} : memref<128x128xf32, #tpu.memory_space<vmem>>, vector<16xf32>,
        tpu.vector_store %arg12[%swap3A_165, %swap3A_166], %mul3A_164 {strides = array<i32>} : memref<128x128xf32, #tpu.memory_space<vmem>>, vector<16xf32>,
        %slice3A_168 = vector.extract_strided_slice %exp3A {offsets = [8], sizes = [1], strides = [1]} : vector<16xf32> to vector<1xf32>
        %squeeze3A_169 = vector.extract %slice3A_168[0] : f32 from vector<1xf32>
        %broadcast_in_dim3A_170 = vector.broadcast %squeeze3A_169 : f32 to vector<16xf32>
        %add3A_171 = arith.constant 1 : i32
        %add3A_172 = arith.addi %mul3A_83, %add3A_171 : i32
        %get3A_173 = arith.index_cast %add3A_172 : i32 to index
        %get3A_174 = arith.constant 0 : index
        %get3A_175 = tpu.vector_load %arg12[%get3A_173, %get3A_174] {strides = array<i32>} : memref<128x128xf32, #tpu.memory_space<vmem>>, vector<16xf32>,
        %mul3A_176 = arith.mulf %get3A_175, %broadcast_in_dim3A_170 : vector<16xf32>
        %add3A_177 = arith.constant 1 : i32
        %add3A_178 = arith.addi %mul3A_83, %add3A_177 : i32
        %swap3A_179 = arith.index_cast %add3A_178 : i32 to index
        %swap3A_180 = arith.constant 0 : index
        %swap3A_181 = tpu.vector_load %arg12[%swap3A_179, %swap3A_180] {strides = array<i32>} : memref<128x128xf32, #tpu.memory_space<vmem>>, vector<16xf32>,
        tpu.vector_store %arg12[%swap3A_179, %swap3A_180], %mul3A_176 {strides = array<i32>} : memref<128x128xf32, #tpu.memory_space<vmem>>, vector<16xf32>,
        %slice3A_182 = vector.extract_strided_slice %exp3A {offsets = [9], sizes = [1], strides = [1]} : vector<16xf32> to vector<1xf32>
        %squeeze3A_183 = vector.extract %slice3A_182[0] : f32 from vector<1xf32>
        %broadcast_in_dim3A_184 = vector.broadcast %squeeze3A_183 : f32 to vector<16xf32>
        %add3A_185 = arith.constant 1 : i32
        %add3A_186 = arith.addi %mul3A_83, %add3A_185 : i32
        %get3A_187 = arith.index_cast %add3A_186 : i32 to index
        %get3A_188 = arith.constant 16 : index
        %get3A_189 = tpu.vector_load %arg12[%get3A_187, %get3A_188] {strides = array<i32>} : memref<128x128xf32, #tpu.memory_space<vmem>>, vector<16xf32>,
        %mul3A_190 = arith.mulf %get3A_189, %broadcast_in_dim3A_184 : vector<16xf32>
        %add3A_191 = arith.constant 1 : i32
        %add3A_192 = arith.addi %mul3A_83, %add3A_191 : i32
        %swap3A_193 = arith.index_cast %add3A_192 : i32 to index
        %swap3A_194 = arith.constant 16 : index
        %swap3A_195 = tpu.vector_load %arg12[%swap3A_193, %swap3A_194] {strides = array<i32>} : memref<128x128xf32, #tpu.memory_space<vmem>>, vector<16xf32>,
        tpu.vector_store %arg12[%swap3A_193, %swap3A_194], %mul3A_190 {strides = array<i32>} : memref<128x128xf32, #tpu.memory_space<vmem>>, vector<16xf32>,
        %slice3A_196 = vector.extract_strided_slice %exp3A {offsets = [10], sizes = [1], strides = [1]} : vector<16xf32> to vector<1xf32>
        %squeeze3A_197 = vector.extract %slice3A_196[0] : f32 from vector<1xf32>
        %broadcast_in_dim3A_198 = vector.broadcast %squeeze3A_197 : f32 to vector<16xf32>
        %add3A_199 = arith.constant 1 : i32
        %add3A_200 = arith.addi %mul3A_83, %add3A_199 : i32
        %get3A_201 = arith.index_cast %add3A_200 : i32 to index
        %get3A_202 = arith.constant 32 : index
        %get3A_203 = tpu.vector_load %arg12[%get3A_201, %get3A_202] {strides = array<i32>} : memref<128x128xf32, #tpu.memory_space<vmem>>, vector<16xf32>,
        %mul3A_204 = arith.mulf %get3A_203, %broadcast_in_dim3A_198 : vector<16xf32>
        %add3A_205 = arith.constant 1 : i32
        %add3A_206 = arith.addi %mul3A_83, %add3A_205 : i32
        %swap3A_207 = arith.index_cast %add3A_206 : i32 to index
        %swap3A_208 = arith.constant 32 : index
        %swap3A_209 = tpu.vector_load %arg12[%swap3A_207, %swap3A_208] {strides = array<i32>} : memref<128x128xf32, #tpu.memory_space<vmem>>, vector<16xf32>,
        tpu.vector_store %arg12[%swap3A_207, %swap3A_208], %mul3A_204 {strides = array<i32>} : memref<128x128xf32, #tpu.memory_space<vmem>>, vector<16xf32>,
        %slice3A_210 = vector.extract_strided_slice %exp3A {offsets = [11], sizes = [1], strides = [1]} : vector<16xf32> to vector<1xf32>
        %squeeze3A_211 = vector.extract %slice3A_210[0] : f32 from vector<1xf32>
        %broadcast_in_dim3A_212 = vector.broadcast %squeeze3A_211 : f32 to vector<16xf32>
        %add3A_213 = arith.constant 1 : i32
        %add3A_214 = arith.addi %mul3A_83, %add3A_213 : i32
        %get3A_215 = arith.index_cast %add3A_214 : i32 to index
        %get3A_216 = arith.constant 48 : index
        %get3A_217 = tpu.vector_load %arg12[%get3A_215, %get3A_216] {strides = array<i32>} : memref<128x128xf32, #tpu.memory_space<vmem>>, vector<16xf32>,
        %mul3A_218 = arith.mulf %get3A_217, %broadcast_in_dim3A_212 : vector<16xf32>
        %add3A_219 = arith.constant 1 : i32
        %add3A_220 = arith.addi %mul3A_83, %add3A_219 : i32
        %swap3A_221 = arith.index_cast %add3A_220 : i32 to index
        %swap3A_222 = arith.constant 48 : index
        %swap3A_223 = tpu.vector_load %arg12[%swap3A_221, %swap3A_222] {strides = array<i32>} : memref<128x128xf32, #tpu.memory_space<vmem>>, vector<16xf32>,
        tpu.vector_store %arg12[%swap3A_221, %swap3A_222], %mul3A_218 {strides = array<i32>} : memref<128x128xf32, #tpu.memory_space<vmem>>, vector<16xf32>,
        %slice3A_224 = vector.extract_strided_slice %exp3A {offsets = [12], sizes = [1], strides = [1]} : vector<16xf32> to vector<1xf32>
        %squeeze3A_225 = vector.extract %slice3A_224[0] : f32 from vector<1xf32>
        %broadcast_in_dim3A_226 = vector.broadcast %squeeze3A_225 : f32 to vector<16xf32>
        %add3A_227 = arith.constant 1 : i32
        %add3A_228 = arith.addi %mul3A_83, %add3A_227 : i32
        %get3A_229 = arith.index_cast %add3A_228 : i32 to index
        %get3A_230 = arith.constant 64 : index
        %get3A_231 = tpu.vector_load %arg12[%get3A_229, %get3A_230] {strides = array<i32>} : memref<128x128xf32, #tpu.memory_space<vmem>>, vector<16xf32>,
        %mul3A_232 = arith.mulf %get3A_231, %broadcast_in_dim3A_226 : vector<16xf32>
        %add3A_233 = arith.constant 1 : i32
        %add3A_234 = arith.addi %mul3A_83, %add3A_233 : i32
        %swap3A_235 = arith.index_cast %add3A_234 : i32 to index
        %swap3A_236 = arith.constant 64 : index
        %swap3A_237 = tpu.vector_load %arg12[%swap3A_235, %swap3A_236] {strides = array<i32>} : memref<128x128xf32, #tpu.memory_space<vmem>>, vector<16xf32>,
        tpu.vector_store %arg12[%swap3A_235, %swap3A_236], %mul3A_232 {strides = array<i32>} : memref<128x128xf32, #tpu.memory_space<vmem>>, vector<16xf32>,
        %slice3A_238 = vector.extract_strided_slice %exp3A {offsets = [13], sizes = [1], strides = [1]} : vector<16xf32> to vector<1xf32>
        %squeeze3A_239 = vector.extract %slice3A_238[0] : f32 from vector<1xf32>
        %broadcast_in_dim3A_240 = vector.broadcast %squeeze3A_239 : f32 to vector<16xf32>
        %add3A_241 = arith.constant 1 : i32
        %add3A_242 = arith.addi %mul3A_83, %add3A_241 : i32
        %get3A_243 = arith.index_cast %add3A_242 : i32 to index
        %get3A_244 = arith.constant 80 : index
        %get3A_245 = tpu.vector_load %arg12[%get3A_243, %get3A_244] {strides = array<i32>} : memref<128x128xf32, #tpu.memory_space<vmem>>, vector<16xf32>,
        %mul3A_246 = arith.mulf %get3A_245, %broadcast_in_dim3A_240 : vector<16xf32>
        %add3A_247 = arith.constant 1 : i32
        %add3A_248 = arith.addi %mul3A_83, %add3A_247 : i32
        %swap3A_249 = arith.index_cast %add3A_248 : i32 to index
        %swap3A_250 = arith.constant 80 : index
        %swap3A_251 = tpu.vector_load %arg12[%swap3A_249, %swap3A_250] {strides = array<i32>} : memref<128x128xf32, #tpu.memory_space<vmem>>, vector<16xf32>,
        tpu.vector_store %arg12[%swap3A_249, %swap3A_250], %mul3A_246 {strides = array<i32>} : memref<128x128xf32, #tpu.memory_space<vmem>>, vector<16xf32>,
        %slice3A_252 = vector.extract_strided_slice %exp3A {offsets = [14], sizes = [1], strides = [1]} : vector<16xf32> to vector<1xf32>
        %squeeze3A_253 = vector.extract %slice3A_252[0] : f32 from vector<1xf32>
        %broadcast_in_dim3A_254 = vector.broadcast %squeeze3A_253 : f32 to vector<16xf32>
        %add3A_255 = arith.constant 1 : i32
        %add3A_256 = arith.addi %mul3A_83, %add3A_255 : i32
        %get3A_257 = arith.index_cast %add3A_256 : i32 to index
        %get3A_258 = arith.constant 96 : index
        %get3A_259 = tpu.vector_load %arg12[%get3A_257, %get3A_258] {strides = array<i32>} : memref<128x128xf32, #tpu.memory_space<vmem>>, vector<16xf32>,
        %mul3A_260 = arith.mulf %get3A_259, %broadcast_in_dim3A_254 : vector<16xf32>
        %add3A_261 = arith.constant 1 : i32
        %add3A_262 = arith.addi %mul3A_83, %add3A_261 : i32
        %swap3A_263 = arith.index_cast %add3A_262 : i32 to index
        %swap3A_264 = arith.constant 96 : index
        %swap3A_265 = tpu.vector_load %arg12[%swap3A_263, %swap3A_264] {strides = array<i32>} : memref<128x128xf32, #tpu.memory_space<vmem>>, vector<16xf32>,
        tpu.vector_store %arg12[%swap3A_263, %swap3A_264], %mul3A_260 {strides = array<i32>} : memref<128x128xf32, #tpu.memory_space<vmem>>, vector<16xf32>,
        %slice3A_266 = vector.extract_strided_slice %exp3A {offsets = [15], sizes = [1], strides = [1]} : vector<16xf32> to vector<1xf32>
        %squeeze3A_267 = vector.extract %slice3A_266[0] : f32 from vector<1xf32>
        %broadcast_in_dim3A_268 = vector.broadcast %squeeze3A_267 : f32 to vector<16xf32>
        %add3A_269 = arith.constant 1 : i32
        %add3A_270 = arith.addi %mul3A_83, %add3A_269 : i32
        %get3A_271 = arith.index_cast %add3A_270 : i32 to index
        %get3A_272 = arith.constant 112 : index
        %get3A_273 = tpu.vector_load %arg12[%get3A_271, %get3A_272] {strides = array<i32>} : memref<128x128xf32, #tpu.memory_space<vmem>>, vector<16xf32>,
        %mul3A_274 = arith.mulf %get3A_273, %broadcast_in_dim3A_268 : vector<16xf32>
        %add3A_275 = arith.constant 1 : i32
        %add3A_276 = arith.addi %mul3A_83, %add3A_275 : i32
        %swap3A_277 = arith.index_cast %add3A_276 : i32 to index
        %swap3A_278 = arith.constant 112 : index
        %swap3A_279 = tpu.vector_load %arg12[%swap3A_277, %swap3A_278] {strides = array<i32>} : memref<128x128xf32, #tpu.memory_space<vmem>>, vector<16xf32>,
        tpu.vector_store %arg12[%swap3A_277, %swap3A_278], %mul3A_274 {strides = array<i32>} : memref<128x128xf32, #tpu.memory_space<vmem>>, vector<16xf32>,
      }
      %scan3A_80 = arith.constant 64 : i32
      "tpu.region"() ({
        %run_scoped3A = tpu.sem_alloc : memref<!tpu.dma_semaphore, #tpu.memory_space<semaphore_mem>>
        %dma_start3A_81 = arith.constant 0 : i32
        %dma_start3A_82 = tpu.memref_slice %arg11[%scan3A_40, %dma_start3A_81] : memref<81x128xi32, #tpu.memory_space<vmem>> -> memref<1x128xi32, #tpu.memory_space<vmem>>
        %dma_start3A_83 = tpu.memref_squeeze %dma_start3A_82 : memref<1x128xi32, #tpu.memory_space<vmem>> -> memref<128xi32, #tpu.memory_space<vmem>>
        %dma_start3A_84 = arith.constant 0 : i32
        %dma_start3A_85 = arith.constant 0 : i32
        %dma_start3A_86 = tpu.memref_slice %arg18[%dma_start3A_84, %dma_start3A_85] : memref<10240x8xf32, #tpu.memory_space<vmem_shared>> -> memref<10240x8xf32, #tpu.memory_space<vmem_shared>>
        tpu.enqueue_indirect_dma source(%arg15 : memref<128x8xf32, #tpu.memory_space<vmem>>) target(%dma_start3A_86 : memref<10240x8xf32, #tpu.memory_space<vmem_shared>>) offsets(%dma_start3A_83 : memref<128xi32, #tpu.memory_space<vmem>>) semaphore(%run_scoped3A : memref<!tpu.dma_semaphore, #tpu.memory_space<semaphore_mem>>) {add = true}
        %dma_wait3A_87 = arith.constant 0 : i32
        %dma_wait3A_88 = tpu.memref_slice %arg11[%scan3A_40, %dma_wait3A_87] : memref<81x128xi32, #tpu.memory_space<vmem>> -> memref<1x128xi32, #tpu.memory_space<vmem>>
        %dma_wait3A_89 = tpu.memref_squeeze %dma_wait3A_88 : memref<1x128xi32, #tpu.memory_space<vmem>> -> memref<128xi32, #tpu.memory_space<vmem>>
        %dma_wait3A_90 = arith.constant 0 : i32
        %dma_wait3A_91 = arith.constant 0 : i32
        %dma_wait3A_92 = tpu.memref_slice %arg18[%dma_wait3A_90, %dma_wait3A_91] : memref<10240x8xf32, #tpu.memory_space<vmem_shared>> -> memref<10240x8xf32, #tpu.memory_space<vmem_shared>>
        tpu.wait_indirect_dma semaphore(%run_scoped3A : memref<!tpu.dma_semaphore, #tpu.memory_space<semaphore_mem>>) src(%arg15 : memref<128x8xf32, #tpu.memory_space<vmem>>) dst(%dma_wait3A_92 : memref<10240x8xf32, #tpu.memory_space<vmem_shared>>)
        tpu.yield
      }) : () -> ()
      "tpu.region"() ({
        %run_scoped3A = tpu.sem_alloc : memref<!tpu.dma_semaphore, #tpu.memory_space<semaphore_mem>>
        %dma_start3A_81 = arith.constant 0 : i32
        %dma_start3A_82 = tpu.memref_slice %arg11[%scan3A_40, %dma_start3A_81] : memref<81x128xi32, #tpu.memory_space<vmem>> -> memref<1x128xi32, #tpu.memory_space<vmem>>
        %dma_start3A_83 = tpu.memref_squeeze %dma_start3A_82 : memref<1x128xi32, #tpu.memory_space<vmem>> -> memref<128xi32, #tpu.memory_space<vmem>>
        %dma_start3A_84 = arith.constant 0 : i32
        %dma_start3A_85 = arith.constant 0 : i32
        %dma_start3A_86 = tpu.memref_slice %arg17[%dma_start3A_84, %dma_start3A_85] : memref<10240x128xf32, #tpu.memory_space<vmem_shared>> -> memref<10240x128xf32, #tpu.memory_space<vmem_shared>>
        tpu.enqueue_indirect_dma source(%arg12 : memref<128x128xf32, #tpu.memory_space<vmem>>) target(%dma_start3A_86 : memref<10240x128xf32, #tpu.memory_space<vmem_shared>>) offsets(%dma_start3A_83 : memref<128xi32, #tpu.memory_space<vmem>>) semaphore(%run_scoped3A : memref<!tpu.dma_semaphore, #tpu.memory_space<semaphore_mem>>) {add = true}
        %dma_wait3A_87 = arith.constant 0 : i32
        %dma_wait3A_88 = tpu.memref_slice %arg11[%scan3A_40, %dma_wait3A_87] : memref<81x128xi32, #tpu.memory_space<vmem>> -> memref<1x128xi32, #tpu.memory_space<vmem>>
        %dma_wait3A_89 = tpu.memref_squeeze %dma_wait3A_88 : memref<1x128xi32, #tpu.memory_space<vmem>> -> memref<128xi32, #tpu.memory_space<vmem>>
        %dma_wait3A_90 = arith.constant 0 : i32
        %dma_wait3A_91 = arith.constant 0 : i32
        %dma_wait3A_92 = tpu.memref_slice %arg17[%dma_wait3A_90, %dma_wait3A_91] : memref<10240x128xf32, #tpu.memory_space<vmem_shared>> -> memref<10240x128xf32, #tpu.memory_space<vmem_shared>>
        tpu.wait_indirect_dma semaphore(%run_scoped3A : memref<!tpu.dma_semaphore, #tpu.memory_space<semaphore_mem>>) src(%arg12 : memref<128x128xf32, #tpu.memory_space<vmem>>) dst(%dma_wait3A_92 : memref<10240x128xf32, #tpu.memory_space<vmem_shared>>)
        tpu.yield
      }) : () -> ()
    }
    %scan3A_32 = arith.constant 81 : i32
    %barrier3A_33 = arith.constant 0 : index
    tpu.barrier barrier_id(%barrier3A_33)
    %scan3A_34 = arith.constant 0 : i32
    %scan3A_35 = arith.constant 0 : i32
    %scan3A_36 = arith.constant 5 : i32
    %scan3A_37 = arith.addi %scan3A_35, %scan3A_36 : i32
    %scan3A_38 = arith.constant 1 : i32
    scf.for %scan3A_40 = %scan3A_35 to %scan3A_37 step %scan3A_38  : i32 {
      %mul3A_41 = arith.constant 640 : i32
      %mul3A_42 = arith.muli %arg1, %mul3A_41 : i32
      %mul3A_43 = arith.constant 128 : i32
      %mul3A_44 = arith.muli %scan3A_40, %mul3A_43 : i32
      %add3A_45 = arith.addi %mul3A_42, %mul3A_44 : i32
      "tpu.region"() ({
        %run_scoped3A = tpu.sem_alloc : memref<!tpu.dma_semaphore, #tpu.memory_space<semaphore_mem>>
        %dma_start3A = arith.constant 0 : i32
        %dma_start3A_46 = tpu.memref_slice %arg17[%add3A_45, %dma_start3A] : memref<10240x128xf32, #tpu.memory_space<vmem_shared>> -> memref<128x128xf32, #tpu.memory_space<vmem_shared>>
        %dma_start3A_47 = arith.constant 0 : i32
        %dma_start3A_48 = tpu.memref_slice %arg17[%add3A_45, %dma_start3A_47] : memref<10240x128xf32, #tpu.memory_space<vmem_shared>> -> memref<128x128xf32, #tpu.memory_space<vmem_shared>>
        tpu.enqueue_dma source(%dma_start3A_48 : memref<128x128xf32, #tpu.memory_space<vmem_shared>>) target(%arg12 : memref<128x128xf32, #tpu.memory_space<vmem>>) target_semaphore(%run_scoped3A : memref<!tpu.dma_semaphore, #tpu.memory_space<semaphore_mem>>)
        %dma_wait3A = arith.constant 0 : i32
        %dma_wait3A_49 = tpu.memref_slice %arg17[%add3A_45, %dma_wait3A] : memref<10240x128xf32, #tpu.memory_space<vmem_shared>> -> memref<128x128xf32, #tpu.memory_space<vmem_shared>>
        %dma_wait3A_50 = arith.constant 0 : i32
        %dma_wait3A_51 = tpu.memref_slice %arg17[%add3A_45, %dma_wait3A_50] : memref<10240x128xf32, #tpu.memory_space<vmem_shared>> -> memref<128x128xf32, #tpu.memory_space<vmem_shared>>
        tpu.wait_dma2 semaphore(%run_scoped3A : memref<!tpu.dma_semaphore, #tpu.memory_space<semaphore_mem>>) src(%dma_wait3A_51 : memref<128x128xf32, #tpu.memory_space<vmem_shared>>) dst(%arg12 : memref<128x128xf32, #tpu.memory_space<vmem>>)
        tpu.yield
      }) : () -> ()
      "tpu.region"() ({
        %run_scoped3A = tpu.sem_alloc : memref<!tpu.dma_semaphore, #tpu.memory_space<semaphore_mem>>
        %dma_start3A = arith.constant 0 : i32
        %dma_start3A_46 = tpu.memref_slice %arg8[%arg0, %add3A_45, %dma_start3A] : memref<2x10240x128xf32, #tpu.memory_space<hbm>> -> memref<1x128x128xf32, #tpu.memory_space<hbm>>
        %dma_start3A_47 = tpu.memref_squeeze %dma_start3A_46 : memref<1x128x128xf32, #tpu.memory_space<hbm>> -> memref<128x128xf32, #tpu.memory_space<hbm>>
        %dma_start3A_48 = arith.constant 0 : i32
        %dma_start3A_49 = tpu.memref_slice %arg8[%arg0, %add3A_45, %dma_start3A_48] : memref<2x10240x128xf32, #tpu.memory_space<hbm>> -> memref<1x128x128xf32, #tpu.memory_space<hbm>>
        %dma_start3A_50 = tpu.memref_squeeze %dma_start3A_49 : memref<1x128x128xf32, #tpu.memory_space<hbm>> -> memref<128x128xf32, #tpu.memory_space<hbm>>
        tpu.enqueue_dma source(%arg12 : memref<128x128xf32, #tpu.memory_space<vmem>>) target(%dma_start3A_50 : memref<128x128xf32, #tpu.memory_space<hbm>>) target_semaphore(%run_scoped3A : memref<!tpu.dma_semaphore, #tpu.memory_space<semaphore_mem>>)
        %dma_wait3A = arith.constant 0 : i32
        %dma_wait3A_51 = tpu.memref_slice %arg8[%arg0, %add3A_45, %dma_wait3A] : memref<2x10240x128xf32, #tpu.memory_space<hbm>> -> memref<1x128x128xf32, #tpu.memory_space<hbm>>
        %dma_wait3A_52 = tpu.memref_squeeze %dma_wait3A_51 : memref<1x128x128xf32, #tpu.memory_space<hbm>> -> memref<128x128xf32, #tpu.memory_space<hbm>>
        %dma_wait3A_53 = arith.constant 0 : i32
        %dma_wait3A_54 = tpu.memref_slice %arg8[%arg0, %add3A_45, %dma_wait3A_53] : memref<2x10240x128xf32, #tpu.memory_space<hbm>> -> memref<1x128x128xf32, #tpu.memory_space<hbm>>
        %dma_wait3A_55 = tpu.memref_squeeze %dma_wait3A_54 : memref<1x128x128xf32, #tpu.memory_space<hbm>> -> memref<128x128xf32, #tpu.memory_space<hbm>>
        tpu.wait_dma2 semaphore(%run_scoped3A : memref<!tpu.dma_semaphore, #tpu.memory_space<semaphore_mem>>) src(%arg12 : memref<128x128xf32, #tpu.memory_space<vmem>>) dst(%dma_wait3A_55 : memref<128x128xf32, #tpu.memory_space<hbm>>)
        tpu.yield
      }) : () -> ()
      "tpu.region"() ({
        %run_scoped3A = tpu.sem_alloc : memref<!tpu.dma_semaphore, #tpu.memory_space<semaphore_mem>>
        %dma_start3A = arith.constant 0 : i32
        %dma_start3A_46 = tpu.memref_slice %arg18[%add3A_45, %dma_start3A] : memref<10240x8xf32, #tpu.memory_space<vmem_shared>> -> memref<128x8xf32, #tpu.memory_space<vmem_shared>>
        %dma_start3A_47 = arith.constant 0 : i32
        %dma_start3A_48 = tpu.memref_slice %arg18[%add3A_45, %dma_start3A_47] : memref<10240x8xf32, #tpu.memory_space<vmem_shared>> -> memref<128x8xf32, #tpu.memory_space<vmem_shared>>
        tpu.enqueue_dma source(%dma_start3A_48 : memref<128x8xf32, #tpu.memory_space<vmem_shared>>) target(%arg15 : memref<128x8xf32, #tpu.memory_space<vmem>>) target_semaphore(%run_scoped3A : memref<!tpu.dma_semaphore, #tpu.memory_space<semaphore_mem>>)
        %dma_wait3A = arith.constant 0 : i32
        %dma_wait3A_49 = tpu.memref_slice %arg18[%add3A_45, %dma_wait3A] : memref<10240x8xf32, #tpu.memory_space<vmem_shared>> -> memref<128x8xf32, #tpu.memory_space<vmem_shared>>
        %dma_wait3A_50 = arith.constant 0 : i32
        %dma_wait3A_51 = tpu.memref_slice %arg18[%add3A_45, %dma_wait3A_50] : memref<10240x8xf32, #tpu.memory_space<vmem_shared>> -> memref<128x8xf32, #tpu.memory_space<vmem_shared>>
        tpu.wait_dma2 semaphore(%run_scoped3A : memref<!tpu.dma_semaphore, #tpu.memory_space<semaphore_mem>>) src(%dma_wait3A_51 : memref<128x8xf32, #tpu.memory_space<vmem_shared>>) dst(%arg15 : memref<128x8xf32, #tpu.memory_space<vmem>>)
        tpu.yield
      }) : () -> ()
      "tpu.region"() ({
        %run_scoped3A = tpu.sem_alloc : memref<!tpu.dma_semaphore, #tpu.memory_space<semaphore_mem>>
        %dma_start3A = arith.constant 0 : i32
        %dma_start3A_46 = tpu.memref_slice %arg9[%arg0, %add3A_45, %dma_start3A] : memref<2x10240x8xf32, #tpu.memory_space<hbm>> -> memref<1x128x8xf32, #tpu.memory_space<hbm>>
        %dma_start3A_47 = tpu.memref_squeeze %dma_start3A_46 : memref<1x128x8xf32, #tpu.memory_space<hbm>> -> memref<128x8xf32, #tpu.memory_space<hbm>>
        %dma_start3A_48 = arith.constant 0 : i32
        %dma_start3A_49 = tpu.memref_slice %arg9[%arg0, %add3A_45, %dma_start3A_48] : memref<2x10240x8xf32, #tpu.memory_space<hbm>> -> memref<1x128x8xf32, #tpu.memory_space<hbm>>
        %dma_start3A_50 = tpu.memref_squeeze %dma_start3A_49 : memref<1x128x8xf32, #tpu.memory_space<hbm>> -> memref<128x8xf32, #tpu.memory_space<hbm>>
        tpu.enqueue_dma source(%arg15 : memref<128x8xf32, #tpu.memory_space<vmem>>) target(%dma_start3A_50 : memref<128x8xf32, #tpu.memory_space<hbm>>) target_semaphore(%run_scoped3A : memref<!tpu.dma_semaphore, #tpu.memory_space<semaphore_mem>>)
        %dma_wait3A = arith.constant 0 : i32
        %dma_wait3A_51 = tpu.memref_slice %arg9[%arg0, %add3A_45, %dma_wait3A] : memref<2x10240x8xf32, #tpu.memory_space<hbm>> -> memref<1x128x8xf32, #tpu.memory_space<hbm>>
        %dma_wait3A_52 = tpu.memref_squeeze %dma_wait3A_51 : memref<1x128x8xf32, #tpu.memory_space<hbm>> -> memref<128x8xf32, #tpu.memory_space<hbm>>
        %dma_wait3A_53 = arith.constant 0 : i32
        %dma_wait3A_54 = tpu.memref_slice %arg9[%arg0, %add3A_45, %dma_wait3A_53] : memref<2x10240x8xf32, #tpu.memory_space<hbm>> -> memref<1x128x8xf32, #tpu.memory_space<hbm>>
        %dma_wait3A_55 = tpu.memref_squeeze %dma_wait3A_54 : memref<1x128x8xf32, #tpu.memory_space<hbm>> -> memref<128x8xf32, #tpu.memory_space<hbm>>
        tpu.wait_dma2 semaphore(%run_scoped3A : memref<!tpu.dma_semaphore, #tpu.memory_space<semaphore_mem>>) src(%arg15 : memref<128x8xf32, #tpu.memory_space<vmem>>) dst(%dma_wait3A_55 : memref<128x8xf32, #tpu.memory_space<hbm>>)
        tpu.yield
      }) : () -> ()
    }
    %scan3A_39 = arith.constant 5 : i32
    return
  }
}

module attributes {stable_mosaic.version = 14 : i64} {
  func.func @_mm_attn_body(%arg0: i32, %arg1: memref<256x128xf32, #tpu.memory_space<vmem>>, %arg2: memref<128x128xf32, #tpu.memory_space<vmem>>, %arg3: memref<128x16xf32, #tpu.memory_space<vmem>>, %arg4: memref<256x128xf32, #tpu.memory_space<vmem>>, %arg5: memref<256x16xf32, #tpu.memory_space<vmem>>, %arg6: memref<1x16xf32, #tpu.memory_space<vmem>>) attributes {dimension_semantics = [#tpu.dimension_semantics<arbitrary>], iteration_bounds = array<i64: 40>, scalar_prefetch = 0 : i64, scratch_operands = 0 : i64, tpu.core_type = #tpu.core_type<tc>, window_params = [{transform_indices = @transform_0, window_bounds = array<i64: 256, 128>}, {pipeline_mode = #tpu.pipeline_mode<synchronous>, transform_indices = @transform_1, window_bounds = array<i64: 128, 128>}, {pipeline_mode = #tpu.pipeline_mode<synchronous>, transform_indices = @transform_2, window_bounds = array<i64: 128, 16>}, {transform_indices = @transform_3, window_bounds = array<i64: 256, 128>}, {transform_indices = @transform_4, window_bounds = array<i64: 256, 16>}, {pipeline_mode = #tpu.pipeline_mode<synchronous>, transform_indices = @transform_5, window_bounds = array<i64: 1, 16>}]} {
    %get3A = arith.constant 0 : index
    %get3A_0 = arith.constant 0 : index
    %get3A_1 = vector.load %arg1[%get3A, %get3A_0] : memref<256x128xf32, #tpu.memory_space<vmem>>, vector<256x128xf32>
    %get3A_2 = arith.constant 0 : index
    %get3A_3 = arith.constant 0 : index
    %get3A_4 = vector.load %arg2[%get3A_2, %get3A_3] : memref<128x128xf32, #tpu.memory_space<vmem>>, vector<128x128xf32>
    %dot_general3A = arith.constant dense<0.000000e+00> : vector<256x128xf32>
    %dot_general3A_5 = tpu.matmul %get3A_1, %get3A_4, %dot_general3A {dimension_numbers = #tpu.dot_dimension_numbers<[1], [0], [0], [1], [0, 0, 1, 1], [], []>, transpose_lhs_hint = false} : vector<256x128xf32>, vector<128x128xf32>, vector<256x128xf32> -> vector<256x128xf32>
    %swap3A = arith.constant 0 : index
    %swap3A_6 = arith.constant 0 : index
    %swap3A_7 = vector.load %arg4[%swap3A, %swap3A_6] : memref<256x128xf32, #tpu.memory_space<vmem>>, vector<256x128xf32>
    tpu.vector_store %arg4[%swap3A, %swap3A_6], %dot_general3A_5 {strides = array<i32>} : memref<256x128xf32, #tpu.memory_space<vmem>>, vector<256x128xf32>,
    %get3A_8 = arith.constant 0 : index
    %get3A_9 = arith.constant 0 : index
    %get3A_10 = vector.load %arg3[%get3A_8, %get3A_9] : memref<128x16xf32, #tpu.memory_space<vmem>>, vector<128x16xf32>
    %dot_general3A_11 = arith.constant dense<0.000000e+00> : vector<256x16xf32>
    %dot_general3A_12 = tpu.matmul %dot_general3A_5, %get3A_10, %dot_general3A_11 {dimension_numbers = #tpu.dot_dimension_numbers<[1], [0], [0], [1], [0, 0, 1, 1], [], []>, transpose_lhs_hint = false} : vector<256x128xf32>, vector<128x16xf32>, vector<256x16xf32> -> vector<256x16xf32>
    %swap3A_13 = arith.constant 0 : index
    %swap3A_14 = arith.constant 0 : index
    %swap3A_15 = vector.load %arg5[%swap3A_13, %swap3A_14] : memref<256x16xf32, #tpu.memory_space<vmem>>, vector<256x16xf32>
    tpu.vector_store %arg5[%swap3A_13, %swap3A_14], %dot_general3A_12 {strides = array<i32>} : memref<256x16xf32, #tpu.memory_space<vmem>>, vector<256x16xf32>,
    %reduce_max3A = arith.constant dense<0xFF800000> : vector<16xf32>
    %reduce_max3A_16 = vector.multi_reduction <maximumf>, %dot_general3A_12, %reduce_max3A [0] : vector<256x16xf32> to vector<16xf32>
    %broadcast_in_dim3A = vector.shape_cast %reduce_max3A_16 : vector<16xf32> to vector<1x16xf32>
    %eq3A = arith.constant 0 : i32
    %eq3A_17 = arith.cmpi eq, %arg0, %eq3A : i32
    %convert_element_type3A = arith.extui %eq3A_17 : i1 to i32
    %cond3A = arith.constant 0 : i32
    %cond3A_18 = arith.cmpi ne, %convert_element_type3A, %cond3A : i32
    scf.if %cond3A_18 {
      %broadcast_in_dim3A_30 = arith.constant 0xFF800000 : f32
      %broadcast_in_dim3A_31 = vector.broadcast %broadcast_in_dim3A_30 : f32 to vector<1x16xf32>
      %swap3A_32 = arith.constant 0 : index
      %swap3A_33 = arith.constant 0 : index
      %swap3A_34 = vector.load %arg6[%swap3A_32, %swap3A_33] : memref<1x16xf32, #tpu.memory_space<vmem>>, vector<1x16xf32>
      tpu.vector_store %arg6[%swap3A_32, %swap3A_33], %broadcast_in_dim3A_31 {strides = array<i32>} : memref<1x16xf32, #tpu.memory_space<vmem>>, vector<1x16xf32>,
    } else {
    }
    %get3A_19 = arith.constant 0 : index
    %get3A_20 = arith.constant 0 : index
    %get3A_21 = vector.load %arg6[%get3A_19, %get3A_20] : memref<1x16xf32, #tpu.memory_space<vmem>>, vector<1x16xf32>
    %max3A = arith.maximumf %get3A_21, %broadcast_in_dim3A : vector<1x16xf32>
    %swap3A_22 = arith.constant 0 : index
    %swap3A_23 = arith.constant 0 : index
    %swap3A_24 = vector.load %arg6[%swap3A_22, %swap3A_23] : memref<1x16xf32, #tpu.memory_space<vmem>>, vector<1x16xf32>
    tpu.vector_store %arg6[%swap3A_22, %swap3A_23], %max3A {strides = array<i32>} : memref<1x16xf32, #tpu.memory_space<vmem>>, vector<1x16xf32>,
    %eq3A_25 = arith.constant 39 : i32
    %eq3A_26 = arith.cmpi eq, %arg0, %eq3A_25 : i32
    %convert_element_type3A_27 = arith.extui %eq3A_26 : i1 to i32
    %cond3A_28 = arith.constant 0 : i32
    %cond3A_29 = arith.cmpi ne, %convert_element_type3A_27, %cond3A_28 : i32
    scf.if %cond3A_29 {
      %get3A_30 = arith.constant 0 : index
      %get3A_31 = arith.constant 0 : index
      %get3A_32 = vector.load %arg6[%get3A_30, %get3A_31] : memref<1x16xf32, #tpu.memory_space<vmem>>, vector<1x16xf32>
      %slice3A = vector.extract_strided_slice %get3A_32 {offsets = [0, 0], sizes = [1, 8], strides = [1, 1]} : vector<1x16xf32> to vector<1x8xf32>
      %slice3A_33 = vector.extract_strided_slice %get3A_32 {offsets = [0, 8], sizes = [1, 8], strides = [1, 1]} : vector<1x16xf32> to vector<1x8xf32>
      %add3A = arith.addf %slice3A, %slice3A_33 : vector<1x8xf32>
      %mul3A = arith.constant 2.000000e-01 : f32
      %mul3A_34 = vector.broadcast %mul3A : f32 to vector<1x8xf32>
      %mul3A_35 = arith.mulf %mul3A_34, %add3A : vector<1x8xf32>
      %max3A_36 = arith.maximumf %add3A, %mul3A_35 : vector<1x8xf32>
      %concatenate3A = tpu.concatenate %max3A_36, %max3A_36 in 1 : vector<1x8xf32>, vector<1x8xf32> -> vector<1x16xf32>
      %swap3A_37 = arith.constant 0 : index
      %swap3A_38 = arith.constant 0 : index
      %swap3A_39 = vector.load %arg6[%swap3A_37, %swap3A_38] : memref<1x16xf32, #tpu.memory_space<vmem>>, vector<1x16xf32>
      tpu.vector_store %arg6[%swap3A_37, %swap3A_38], %concatenate3A {strides = array<i32>} : memref<1x16xf32, #tpu.memory_space<vmem>>, vector<1x16xf32>,
    } else {
    }
    return
  }
  func.func @transform_0(%arg0: i32) -> (i32, i32) {
    %c0_i32 = arith.constant 0 : i32
    %c0_i32_0 = arith.constant 0 : i32
    return %arg0, %c0_i32 : i32, i32
  }
  func.func @transform_1(%arg0: i32) -> (i32, i32) {
    %c0_i32 = arith.constant 0 : i32
    %c0_i32_0 = arith.constant 0 : i32
    %c0_i32_1 = arith.constant 0 : i32
    return %c0_i32, %c0_i32_0 : i32, i32
  }
  func.func @transform_2(%arg0: i32) -> (i32, i32) {
    %c0_i32 = arith.constant 0 : i32
    %c0_i32_0 = arith.constant 0 : i32
    %c0_i32_1 = arith.constant 0 : i32
    return %c0_i32, %c0_i32_0 : i32, i32
  }
  func.func @transform_3(%arg0: i32) -> (i32, i32) {
    %c0_i32 = arith.constant 0 : i32
    %c0_i32_0 = arith.constant 0 : i32
    return %arg0, %c0_i32 : i32, i32
  }
  func.func @transform_4(%arg0: i32) -> (i32, i32) {
    %c0_i32 = arith.constant 0 : i32
    %c0_i32_0 = arith.constant 0 : i32
    return %arg0, %c0_i32 : i32, i32
  }
  func.func @transform_5(%arg0: i32) -> (i32, i32) {
    %c0_i32 = arith.constant 0 : i32
    %c0_i32_0 = arith.constant 0 : i32
    %c0_i32_1 = arith.constant 0 : i32
    return %c0_i32, %c0_i32_0 : i32, i32
  }
}

module attributes {stable_mosaic.version = 14 : i64} {
  func.func @_fin_body(%arg0: i32, %arg1: memref<2x256x128xf32, #tpu.memory_space<vmem>>, %arg2: memref<2x256x8xf32, #tpu.memory_space<vmem>>, %arg3: memref<8x128xf32, #tpu.memory_space<vmem>>, %arg4: memref<1x128xf32, #tpu.memory_space<vmem>>, %arg5: memref<128x128xf32, #tpu.memory_space<vmem>>, %arg6: memref<128x16xf32, #tpu.memory_space<vmem>>, %arg7: memref<256x128xf32, #tpu.memory_space<vmem>>, %arg8: memref<256x16xf32, #tpu.memory_space<vmem>>, %arg9: memref<1x16xf32, #tpu.memory_space<vmem>>) attributes {dimension_semantics = [#tpu.dimension_semantics<arbitrary>], iteration_bounds = array<i64: 40>, scalar_prefetch = 0 : i64, scratch_operands = 0 : i64, tpu.core_type = #tpu.core_type<tc>, window_params = [{transform_indices = @transform_0, window_bounds = array<i64: 2, 256, 128>}, {transform_indices = @transform_1, window_bounds = array<i64: 2, 256, 8>}, {pipeline_mode = #tpu.pipeline_mode<synchronous>, transform_indices = @transform_2, window_bounds = array<i64: 8, 128>}, {pipeline_mode = #tpu.pipeline_mode<synchronous>, transform_indices = @transform_3, window_bounds = array<i64: 1, 128>}, {pipeline_mode = #tpu.pipeline_mode<synchronous>, transform_indices = @transform_4, window_bounds = array<i64: 128, 128>}, {pipeline_mode = #tpu.pipeline_mode<synchronous>, transform_indices = @transform_5, window_bounds = array<i64: 128, 16>}, {transform_indices = @transform_6, window_bounds = array<i64: 256, 128>}, {transform_indices = @transform_7, window_bounds = array<i64: 256, 16>}, {pipeline_mode = #tpu.pipeline_mode<synchronous>, transform_indices = @transform_8, window_bounds = array<i64: 1, 16>}]} {
    %get3A = arith.constant 0 : index
    %get3A_0 = arith.constant 0 : index
    %get3A_1 = arith.constant 0 : index
    %get3A_2 = vector.load %arg1[%get3A, %get3A_0, %get3A_1] : memref<2x256x128xf32, #tpu.memory_space<vmem>>, vector<1x256x128xf32>
    %get3A_3 = vector.shape_cast %get3A_2 : vector<1x256x128xf32> to vector<256x128xf32>
    %get3A_4 = arith.constant 1 : index
    %get3A_5 = arith.constant 0 : index
    %get3A_6 = arith.constant 0 : index
    %get3A_7 = vector.load %arg1[%get3A_4, %get3A_5, %get3A_6] : memref<2x256x128xf32, #tpu.memory_space<vmem>>, vector<1x256x128xf32>
    %get3A_8 = vector.shape_cast %get3A_7 : vector<1x256x128xf32> to vector<256x128xf32>
    %add3A = arith.addf %get3A_3, %get3A_8 : vector<256x128xf32>
    %get3A_9 = arith.constant 0 : index
    %get3A_10 = arith.constant 0 : index
    %get3A_11 = arith.constant 0 : index
    %get3A_12 = vector.load %arg2[%get3A_9, %get3A_10, %get3A_11] : memref<2x256x8xf32, #tpu.memory_space<vmem>>, vector<1x256x8xf32>
    %get3A_13 = vector.shape_cast %get3A_12 : vector<1x256x8xf32> to vector<256x8xf32>
    %get3A_14 = arith.constant 1 : index
    %get3A_15 = arith.constant 0 : index
    %get3A_16 = arith.constant 0 : index
    %get3A_17 = vector.load %arg2[%get3A_14, %get3A_15, %get3A_16] : memref<2x256x8xf32, #tpu.memory_space<vmem>>, vector<1x256x8xf32>
    %get3A_18 = vector.shape_cast %get3A_17 : vector<1x256x8xf32> to vector<256x8xf32>
    %add3A_19 = arith.addf %get3A_13, %get3A_18 : vector<256x8xf32>
    %get3A_20 = arith.constant 0 : index
    %get3A_21 = arith.constant 0 : index
    %get3A_22 = vector.load %arg3[%get3A_20, %get3A_21] : memref<8x128xf32, #tpu.memory_space<vmem>>, vector<8x128xf32>
    %dot_general3A = arith.constant dense<0.000000e+00> : vector<256x128xf32>
    %dot_general3A_23 = tpu.matmul %add3A_19, %get3A_22, %dot_general3A {dimension_numbers = #tpu.dot_dimension_numbers<[1], [0], [0], [1], [0, 0, 1, 1], [], []>, transpose_lhs_hint = false} : vector<256x8xf32>, vector<8x128xf32>, vector<256x128xf32> -> vector<256x128xf32>
    %add3A_24 = arith.constant 1.000000e-16 : f32
    %add3A_25 = vector.broadcast %add3A_24 : f32 to vector<256x128xf32>
    %add3A_26 = arith.addf %dot_general3A_23, %add3A_25 : vector<256x128xf32>
    %div3A = arith.divf %add3A, %add3A_26 : vector<256x128xf32>
    %get3A_27 = arith.constant 0 : index
    %get3A_28 = arith.constant 0 : index
    %get3A_29 = vector.load %arg4[%get3A_27, %get3A_28] : memref<1x128xf32, #tpu.memory_space<vmem>>, vector<1x128xf32>
    %add3A_30 = vector.broadcast %get3A_29 : vector<1x128xf32> to vector<256x128xf32>
    %add3A_31 = arith.addf %div3A, %add3A_30 : vector<256x128xf32>
    %max3A = arith.constant 0.000000e+00 : f32
    %max3A_32 = vector.broadcast %max3A : f32 to vector<256x128xf32>
    %max3A_33 = arith.maximumf %add3A_31, %max3A_32 : vector<256x128xf32>
    %get3A_34 = arith.constant 0 : index
    %get3A_35 = arith.constant 0 : index
    %get3A_36 = vector.load %arg5[%get3A_34, %get3A_35] : memref<128x128xf32, #tpu.memory_space<vmem>>, vector<128x128xf32>
    %dot_general3A_37 = arith.constant dense<0.000000e+00> : vector<256x128xf32>
    %dot_general3A_38 = tpu.matmul %max3A_33, %get3A_36, %dot_general3A_37 {dimension_numbers = #tpu.dot_dimension_numbers<[1], [0], [0], [1], [0, 0, 1, 1], [], []>, transpose_lhs_hint = false} : vector<256x128xf32>, vector<128x128xf32>, vector<256x128xf32> -> vector<256x128xf32>
    %swap3A = arith.constant 0 : index
    %swap3A_39 = arith.constant 0 : index
    %swap3A_40 = vector.load %arg7[%swap3A, %swap3A_39] : memref<256x128xf32, #tpu.memory_space<vmem>>, vector<256x128xf32>
    tpu.vector_store %arg7[%swap3A, %swap3A_39], %dot_general3A_38 {strides = array<i32>} : memref<256x128xf32, #tpu.memory_space<vmem>>, vector<256x128xf32>,
    %get3A_41 = arith.constant 0 : index
    %get3A_42 = arith.constant 0 : index
    %get3A_43 = vector.load %arg6[%get3A_41, %get3A_42] : memref<128x16xf32, #tpu.memory_space<vmem>>, vector<128x16xf32>
    %dot_general3A_44 = arith.constant dense<0.000000e+00> : vector<256x16xf32>
    %dot_general3A_45 = tpu.matmul %dot_general3A_38, %get3A_43, %dot_general3A_44 {dimension_numbers = #tpu.dot_dimension_numbers<[1], [0], [0], [1], [0, 0, 1, 1], [], []>, transpose_lhs_hint = false} : vector<256x128xf32>, vector<128x16xf32>, vector<256x16xf32> -> vector<256x16xf32>
    %swap3A_46 = arith.constant 0 : index
    %swap3A_47 = arith.constant 0 : index
    %swap3A_48 = vector.load %arg8[%swap3A_46, %swap3A_47] : memref<256x16xf32, #tpu.memory_space<vmem>>, vector<256x16xf32>
    tpu.vector_store %arg8[%swap3A_46, %swap3A_47], %dot_general3A_45 {strides = array<i32>} : memref<256x16xf32, #tpu.memory_space<vmem>>, vector<256x16xf32>,
    %reduce_max3A = arith.constant dense<0xFF800000> : vector<16xf32>
    %reduce_max3A_49 = vector.multi_reduction <maximumf>, %dot_general3A_45, %reduce_max3A [0] : vector<256x16xf32> to vector<16xf32>
    %broadcast_in_dim3A = vector.shape_cast %reduce_max3A_49 : vector<16xf32> to vector<1x16xf32>
    %eq3A = arith.constant 0 : i32
    %eq3A_50 = arith.cmpi eq, %arg0, %eq3A : i32
    %convert_element_type3A = arith.extui %eq3A_50 : i1 to i32
    %cond3A = arith.constant 0 : i32
    %cond3A_51 = arith.cmpi ne, %convert_element_type3A, %cond3A : i32
    scf.if %cond3A_51 {
      %broadcast_in_dim3A_64 = arith.constant 0xFF800000 : f32
      %broadcast_in_dim3A_65 = vector.broadcast %broadcast_in_dim3A_64 : f32 to vector<1x16xf32>
      %swap3A_66 = arith.constant 0 : index
      %swap3A_67 = arith.constant 0 : index
      %swap3A_68 = vector.load %arg9[%swap3A_66, %swap3A_67] : memref<1x16xf32, #tpu.memory_space<vmem>>, vector<1x16xf32>
      tpu.vector_store %arg9[%swap3A_66, %swap3A_67], %broadcast_in_dim3A_65 {strides = array<i32>} : memref<1x16xf32, #tpu.memory_space<vmem>>, vector<1x16xf32>,
    } else {
    }
    %get3A_52 = arith.constant 0 : index
    %get3A_53 = arith.constant 0 : index
    %get3A_54 = vector.load %arg9[%get3A_52, %get3A_53] : memref<1x16xf32, #tpu.memory_space<vmem>>, vector<1x16xf32>
    %max3A_55 = arith.maximumf %get3A_54, %broadcast_in_dim3A : vector<1x16xf32>
    %swap3A_56 = arith.constant 0 : index
    %swap3A_57 = arith.constant 0 : index
    %swap3A_58 = vector.load %arg9[%swap3A_56, %swap3A_57] : memref<1x16xf32, #tpu.memory_space<vmem>>, vector<1x16xf32>
    tpu.vector_store %arg9[%swap3A_56, %swap3A_57], %max3A_55 {strides = array<i32>} : memref<1x16xf32, #tpu.memory_space<vmem>>, vector<1x16xf32>,
    %eq3A_59 = arith.constant 39 : i32
    %eq3A_60 = arith.cmpi eq, %arg0, %eq3A_59 : i32
    %convert_element_type3A_61 = arith.extui %eq3A_60 : i1 to i32
    %cond3A_62 = arith.constant 0 : i32
    %cond3A_63 = arith.cmpi ne, %convert_element_type3A_61, %cond3A_62 : i32
    scf.if %cond3A_63 {
      %get3A_64 = arith.constant 0 : index
      %get3A_65 = arith.constant 0 : index
      %get3A_66 = vector.load %arg9[%get3A_64, %get3A_65] : memref<1x16xf32, #tpu.memory_space<vmem>>, vector<1x16xf32>
      %slice3A = vector.extract_strided_slice %get3A_66 {offsets = [0, 0], sizes = [1, 8], strides = [1, 1]} : vector<1x16xf32> to vector<1x8xf32>
      %slice3A_67 = vector.extract_strided_slice %get3A_66 {offsets = [0, 8], sizes = [1, 8], strides = [1, 1]} : vector<1x16xf32> to vector<1x8xf32>
      %add3A_68 = arith.addf %slice3A, %slice3A_67 : vector<1x8xf32>
      %mul3A = arith.constant 2.000000e-01 : f32
      %mul3A_69 = vector.broadcast %mul3A : f32 to vector<1x8xf32>
      %mul3A_70 = arith.mulf %mul3A_69, %add3A_68 : vector<1x8xf32>
      %max3A_71 = arith.maximumf %add3A_68, %mul3A_70 : vector<1x8xf32>
      %concatenate3A = tpu.concatenate %max3A_71, %max3A_71 in 1 : vector<1x8xf32>, vector<1x8xf32> -> vector<1x16xf32>
      %swap3A_72 = arith.constant 0 : index
      %swap3A_73 = arith.constant 0 : index
      %swap3A_74 = vector.load %arg9[%swap3A_72, %swap3A_73] : memref<1x16xf32, #tpu.memory_space<vmem>>, vector<1x16xf32>
      tpu.vector_store %arg9[%swap3A_72, %swap3A_73], %concatenate3A {strides = array<i32>} : memref<1x16xf32, #tpu.memory_space<vmem>>, vector<1x16xf32>,
    } else {
    }
    return
  }
  func.func @transform_0(%arg0: i32) -> (i32, i32, i32) {
    %c0_i32 = arith.constant 0 : i32
    %c0_i32_0 = arith.constant 0 : i32
    %c0_i32_1 = arith.constant 0 : i32
    return %c0_i32, %arg0, %c0_i32_0 : i32, i32, i32
  }
  func.func @transform_1(%arg0: i32) -> (i32, i32, i32) {
    %c0_i32 = arith.constant 0 : i32
    %c0_i32_0 = arith.constant 0 : i32
    %c0_i32_1 = arith.constant 0 : i32
    return %c0_i32, %arg0, %c0_i32_0 : i32, i32, i32
  }
  func.func @transform_2(%arg0: i32) -> (i32, i32) {
    %c0_i32 = arith.constant 0 : i32
    %c0_i32_0 = arith.constant 0 : i32
    %c0_i32_1 = arith.constant 0 : i32
    return %c0_i32, %c0_i32_0 : i32, i32
  }
  func.func @transform_3(%arg0: i32) -> (i32, i32) {
    %c0_i32 = arith.constant 0 : i32
    %c0_i32_0 = arith.constant 0 : i32
    %c0_i32_1 = arith.constant 0 : i32
    return %c0_i32, %c0_i32_0 : i32, i32
  }
  func.func @transform_4(%arg0: i32) -> (i32, i32) {
    %c0_i32 = arith.constant 0 : i32
    %c0_i32_0 = arith.constant 0 : i32
    %c0_i32_1 = arith.constant 0 : i32
    return %c0_i32, %c0_i32_0 : i32, i32
  }
  func.func @transform_5(%arg0: i32) -> (i32, i32) {
    %c0_i32 = arith.constant 0 : i32
    %c0_i32_0 = arith.constant 0 : i32
    %c0_i32_1 = arith.constant 0 : i32
    return %c0_i32, %c0_i32_0 : i32, i32
  }
  func.func @transform_6(%arg0: i32) -> (i32, i32) {
    %c0_i32 = arith.constant 0 : i32
    %c0_i32_0 = arith.constant 0 : i32
    return %arg0, %c0_i32 : i32, i32
  }
  func.func @transform_7(%arg0: i32) -> (i32, i32) {
    %c0_i32 = arith.constant 0 : i32
    %c0_i32_0 = arith.constant 0 : i32
    return %arg0, %c0_i32 : i32, i32
  }
  func.func @transform_8(%arg0: i32) -> (i32, i32) {
    %c0_i32 = arith.constant 0 : i32
    %c0_i32_0 = arith.constant 0 : i32
    %c0_i32_1 = arith.constant 0 : i32
    return %c0_i32, %c0_i32_0 : i32, i32
  }
}

module attributes {stable_mosaic.version = 14 : i64} {
  func.func @_out_body(%arg0: i32, %arg1: memref<2x256x128xf32, #tpu.memory_space<vmem>>, %arg2: memref<2x256x8xf32, #tpu.memory_space<vmem>>, %arg3: memref<8x128xf32, #tpu.memory_space<vmem>>, %arg4: memref<1x128xf32, #tpu.memory_space<vmem>>, %arg5: memref<128x128xf32, #tpu.memory_space<vmem>>, %arg6: memref<1x128xf32, #tpu.memory_space<vmem>>, %arg7: memref<256x128xf32, #tpu.memory_space<vmem>>) attributes {dimension_semantics = [#tpu.dimension_semantics<arbitrary>], iteration_bounds = array<i64: 40>, scalar_prefetch = 0 : i64, scratch_operands = 0 : i64, tpu.core_type = #tpu.core_type<tc>, window_params = [{transform_indices = @transform_0, window_bounds = array<i64: 2, 256, 128>}, {transform_indices = @transform_1, window_bounds = array<i64: 2, 256, 8>}, {pipeline_mode = #tpu.pipeline_mode<synchronous>, transform_indices = @transform_2, window_bounds = array<i64: 8, 128>}, {pipeline_mode = #tpu.pipeline_mode<synchronous>, transform_indices = @transform_3, window_bounds = array<i64: 1, 128>}, {pipeline_mode = #tpu.pipeline_mode<synchronous>, transform_indices = @transform_4, window_bounds = array<i64: 128, 128>}, {pipeline_mode = #tpu.pipeline_mode<synchronous>, transform_indices = @transform_5, window_bounds = array<i64: 1, 128>}, {transform_indices = @transform_6, window_bounds = array<i64: 256, 128>}]} {
    %get3A = arith.constant 0 : index
    %get3A_0 = arith.constant 0 : index
    %get3A_1 = arith.constant 0 : index
    %get3A_2 = vector.load %arg1[%get3A, %get3A_0, %get3A_1] : memref<2x256x128xf32, #tpu.memory_space<vmem>>, vector<1x256x128xf32>
    %get3A_3 = vector.shape_cast %get3A_2 : vector<1x256x128xf32> to vector<256x128xf32>
    %get3A_4 = arith.constant 1 : index
    %get3A_5 = arith.constant 0 : index
    %get3A_6 = arith.constant 0 : index
    %get3A_7 = vector.load %arg1[%get3A_4, %get3A_5, %get3A_6] : memref<2x256x128xf32, #tpu.memory_space<vmem>>, vector<1x256x128xf32>
    %get3A_8 = vector.shape_cast %get3A_7 : vector<1x256x128xf32> to vector<256x128xf32>
    %add3A = arith.addf %get3A_3, %get3A_8 : vector<256x128xf32>
    %get3A_9 = arith.constant 0 : index
    %get3A_10 = arith.constant 0 : index
    %get3A_11 = arith.constant 0 : index
    %get3A_12 = vector.load %arg2[%get3A_9, %get3A_10, %get3A_11] : memref<2x256x8xf32, #tpu.memory_space<vmem>>, vector<1x256x8xf32>
    %get3A_13 = vector.shape_cast %get3A_12 : vector<1x256x8xf32> to vector<256x8xf32>
    %get3A_14 = arith.constant 1 : index
    %get3A_15 = arith.constant 0 : index
    %get3A_16 = arith.constant 0 : index
    %get3A_17 = vector.load %arg2[%get3A_14, %get3A_15, %get3A_16] : memref<2x256x8xf32, #tpu.memory_space<vmem>>, vector<1x256x8xf32>
    %get3A_18 = vector.shape_cast %get3A_17 : vector<1x256x8xf32> to vector<256x8xf32>
    %add3A_19 = arith.addf %get3A_13, %get3A_18 : vector<256x8xf32>
    %get3A_20 = arith.constant 0 : index
    %get3A_21 = arith.constant 0 : index
    %get3A_22 = vector.load %arg3[%get3A_20, %get3A_21] : memref<8x128xf32, #tpu.memory_space<vmem>>, vector<8x128xf32>
    %dot_general3A = arith.constant dense<0.000000e+00> : vector<256x128xf32>
    %dot_general3A_23 = tpu.matmul %add3A_19, %get3A_22, %dot_general3A {dimension_numbers = #tpu.dot_dimension_numbers<[1], [0], [0], [1], [0, 0, 1, 1], [], []>, transpose_lhs_hint = false} : vector<256x8xf32>, vector<8x128xf32>, vector<256x128xf32> -> vector<256x128xf32>
    %add3A_24 = arith.constant 1.000000e-16 : f32
    %add3A_25 = vector.broadcast %add3A_24 : f32 to vector<256x128xf32>
    %add3A_26 = arith.addf %dot_general3A_23, %add3A_25 : vector<256x128xf32>
    %div3A = arith.divf %add3A, %add3A_26 : vector<256x128xf32>
    %get3A_27 = arith.constant 0 : index
    %get3A_28 = arith.constant 0 : index
    %get3A_29 = vector.load %arg4[%get3A_27, %get3A_28] : memref<1x128xf32, #tpu.memory_space<vmem>>, vector<1x128xf32>
    %add3A_30 = vector.broadcast %get3A_29 : vector<1x128xf32> to vector<256x128xf32>
    %add3A_31 = arith.addf %div3A, %add3A_30 : vector<256x128xf32>
    %max3A = arith.constant 0.000000e+00 : f32
    %max3A_32 = vector.broadcast %max3A : f32 to vector<256x128xf32>
    %max3A_33 = arith.maximumf %add3A_31, %max3A_32 : vector<256x128xf32>
    %get3A_34 = arith.constant 0 : index
    %get3A_35 = arith.constant 0 : index
    %get3A_36 = vector.load %arg5[%get3A_34, %get3A_35] : memref<128x128xf32, #tpu.memory_space<vmem>>, vector<128x128xf32>
    %dot_general3A_37 = arith.constant dense<0.000000e+00> : vector<256x128xf32>
    %dot_general3A_38 = tpu.matmul %max3A_33, %get3A_36, %dot_general3A_37 {dimension_numbers = #tpu.dot_dimension_numbers<[1], [0], [0], [1], [0, 0, 1, 1], [], []>, transpose_lhs_hint = false} : vector<256x128xf32>, vector<128x128xf32>, vector<256x128xf32> -> vector<256x128xf32>
    %get3A_39 = arith.constant 0 : index
    %get3A_40 = arith.constant 0 : index
    %get3A_41 = vector.load %arg6[%get3A_39, %get3A_40] : memref<1x128xf32, #tpu.memory_space<vmem>>, vector<1x128xf32>
    %add3A_42 = vector.broadcast %get3A_41 : vector<1x128xf32> to vector<256x128xf32>
    %add3A_43 = arith.addf %dot_general3A_38, %add3A_42 : vector<256x128xf32>
    %swap3A = arith.constant 0 : index
    %swap3A_44 = arith.constant 0 : index
    %swap3A_45 = vector.load %arg7[%swap3A, %swap3A_44] : memref<256x128xf32, #tpu.memory_space<vmem>>, vector<256x128xf32>
    tpu.vector_store %arg7[%swap3A, %swap3A_44], %add3A_43 {strides = array<i32>} : memref<256x128xf32, #tpu.memory_space<vmem>>, vector<256x128xf32>,
    return
  }
  func.func @transform_0(%arg0: i32) -> (i32, i32, i32) {
    %c0_i32 = arith.constant 0 : i32
    %c0_i32_0 = arith.constant 0 : i32
    %c0_i32_1 = arith.constant 0 : i32
    return %c0_i32, %arg0, %c0_i32_0 : i32, i32, i32
  }
  func.func @transform_1(%arg0: i32) -> (i32, i32, i32) {
    %c0_i32 = arith.constant 0 : i32
    %c0_i32_0 = arith.constant 0 : i32
    %c0_i32_1 = arith.constant 0 : i32
    return %c0_i32, %arg0, %c0_i32_0 : i32, i32, i32
  }
  func.func @transform_2(%arg0: i32) -> (i32, i32) {
    %c0_i32 = arith.constant 0 : i32
    %c0_i32_0 = arith.constant 0 : i32
    %c0_i32_1 = arith.constant 0 : i32
    return %c0_i32, %c0_i32_0 : i32, i32
  }
  func.func @transform_3(%arg0: i32) -> (i32, i32) {
    %c0_i32 = arith.constant 0 : i32
    %c0_i32_0 = arith.constant 0 : i32
    %c0_i32_1 = arith.constant 0 : i32
    return %c0_i32, %c0_i32_0 : i32, i32
  }
  func.func @transform_4(%arg0: i32) -> (i32, i32) {
    %c0_i32 = arith.constant 0 : i32
    %c0_i32_0 = arith.constant 0 : i32
    %c0_i32_1 = arith.constant 0 : i32
    return %c0_i32, %c0_i32_0 : i32, i32
  }
  func.func @transform_5(%arg0: i32) -> (i32, i32) {
    %c0_i32 = arith.constant 0 : i32
    %c0_i32_0 = arith.constant 0 : i32
    %c0_i32_1 = arith.constant 0 : i32
    return %c0_i32, %c0_i32_0 : i32, i32
  }
  func.func @transform_6(%arg0: i32) -> (i32, i32) {
    %c0_i32 = arith.constant 0 : i32
    %c0_i32_0 = arith.constant 0 : i32
    return %arg0, %c0_i32 : i32, i32
  }
}

</mosaic_0001>

<sc_bundles>
// kernel: kernel.10.cloned.1.call-start
scs
__scs_entry_jumppad:
0x0: {  	(pc) =	sbr.rel $0x88, $3  }
0x1: {  	(tag) =	ssettag $0x0;
	lr =	simm.s32 $0x1  }
0x2: {  	[smem:$0x3F95] =	sst lr;
	_ =	strace $0xD0000000  }
0x3: {  	_ = 	snop  }
0x4: {  	_ = 	snop  }
0x5: {  	_ = 	snop  }
0x6: {  	_ = 	snop  }
0x7: {  	_ = 	snop  }
__scs_overlays_trampoline_lowered:
0x8: {  	[smem:$0x3FA4] =	sst s0  }
0x9: {  	[smem:$0x3FA5] =	sst s1  }
0xa: {  	[smem:$0x3FA6] =	sst s2  }
0xb: {  	[smem:$0x3FA7] =	sst s3  }
0xc: {  	[smem:$0x3FA8] =	sst s4  }
0xd: {  	[smem:$0x3FA9] =	sst s5  }
0xe: {  	[smem:$0x3FAA] =	sst s6  }
0xf: {  	[smem:$0x3FAB] =	sst s7  }
0x10: {  	[smem:$0x3FAC] =	sst s8  }
0x11: {  	[smem:$0x3FAD] =	sst s9;
	s0 =	simm.s32 @!p0 $0x0  }
0x12: {  	s1 =	sld [smem:$0x3F93];
	s0 =	simm.s32 @p0 $0x1  }
0x13: {  	[smem:$0x3FAE] =	sst s0;
	s0 =	simm.s32 @!p1 $0x0  }
0x14: {  	s2 =	sld [smem:$0x3F92];
	s0 =	simm.s32 @p1 $0x1  }
0x15: {  	[smem:$0x3FAF] =	sst s0;
	s0 =	simm.s32 @!p2 $0x0  }
0x16: {  	s3 =	sld [smem:$0x3FDB];
	s0 =	simm.s32 @p2 $0x1  }
0x17: {  	s4 =	simm.s32 $0x1BF5;
	[smem:$0x3FB1] =	sst s0  }
0x18: {  	s0 =	sld [smem:$0x3F94];
	_ =	swait.ge [sflag:s4], $0x0  }
0x19: {  	s7 =	sld [smem:$0x3F95]  }
0x1a: {  	s8 =	sadd.s32 $0xFFFFE003, lr  }
0x1b: {  	s9 =	sadd.s32 $0xFFFFFEF7, lr;
	s5 =	simm.s32 $0xFFFFFFFF;
	p2 =	slt.u32 s8, $0xFFFFF086  }
0x1c: {  	p1 =	slt.u32 s9, $0xF7A;
	s5 =	simm.s32 @!p2 $0x0  }
0x1d: {  	s5 =	simm.s32 @p1 $0x1;
	p0 =	seq.s32 s7, s2  }
0x1e: {  	s7 =	smul.u32 @!p0 $0xF7A, s2;
	p2 =	seq.s32 @!p0 s5, $0x0  }
0x1f: {  	s9 =	smul.u32 $0xF7A, s1;
	s8 =	simm.s32 @!p0 $0x1BF5;
	p2 =	por !p2, p0  }
0x20: {  	[sflag:s8] =	ssyncset.s32 @!p0 $0xFFFFF086;
	s6 =	sadd.s32 @!p0 s3, s7;
	s7 =	simm.s32 @!p0 $0x108  }
0x21: {  	s3 =	sadd.s32 s3, s9;
	s6 =	sadd.s32 @!p0 $0x88, s6;
	s7 =	simm.s32 @p2 $0x1082  }
0x22: {  	[simem:s7], [sflag:s8] =	dma.local @!p0 [hbm:s6], $0xF7A  }
0x23: {  	s9 =	sor.u32 $0xD0000000, s2;
	s6 =	simm.s32 $0x108;
	_ =	swait.ge @!p0 [sflag:s8], $0x0  }
0x24: {  	s3 =	sadd.s32 $0x88, s3;
	s6 =	simm.s32 @!p1 $0x1082;
	[sflag:s4] =	ssyncset.s32 $0xFFFFF086  }
0x25: {  	[simem:s6], [sflag:s4] =	dma.local [hbm:s3], $0xF7A  }
0x26: {  	[smem:$0x3F95] =	sst s1;
	(tag) =	ssettag s2;
	_ =	strace s9  }
0x27: {  	s1 =	sld [smem:$0x3FA5]  }
0x28: {  	s2 =	sld [smem:$0x3FA6]  }
0x29: {  	s4 =	sld [smem:$0x3FA8]  }
0x2a: {  	p0 =	seq.s32 s5, $0x0;
	s5 =	sld [smem:$0x3FA9]  }
0x2b: {  	s6 =	sld [smem:$0x3FAA]  }
0x2c: {  	s7 =	sld [smem:$0x3FAB]  }
0x2d: {  	s3 =	simm.s32 $0x108;
	s8 =	sld [smem:$0x3FAC]  }
0x2e: {  	s3 =	simm.s32 @!p0 $0x1082;
	s9 =	sld [smem:$0x3FAD]  }
0x2f: {  	lr =	sadd.s32 s0, s3;
	s0 =	sld [smem:$0x3FA4]  }
0x30: {  	s3 =	sld [smem:$0x3FA7]  }
0x31: {  	[smem:$0x3FB0] =	sst s10  }
0x32: {  	s10 =	sld [smem:$0x3FAE];
	_ =	sdelay $0x3  }
0x33: {  	p0 =	seq.s32 s10, $0x1;
	s10 =	sld [smem:$0x3FB0];
	_ =	sdelay $0x3  }
0x34: {  	[smem:$0x3FB0] =	sst s10  }
0x35: {  	s10 =	sld [smem:$0x3FAF];
	_ =	sdelay $0x3  }
0x36: {  	p1 =	seq.s32 s10, $0x1;
	s10 =	sld [smem:$0x3FB0];
	_ =	sdelay $0x3  }
0x37: {  	[smem:$0x3FB0] =	sst s10  }
0x38: {  	s10 =	sld [smem:$0x3FB1]  }
0x39: {  	_ = 	snop;
	(pc) =	sbr.ind lr, $3  }
0x3a: {  	_ = 	snop  }
0x3b: {  	_ = 	snop  }
0x3c: {  	p2 =	seq.s32 s10, $0x1;
	s10 =	sld [smem:$0x3FB0]  }
0x3d: {  	_ =	shalt  }
0x3e: {  	_ =	shalt  }
0x3f: {  	_ =	shalt  }
0x40: {  	_ =	shalt  }
0x41: {  	_ =	shalt  }
0x42: {  	_ =	shalt  }
0x43: {  	_ =	shalt  }
0x44: {  	_ =	shalt  }
0x45: {  	_ =	shalt  }
0x46: {  	_ =	shalt  }
0x47: {  	_ =	shalt  }
0x48: {  	_ =	shalt  }
0x49: {  	_ =	shalt  }
0x4a: {  	_ =	shalt  }
0x4b: {  	_ =	shalt  }
0x4c: {  	_ =	shalt  }
0x4d: {  	_ =	shalt  }
0x4e: {  	_ =	shalt  }
0x4f: {  	_ =	shalt  }
0x50: {  	_ =	shalt  }
0x51: {  	_ =	shalt  }
0x52: {  	_ =	shalt  }
0x53: {  	_ =	shalt  }
0x54: {  	_ =	shalt  }
0x55: {  	_ =	shalt  }
0x56: {  	_ =	shalt  }
0x57: {  	_ =	shalt  }
0x58: {  	_ =	shalt  }
0x59: {  	_ =	shalt  }
0x5a: {  	_ =	shalt  }
0x5b: {  	_ =	shalt  }
0x5c: {  	_ =	shalt  }
0x5d: {  	_ =	shalt  }
0x5e: {  	_ =	shalt  }
0x5f: {  	_ =	shalt  }
0x60: {  	_ =	shalt  }
0x61: {  	_ =	shalt  }
0x62: {  	_ =	shalt  }
0x63: {  	_ =	shalt  }
0x64: {  	_ =	shalt  }
0x65: {  	_ =	shalt  }
0x66: {  	_ =	shalt  }
0x67: {  	_ =	shalt  }
0x68: {  	_ =	shalt  }
0x69: {  	_ =	shalt  }
0x6a: {  	_ =	shalt  }
0x6b: {  	_ =	shalt  }
0x6c: {  	_ =	shalt  }
0x6d: {  	_ =	shalt  }
0x6e: {  	_ =	shalt  }
0x6f: {  	_ =	shalt  }
0x70: {  	_ =	shalt  }
0x71: {  	_ =	shalt  }
0x72: {  	_ =	shalt  }
0x73: {  	_ =	shalt  }
0x74: {  	_ =	shalt  }
0x75: {  	_ =	shalt  }
0x76: {  	_ =	shalt  }
0x77: {  	_ =	shalt  }
0x78: {  	_ =	shalt  }
0x79: {  	_ =	shalt  }
0x7a: {  	_ =	shalt  }
0x7b: {  	_ =	shalt  }
0x7c: {  	_ =	shalt  }
0x7d: {  	_ =	shalt  }
0x7e: {  	_ =	shalt  }
0x7f: {  	_ =	shalt  }
0x80: {  	_ =	shalt  }
0x81: {  	_ =	shalt  }
0x82: {  	_ =	shalt  }
0x83: {  	_ =	shalt  }
0x84: {  	_ =	shalt  }
0x85: {  	_ =	shalt  }
0x86: {  	_ =	shalt  }
0x87: {  	_ =	shalt  }
.Lfunc_end0:
.L_simem_size_0:
called_computation.1_lowered:
.L_overlay_start_0:
0x88: {  	s2 =	sld [smem:$0x3FD9]  }
0x89: {  	s3 =	sld [smem:$0x3FFE];
	_ =	sdelay $0x1  }
0x8a: {  	s1 =	srdreg.scid  }
0x8b: {  	s0 =	sand.u32 $0x1, s1  }
0x8c: {  	s17 =	sshll.u32 s0, $0xA;
	s2 =	sadd.s32 s3, s2  }
0x8d: {  	s2 =	sadd.s32 s2, s17  }
0x8e: {  	[smem:$0x3FBC] =	sst s2  }
0x8f: {  	_ = 	snop  }
0x90: {  	s2 =	sld [smem:$0x3FD0];
	(tm) =	ssettm $0x1  }
0x91: {  	s18 =	sld [smem:$0x3FFB];
	_ =	sdelay $0x3  }
0x92: {  	_ =	strace s18  }
0x93: {  	s3 =	sld [smem:$0x3FFC];
	_ =	sdelay $0x3  }
0x94: {  	_ =	strace s3  }
0x95: {  	s3 =	sld [smem:$0x3FFD];
	_ =	sdelay $0x3  }
0x96: {  	_ =	strace s3  }
0x97: {  	_ =	strace $0x8FFFFFFF  }
0x98: {  	s19 =	sld [smem:$0x3FDB];
	_ =	sdelay $0x1  }
0x99: {  	s4 =	simm.s32 $_scs_section_size  }
0x9a: {  	s5 =	simm.s32 $_size__tile_overlayer_lowered;
	s6 =	simm.s32 $_tile_overlayer_lowered  }
0x9b: {  	s22 =	simm.s32 $0x1BFF;
	s21 =	sshll.u32 s6, $0x1;
	s3 =	sadd.s32 s4, s19  }
0x9c: {  	s7 =	simm.s32 $0x0;
	s20 =	sshll.u32 s5, $0x1;
	s5 =	sadd.s32 s21, s3  }
0x9d: {  	[timem:s7], [sflag:s22] =	dma.local [hbm:s5], s20  }
0x9e: {  	_ =	swait.ge [sflag:s22], s20  }
0x9f: {  	s4 =	ssub.s32 $0x0, s20;
	[sflag:s22] =	ssyncset.done $0x0  }
0xa0: {  	[sflag:s22] =	ssyncadd.s32 s4;
	_ =	sdelay $0x1  }
0xa1: {  	s23 =	simm.s32 $0x1B8B  }
0xa2: {  	_ =	swait.ge [sflag:s23], $0x1  }
0xa3: {  	[sflag:s23] =	ssyncset.done $0x0  }
0xa4: {  	s25 =	simm.s32 $0x1B8E;
	s24 =	sld [smem:$0x3FFE];
	[sflag:s23] =	ssyncadd.s32 $0xFFFFFFFF  }
0xa5: {  	s26 =	simm.s32 $execute0_lowered;
	[smem:$0x3FD2] =	sst s25  }
0xa6: {  	s5 =	sshll.u32 s26, $0x1;
	_ =	strace $0x80000049;
	[dreg:$0x1] =	wrdreg $0xFFFFFFFF  }
0xa7: {  	s28 =	simm.s32 $_size_execute0_lowered;
	s3 =	sadd.s32 s3, s5;
	[dreg:$0x0] =	wrdreg $0x0  }
0xa8: {  	s5 =	sshll.u32 s28, $0x1;
	[dreg:$0x2] =	wrdreg s3  }
0xa9: {  	[dreg:$0x3] =	wrdreg s5  }
0xaa: {  	[dreg:$0x4] =	wrdreg $0xC0  }
0xab: {  	_ =	task [dreg:s7], $0x5FFFF  }
0xac: {  	[dreg:$0x1] =	wrdreg $0xFFFFFFFF  }
0xad: {  	[dreg:$0x0] =	wrdreg $0x60  }
0xae: {  	[dreg:$0x2] =	wrdreg s24  }
0xaf: {  	[dreg:$0x3] =	wrdreg s2  }
0xb0: {  	[dreg:$0x4] =	wrdreg $0x9D100  }
0xb1: {  	[dreg:$0x5] =	wrdreg $0x1DD100  }
0xb2: {  	[dreg:$0x6] =	wrdreg $0x9  }
0xb3: {  	_ =	task.clear_ibuf [dreg:s7], $0x7FFFF;
	_ =	strace $0x90000049  }
0xb4: {  	s29 =	simm.s32 $0x9;
	_ =	strace $0x8000004B  }
0xb5: {  	_ =	swait.ge [sflag:s29], $0x1  }
0xb6: {  	[sflag:s29] =	ssyncadd.s32 $0xFFFFFFFF  }
0xb7: {  	_ =	strace $0x9000004B  }
0xb8: {  	_ =	sfence  }
0xb9: {  	s30 =	sld [smem:$0x0];
	_ =	sdelay $0x2  }
0xba: {  	s31 =	sshll.u32 s1, $0xD;
	s1 =	sshrl.u32 s1, $0x2  }
0xbb: {  	s3 =	sand.u32 $0x4000, s31;
	s1 =	sadd.s32 s1, s30  }
0xbc: {  	s0 =	sor.u32 s3, s0;
	s1 =	sshll.u32 s1, $0x11  }
0xbd: {  	s0 =	sor.u32 s1, s0  }
0xbe: {  	s0 =	sadd.s32 $0x8F2B, s0  }
0xbf: {  	[sflag:s0] =	ssyncadd.remote.s32 $0x1  }
0xc0: {  	_ =	sfence.sel $0xFFFF  }
0xc1: {  	[dreg:$0x0] =	wrdreg $0xFFFFFFFF;
	(pc) =	sbr.abs _section_cstart, $3  }
0xc2: {  	[dreg:$0x1] =	wrdreg $0xFFFFFFFF  }
0xc3: {  	_ =	task.clear_ibuf [dreg:s7], $0x2FFFF;
	_ =	strace $0x9FFFFFFF  }
0xc4: {  	(tm) =	ssettm $0x7FFFFFFF  }
0xc5: {  	_ =	shalt  }
tec
execute0_lowered:
.L_overlay_start_1:
0x0: {  	(tag) =	ssettag $0x1  }
0x1: {  	s0 =	rddreg [dreg:$0x0];
	s1 =	srdreg.scid  }
0x2: {  	s19 =	stileid.u32;
	s5 =	rddreg [dreg:$0x1]  }
0x3: {  	s2 =	rddreg [dreg:$0x2];
	s9 =	smul.u32 $0x280, s19  }
0x4: {  	s1 =	sand.u32 $0x1, s1;
	s3 =	sshll.u32 s19, $0x1;
	s14 =	smul.u32 $0x14000, s19  }
0x5: {  	s11 =	sadd.s32 $0x3EC00, s0;
	s4 =	sor.u32 s1, s3;
	s7 =	smul.u32 $0x2800, s1  }
0x6: {  	s3 =	rddreg [dreg:$0x3];
	s8 =	ssub.s32 $0x2, s1;
	s1 =	smul.u32 $0x140000, s1  }
0x7: {  	s6 =	smul.u32 $0x510, s4;
	s4 =	simm.s32 $0x0;
	s10 =	sshrl.u32 s8, $0x1  }
0x8: {  	s15 =	sadd.s32 $0x80, s9;
	s16 =	sadd.s32 $0x100, s9;
	s17 =	sadd.s32 $0x180, s9  }
0x9: {  	s25 =	sadd.s32 $0x200, s9;
	[smem:$0x7FF] =	sst s4;
	s8 =	ssub.s32 s8, s10  }
0xa: {  	s18 =	sshll.u32 s15, $0x7;
	s22 =	sshll.u32 s16, $0x7;
	s24 =	sshll.u32 s17, $0x7  }
0xb: {  	s23 =	sadd.s32 s1, s14;
	s26 =	sshll.u32 s25, $0x7;
	s7 =	sadd.s32 s7, s0  }
0xc: {  	_ =	strace $0x8000004A;
	s12 =	sadd.s32 s1, s18;
	s10 =	sshrl.u32 s23, $0x3  }
0xd: {  	s20 =	sadd.s32 s1, s22;
	s21 =	sadd.s32 s1, s24;
	s1 =	sadd.s32 s1, s26  }
0xe: {  	s5 =	sadd.s32 s5, s6;
	s6 =	sadd.s32 s6, s0;
	s8 =	smax.u32 s8, $0x1  }
0xf: {  	s28 =	sadd.s32 s18, s2;
	s30 =	sadd.s32 s22, s2;
	s24 =	sadd.s32 s24, s2  }
0x10: {  	s22 =	sshll.u32 s17, $0x3;
	s12 =	sshrl.u32 s12, $0x3;
	s10 =	sadd.s32 s11, s10  }
0x11: {  	s23 =	sshrl.u32 s21, $0x3;
	s1 =	sshrl.u32 s1, $0x3;
	[dreg:$0xa] =	wrdreg s5  }
0x12: {  	s21 =	smul.u32 $0x5000, s19;
	[dreg:$0xe] =	wrdreg s8;
	s31 =	sadd.s32 s22, s3  }
0x13: {  	s8 =	simm.s32 $0x80;
	[dreg:$0x5] =	wrdreg s10;
	s13 =	sadd.s32 s11, s12  }
0x14: {  	s10 =	sshrl.u32 s20, $0x3;
	s1 =	sadd.s32 s11, s1;
	[dreg:$0x6] =	wrdreg s13  }
0x15: {  	s12 =	sadd.s32 $0x2D200, s0;
	s20 =	sadd.s32 $0x2FA00, s6;
	[dreg:$0x9] =	wrdreg s1  }
0x16: {  	s6 =	simm.s32 $0x9900;
	s10 =	sadd.s32 s11, s10;
	[dreg:$0xc] =	wrdreg s20  }
0x17: {  	s13 =	sadd.s32 $0x2AA00, s0;
	s1 =	sadd.s32 $0x39C00, s7;
	[dreg:$0x7] =	wrdreg s10  }
0x18: {  	s10 =	sadd.s32 s11, s23;
	s11 =	smul.u32 $0x50000, s19;
	s23 =	sadd.s32 s14, s2  }
0x19: {  	s14 =	sshll.u32 s16, $0x3;
	s18 =	sadd.s32 s9, s1;
	[dreg:$0x8] =	wrdreg s10  }
0x1a: {  	s20 =	sadd.s32 s15, s1;
	s9 =	simm.s32 $0x9100;
	[dreg:$0xd] =	wrdreg s23  }
0x1b: {  	s10 =	sadd.s32 $0x2800, s0;
	s0 =	sadd.s32 $0x2A800, s0;
	[dreg:$0x11] =	wrdreg s18  }
0x1c: {  	[dreg:$0x12] =	wrdreg s20;
	s23 =	sadd.s32 s17, s1;
	s17 =	simm.s32 $0x0  }
0x1d: {  	[dreg:$0xb] =	wrdreg s0;
	s7 =	sshrl.u32 s11, $0x2;
	s0 =	sshrl.u32 s21, $0x2  }
0x1e: {  	s11 =	sshll.u32 s15, $0x3;
	s21 =	sadd.s32 s16, s1;
	[dreg:$0x14] =	wrdreg s23  }
0x1f: {  	s1 =	sadd.s32 s25, s1;
	s25 =	sshll.u32 s25, $0x3;
	s15 =	simm.s32 $0x3  }
0x20: {  	s16 =	simm.s32 $0x1;
	s5 =	sadd.s32 s7, s2;
	s19 =	sadd.s32 s0, s3  }
0x21: {  	s29 =	sadd.s32 s11, s3;
	s0 =	sadd.s32 s14, s3;
	[dreg:$0x13] =	wrdreg s21  }
0x22: {  	v2 =	vlaneseq.u32;
	[dreg:$0x15] =	wrdreg s1;
	s1 =	sadd.s32 s26, s2;
	s7 =	simm.s32 $0x5100  }
0x23: {  	v1 =	vshrl.u32 v2, $0x3;
	s11 =	simm.s32 $0x9500;
	s14 =	simm.s32 $0x2;
	[dreg:$0xf] =	wrdreg s5  }
0x24: {  	v0 =	vimm.f32 $0.0e+00;
	v2 =	vand.u32 $0x7, v2;
	v1 =	vmul.u32 $0x8, v1;
	[dreg:$0x10] =	wrdreg s0;
	s0 =	sadd.s32 s25, s3;
	s5 =	simm.s32 $0x4  }
.LBB2_1:
0x25: {  	s18 =	rddreg [dreg:$0xa]  }
0x26: {  	[tilespmem:s4], [sflag:$0x4] =	stream.linear.gather [hbm4b:s18+s4], $0x2880, $0x38;
	[tilespmem:$0x1F110] =	vst v63  }
0x27: {  	_ =	swait.ge [sflag:s5], $0x2880  }
0x28: {  	[sflag:s5] =	ssyncset.done $0x0  }
0x29: {  	s20 =	simm.s32 $0x2880;
	s23 =	rddreg [dreg:$0xc];
	[sflag:s5] =	ssyncadd.s32 $0xFFFFD780  }
0x2a: {  	[tilespmem:s20], [sflag:$0x4] =	stream.linear.gather [hbm4b:s23+s4], $0x2880, $0x38;
	[tilespmem:$0x1F110] =	vst v63  }
0x2b: {  	_ =	swait.ge [sflag:s5], $0x2880  }
0x2c: {  	[sflag:s5] =	ssyncset.done $0x0  }
0x2d: {  	s26 =	simm.s32 $0x9D00;
	s25 =	rddreg [dreg:$0xb];
	[sflag:s5] =	ssyncadd.s32 $0xFFFFD780  }
0x2e: {  	[tilespmem:s26], [sflag:$0x4] =	stream.linear.gather [hbm4b:s25+s4], $0x10, $0x38;
	[tilespmem:$0x1F110] =	vst v63  }
0x2f: {  	_ =	swait.ge [sflag:s5], $0x10  }
0x30: {  	[sflag:s5] =	ssyncset.done $0x0  }
0x31: {  	[sflag:s5] =	ssyncadd.s32 $0xFFFFFFF0  }
0x32: {  	s18 =	simm.s32 $0x0;
	s25 =	simm.s32 $0x200;
	v3 =	vld [tilespmem:$0x9D00]  }
.LBB2_2:
0x33: {  	p0 =	sne.s32 s25, $0xFE00;
	[tilespmem:s18+$0x5170] =	vst v0  }
0x34: {  	[tilespmem:s18+$0x5100] =	vst v0  }
0x35: {  	[tilespmem:s18+$0x5110] =	vst v0  }
.Ltmp0:
0x36: {  	[tilespmem:s18+$0x5120] =	vst v0;
	(pc) =	sbr.rel @p0 .LBB2_2-.Ltmp0, $4  }
0x37: {  	[tilespmem:s18+$0x5130] =	vst v0  }
0x38: {  	[tilespmem:s18+$0x5140] =	vst v0  }
0x39: {  	[tilespmem:s18+$0x5150] =	vst v0  }
0x3a: {  	[tilespmem:s18+$0x5160] =	vst v0;
	s18 =	sshra.s32 s25, $0x2;
	s25 =	sadd.s32 $0x200, s25  }
0x3b: {  	[tilespmem:s18+$0x5170] =	vst v0  }
0x3c: {  	[tilespmem:s18+$0x5100] =	vst v0  }
0x3d: {  	[tilespmem:s18+$0x5110] =	vst v0  }
0x3e: {  	[tilespmem:s18+$0x5120] =	vst v0;
	s25 =	simm.s32 $0x0  }
0x3f: {  	[tilespmem:s18+$0x5130] =	vst v0;
	v4 =	vmov s25  }
0x40: {  	[tilespmem:s18+$0x5140] =	vst v0;
	v4 =	vshll.u32 v4, $0x3  }
0x41: {  	[tilespmem:s18+$0x5150] =	vst v0;
	v4 =	vor.u32 v1, v4  }
0x42: {  	[tilespmem:s18+$0x5160] =	vst v0;
	s18 =	simm.s32 $0x2;
	v4 =	vor.u32 v2, v4  }
.LBB2_4:
0x43: {  	p0 =	sne.s32 s18, $0x7E  }
.Ltmp1:
0x44: {  	_ = 	snop;
	(pc) =	sbr.rel @p0 .LBB2_4-.Ltmp1, $4  }
0x45: {  	v5 =	vmov s18  }
0x46: {  	v5 =	vshll.u32 v5, $0x3  }
0x47: {  	v5 =	vor.u32 v1, v5  }
0x48: {  	s18 =	sadd.s32 $0x2, s18;
	[tilespmem:v4+s6+$0x0] =	vst.idx.msk $0xffff, v0;
	v4 =	vor.u32 v2, v5  }
0x49: {  	_ =	sdelay $0x3  }
0x4a: {  	[tilespmem:v4+s6+$0x0] =	vst.idx.msk $0xffff, v0;
	s18 =	rddreg [dreg:$0xf]  }
0x4b: {  	[spmem:s18] =	stream.linear.scatter [tilespmem:s7], [sflag:$0x4], $0x4000, $0x38;
	[tilespmem:$0x1F110] =	vst v63  }
0x4c: {  	_ =	swait.ge [sflag:s5], $0x4000  }
0x4d: {  	[sflag:s5] =	ssyncset.done $0x0  }
0x4e: {  	[sflag:s5] =	ssyncadd.s32 $0xFFFFC000  }
0x4f: {  	[spmem:s19] =	stream.linear.scatter [tilespmem:s6], [sflag:$0x4], $0x400, $0x38;
	[tilespmem:$0x1F110] =	vst v63  }
0x50: {  	_ =	swait.ge [sflag:s5], $0x400  }
0x51: {  	[sflag:s5] =	ssyncset.done $0x0  }
0x52: {  	[sflag:s5] =	ssyncadd.s32 $0xFFFFFC00  }
0x53: {  	[spmem:s28] =	stream.linear.scatter [tilespmem:s7], [sflag:$0x4], $0x4000, $0x38;
	[tilespmem:$0x1F110] =	vst v63  }
0x54: {  	_ =	swait.ge [sflag:s5], $0x4000  }
0x55: {  	[sflag:s5] =	ssyncset.done $0x0  }
0x56: {  	[sflag:s5] =	ssyncadd.s32 $0xFFFFC000  }
0x57: {  	[spmem:s29] =	stream.linear.scatter [tilespmem:s6], [sflag:$0x4], $0x400, $0x38;
	[tilespmem:$0x1F110] =	vst v63  }
0x58: {  	_ =	swait.ge [sflag:s5], $0x400  }
0x59: {  	[sflag:s5] =	ssyncset.done $0x0  }
0x5a: {  	[sflag:s5] =	ssyncadd.s32 $0xFFFFFC00  }
0x5b: {  	[spmem:s30] =	stream.linear.scatter [tilespmem:s7], [sflag:$0x4], $0x4000, $0x38;
	[tilespmem:$0x1F110] =	vst v63  }
0x5c: {  	_ =	swait.ge [sflag:s5], $0x4000  }
0x5d: {  	[sflag:s5] =	ssyncset.done $0x0  }
0x5e: {  	s23 =	smov.u32 s30;
	s30 =	rddreg [dreg:$0x10];
	[sflag:s5] =	ssyncadd.s32 $0xFFFFC000  }
0x5f: {  	[spmem:s30] =	stream.linear.scatter [tilespmem:s6], [sflag:$0x4], $0x400, $0x38;
	[tilespmem:$0x1F110] =	vst v63  }
0x60: {  	_ =	swait.ge [sflag:s5], $0x400  }
0x61: {  	[sflag:s5] =	ssyncset.done $0x0  }
0x62: {  	[sflag:s5] =	ssyncadd.s32 $0xFFFFFC00  }
0x63: {  	[spmem:s24] =	stream.linear.scatter [tilespmem:s7], [sflag:$0x4], $0x4000, $0x38;
	[tilespmem:$0x1F110] =	vst v63  }
0x64: {  	_ =	swait.ge [sflag:s5], $0x4000  }
0x65: {  	[sflag:s5] =	ssyncset.done $0x0  }
0x66: {  	[sflag:s5] =	ssyncadd.s32 $0xFFFFC000  }
0x67: {  	[spmem:s31] =	stream.linear.scatter [tilespmem:s6], [sflag:$0x4], $0x400, $0x38;
	[tilespmem:$0x1F110] =	vst v63  }
0x68: {  	_ =	swait.ge [sflag:s5], $0x400  }
0x69: {  	[sflag:s5] =	ssyncset.done $0x0  }
0x6a: {  	[sflag:s5] =	ssyncadd.s32 $0xFFFFFC00  }
0x6b: {  	[spmem:s1] =	stream.linear.scatter [tilespmem:s7], [sflag:$0x4], $0x4000, $0x38;
	[tilespmem:$0x1F110] =	vst v63  }
0x6c: {  	_ =	swait.ge [sflag:s5], $0x4000  }
0x6d: {  	[sflag:s5] =	ssyncset.done $0x0  }
0x6e: {  	[sflag:s5] =	ssyncadd.s32 $0xFFFFC000  }
0x6f: {  	[spmem:s0] =	stream.linear.scatter [tilespmem:s6], [sflag:$0x4], $0x400, $0x38;
	[tilespmem:$0x1F110] =	vst v63  }
0x70: {  	_ =	swait.ge [sflag:s5], $0x400  }
0x71: {  	s20 =	smov.u32 s19;
	[sflag:s5] =	ssyncset.done $0x0  }
0x72: {  	s21 =	smov.u32 s28;
	s22 =	smov.u32 s29;
	[sflag:s5] =	ssyncadd.s32 $0xFFFFFC00  }
0x73: {  	s25 =	simm.s32 $0x0;
	s18 =	simm.s32 $0x0;
	[bflag:$0x0] =	sbarrier.arrive $0xFFFF  }
.LBB2_6:
0x74: {  	s26 =	sshll.u32 s25, $0x7  }
0x75: {  	[tilespmem:s7], [sflag:$0x1] =	stream.indirect.gather [hbm4b:s10+s8], $0x80, s26, s8, $0xb8;
	[tilespmem:$0x1F110] =	vst v63  }
0x76: {  	_ = 	snop  }
0x77: {  	[tilespmem:s9], [sflag:$0x2] =	stream.indirect.gather [hbm4b:s12+s8], $0x8, s26, s8, $0xb8;
	[tilespmem:$0x1F110] =	vst v63  }
0x78: {  	s26 =	sadd.s32 $0x2880, s26  }
0x79: {  	[tilespmem:s11], [sflag:$0x3] =	stream.indirect.gather [hbm4b:s13+s8], $0x8, s26, s8, $0xb8;
	[tilespmem:$0x1F110] =	vst v63  }
0x7a: {  	_ =	swait.ge [sflag:s14], $0x400  }
0x7b: {  	v4 =	vmov s18;
	[sflag:s14] =	ssyncset.done $0x0  }
0x7c: {  	v4 =	vshll.u32 v4, $0x3;
	[sflag:s14] =	ssyncadd.s32 $0xFFFFFC00  }
0x7d: {  	v4 =	vor.u32 v1, v4;
	_ =	swait.ge [sflag:s15], $0x400  }
0x7e: {  	v5 =	vor.u32 v2, v4;
	[sflag:s15] =	ssyncset.done $0x0  }
0x7f: {  	[sflag:s15] =	ssyncadd.s32 $0xFFFFFC00  }
0x80: {  	_ =	swait.ge [sflag:s16], $0x4000  }
0x81: {  	[sflag:s16] =	ssyncset.done $0x0  }
0x82: {  	[sflag:s16] =	ssyncadd.s32 $0xFFFFC000  }
0x83: {  	v4 =	vld.idx.msk [tilespmem:v5+s9+$0x0], $0xffff  }
0x84: {  	v6 =	vld.idx.msk [tilespmem:v5+s11+$0x0], $0xffff;
	_ =	sdelay $0x4  }
0x85: {  	v4 =	vadd.f32 v6, v4;
	_ =	sdelay $0x1  }
0x86: {  	v6 =	vmul.f32 $2.000000030e-01, v4;
	_ =	sdelay $0x1  }
0x87: {  	v4 =	vmax.f32 v4, v6  }
0x88: {  	v4 =	vsub.f32 v4, v3;
	_ =	sdelay $0x1  }
0x89: {  	v4 =	vmul.f32 $1.442695020e+00, v4;
	_ =	sdelay $0x1  }
0x8a: {  	(erf) = vpow2.f32 v4;
	_ =	sdelay $0x8  }
0x8b: {  	v4 =	vpop (erf)  }
0x8c: {  	s28 =	simm.s32 $0x5180;
	[tilespmem:v5+s6+$0x0] =	vst.idx.msk $0xffff, v4  }
0x8d: {  	v12 =	vld [tilespmem:s28+$0xFFFFFF80]  }
0x8e: {  	v6 =	vbroadcast v4, $0x5;
	v11 =	vld [tilespmem:s28+$0xFFFFFF90]  }
0x8f: {  	v5 =	vbroadcast v4, $0x9;
	v10 =	vbroadcast v4, $0x1;
	v9 =	vld [tilespmem:s28+$0xFFFFFFA0]  }
0x90: {  	s29 =	simm.s32 $0x2;
	s30 =	simm.s32 $0x5180;
	v7 =	vbroadcast v4, $0x6;
	v13 =	vbroadcast v4, $0x0;
	v8 =	vld [tilespmem:s28+$0xFFFFFFB0]  }
.LBB2_7:
0x91: {  	p0 =	sne.s32 s29, $0x7E  }
0x92: {  	v14 =	vld [tilespmem:s28+$0xFFFFFFC0];
	s30 =	sadd.s32 $0x100, s30;
	s19 =	smov.u32 s29;
	s29 =	sadd.s32 $0x2, s29  }
0x93: {  	v12 =	vmul.f32 v13, v12;
	v13 =	vbroadcast v4, $0x2;
	v15 =	vld [tilespmem:s28+$0xFFFFFFD0]  }
0x94: {  	v10 =	vmul.f32 v10, v11;
	v11 =	vbroadcast v4, $0x3;
	v16 =	vld [tilespmem:s28+$0xFFFFFFE0]  }
0x95: {  	[tilespmem:s28+$0xFFFFFF80] =	vst v12;
	v9 =	vmul.f32 v13, v9;
	v12 =	vbroadcast v4, $0x4;
	v13 =	vld [tilespmem:s28+$0xFFFFFFF0]  }
0x96: {  	[tilespmem:s28+$0xFFFFFF90] =	vst v10;
	v8 =	vmul.f32 v8, v11;
	v10 =	vld [tilespmem:s28+$0x0]  }
0x97: {  	[tilespmem:s28+$0xFFFFFFA0] =	vst v9;
	v9 =	vmul.f32 v14, v12;
	v11 =	vld [tilespmem:s28+$0x10]  }
0x98: {  	[tilespmem:s28+$0xFFFFFFB0] =	vst v8;
	v6 =	vmul.f32 v15, v6;
	v8 =	vbroadcast v4, $0x7;
	v12 =	vld [tilespmem:s28+$0x20]  }
0x99: {  	[tilespmem:s28+$0xFFFFFFC0] =	vst v9;
	v7 =	vmul.f32 v16, v7;
	v9 =	vbroadcast v4, $0x8;
	v14 =	vld [tilespmem:s28+$0x30]  }
0x9a: {  	[tilespmem:s28+$0xFFFFFFD0] =	vst v6;
	v6 =	vmul.f32 v13, v8;
	v8 =	vld [tilespmem:s28+$0x40]  }
0x9b: {  	v13 =	vmov s19;
	[tilespmem:s28+$0xFFFFFFE0] =	vst v7;
	v7 =	vmul.f32 v10, v9;
	v9 =	vbroadcast v4, $0xA;
	v10 =	vld [tilespmem:s28+$0x50]  }
0x9c: {  	v13 =	vshll.u32 v13, $0x3;
	[tilespmem:s28+$0xFFFFFFF0] =	vst v6;
	v5 =	vmul.f32 v11, v5;
	v6 =	vbroadcast v4, $0xB;
	v11 =	vld [tilespmem:s28+$0x60]  }
0x9d: {  	v13 =	vor.u32 v1, v13;
	[tilespmem:s28+$0x0] =	vst v7;
	v7 =	vmul.f32 v12, v9;
	v9 =	vbroadcast v4, $0xC;
	v12 =	vld [tilespmem:s28+$0x70]  }
0x9e: {  	v13 =	vor.u32 v2, v13;
	[tilespmem:s28+$0x10] =	vst v5;
	v5 =	vmul.f32 v14, v6;
	v6 =	vbroadcast v4, $0xD  }
0x9f: {  	[tilespmem:s28+$0x20] =	vst v7;
	v7 =	vmul.f32 v8, v9;
	v8 =	vbroadcast v4, $0xE  }
0xa0: {  	v4 =	vbroadcast v4, $0xF;
	[tilespmem:s28+$0x30] =	vst v5;
	v5 =	vmul.f32 v10, v6  }
0xa1: {  	[tilespmem:s28+$0x40] =	vst v7;
	v6 =	vmul.f32 v11, v8  }
0xa2: {  	[tilespmem:s28+$0x50] =	vst v5;
	v4 =	vmul.f32 v12, v4  }
0xa3: {  	[tilespmem:s28+$0x60] =	vst v6  }
0xa4: {  	[tilespmem:s28+$0x70] =	vst v4;
	s28 =	smov.u32 s30  }
0xa5: {  	v4 =	vld.idx.msk [tilespmem:v13+s9+$0x0], $0xffff  }
0xa6: {  	v5 =	vld.idx.msk [tilespmem:v13+s11+$0x0], $0xffff;
	_ =	sdelay $0x5  }
0xa7: {  	v4 =	vadd.f32 v5, v4;
	_ =	sdelay $0x1  }
0xa8: {  	v5 =	vmul.f32 $2.000000030e-01, v4;
	_ =	sdelay $0x1  }
0xa9: {  	v4 =	vmax.f32 v4, v5  }
0xaa: {  	v4 =	vsub.f32 v4, v3;
	_ =	sdelay $0x1  }
0xab: {  	v4 =	vmul.f32 $1.442695020e+00, v4;
	_ =	sdelay $0x1  }
0xac: {  	(erf) = vpow2.f32 v4;
	_ =	sdelay $0x8  }
0xad: {  	v4 =	vpop (erf)  }
.Ltmp2:
0xae: {  	[tilespmem:v13+s6+$0x0] =	vst.idx.msk $0xffff, v4;
	v6 =	vbroadcast v4, $0x5;
	v5 =	vbroadcast v4, $0x9;
	(pc) =	sbr.rel @p0 .LBB2_7-.Ltmp2, $4  }
0xaf: {  	v10 =	vbroadcast v4, $0x1;
	v7 =	vbroadcast v4, $0x6;
	v12 =	vld [tilespmem:s30+$0xFFFFFF80]  }
0xb0: {  	v11 =	vld [tilespmem:s30+$0xFFFFFF90]  }
0xb1: {  	v9 =	vld [tilespmem:s30+$0xFFFFFFA0]  }
0xb2: {  	v13 =	vbroadcast v4, $0x0;
	v8 =	vld [tilespmem:s30+$0xFFFFFFB0]  }
0xb3: {  	v14 =	vld [tilespmem:s28+$0xFFFFFFC0]  }
0xb4: {  	v39 =	vbroadcast v4, $0x2;
	v15 =	vld [tilespmem:s28+$0xFFFFFFD0];
	v12 =	vmul.f32 v13, v12  }
0xb5: {  	v40 =	vbroadcast v4, $0x3;
	v16 =	vld [tilespmem:s28+$0xFFFFFFE0];
	v10 =	vmul.f32 v10, v11  }
0xb6: {  	v41 =	vbroadcast v4, $0x4;
	v42 =	vld [tilespmem:s28+$0xFFFFFFF0];
	[tilespmem:s28+$0xFFFFFF80] =	vst v12;
	v9 =	vmul.f32 v39, v9  }
0xb7: {  	v43 =	vld [tilespmem:s28+$0x0];
	[tilespmem:s28+$0xFFFFFF90] =	vst v10;
	v8 =	vmul.f32 v8, v40  }
0xb8: {  	v45 =	vld [tilespmem:s28+$0x10];
	[tilespmem:s28+$0xFFFFFFA0] =	vst v9;
	v44 =	vmul.f32 v14, v41  }
0xb9: {  	v46 =	vbroadcast v4, $0x7;
	v47 =	vld [tilespmem:s28+$0x20];
	v6 =	vmul.f32 v15, v6;
	[tilespmem:s28+$0xFFFFFFB0] =	vst v8  }
0xba: {  	v48 =	vbroadcast v4, $0x8;
	v51 =	vld [tilespmem:s28+$0x40];
	v7 =	vmul.f32 v16, v7;
	[tilespmem:s28+$0xFFFFFFC0] =	vst v44  }
0xbb: {  	v53 =	vbroadcast v4, $0xA;
	v56 =	vld [tilespmem:s28+$0x60];
	v50 =	vmul.f32 v42, v46;
	[tilespmem:s28+$0xFFFFFFD0] =	vst v6  }
0xbc: {  	v49 =	vld [tilespmem:s28+$0x30];
	v55 =	vbroadcast v4, $0xB;
	v52 =	vmul.f32 v43, v48;
	[tilespmem:s28+$0xFFFFFFE0] =	vst v7  }
0xbd: {  	v58 =	vbroadcast v4, $0xC;
	v59 =	vld [tilespmem:s28+$0x70];
	v5 =	vmul.f32 v45, v5;
	[tilespmem:s28+$0xFFFFFFF0] =	vst v50  }
0xbe: {  	v54 =	vld [tilespmem:s28+$0x50];
	v62 =	vbroadcast v4, $0xE;
	v57 =	vmul.f32 v47, v53;
	[tilespmem:s28+$0x0] =	vst v52  }
0xbf: {  	v60 =	vbroadcast v4, $0xD;
	v61 =	vmul.f32 v51, v58;
	[tilespmem:s28+$0x10] =	vst v5  }
0xc0: {  	v4 =	vbroadcast v4, $0xF;
	v63 =	vmul.f32 v56, v62;
	[tilespmem:s28+$0x20] =	vst v57  }
0xc1: {  	v5 =	vmul.f32 v49, v55;
	[tilespmem:s28+$0x40] =	vst v61  }
0xc2: {  	v4 =	vmul.f32 v59, v4;
	[tilespmem:s28+$0x60] =	vst v63  }
0xc3: {  	[tilespmem:s28+$0x30] =	vst v5;
	v5 =	vmul.f32 v54, v60  }
0xc4: {  	[tilespmem:s28+$0x70] =	vst v4  }
0xc5: {  	[tilespmem:s28+$0x50] =	vst v5  }
0xc6: {  	[spmem:s3] =	stream.indirect.scatter.add.f32 [tilespmem:s6], [sflag:$0x4], $0x8, s26, s8, $0xb8;
	[tilespmem:$0x1F110] =	vst v63  }
0xc7: {  	s25 =	sadd.s32 $0x1, s25;
	_ =	swait.ge [sflag:s5], $0x400  }
0xc8: {  	p0 =	sne.s32 s25, $0x51;
	[sflag:s5] =	ssyncset.done $0x0  }
.Ltmp3:
0xc9: {  	[sflag:s5] =	ssyncadd.s32 $0xFFFFFC00;
	(pc) =	sbr.rel @p0 .LBB2_6-.Ltmp3, $4  }
0xca: {  	[spmem:s2] =	stream.indirect.scatter.add.f32 [tilespmem:s7], [sflag:$0x4], $0x80, s26, s8, $0xb8;
	[tilespmem:$0x1F110] =	vst v63  }
0xcb: {  	_ =	swait.ge [sflag:s5], $0x4000  }
0xcc: {  	[sflag:s5] =	ssyncset.done $0x0  }
0xcd: {  	[sflag:s5] =	ssyncadd.s32 $0xFFFFC000  }
0xce: {  	[bflag:$0x0] =	sbarrier.arrive $0xFFFF  }
0xcf: {  	s18 =	rddreg [dreg:$0xd]  }
0xd0: {  	[tilespmem:s7], [sflag:$0x4] =	stream.linear.gather [spmem:s18], $0x4000, $0x38;
	[tilespmem:$0x1F110] =	vst v63  }
0xd1: {  	_ =	swait.ge [sflag:s5], $0x4000  }
0xd2: {  	[sflag:s5] =	ssyncset.done $0x0  }
0xd3: {  	s19 =	rddreg [dreg:$0x5];
	[sflag:s5] =	ssyncadd.s32 $0xFFFFC000  }
0xd4: {  	[hbm4b:s19+s4] =	stream.linear.scatter [tilespmem:s7], [sflag:$0x4], $0x4000, $0x38;
	[tilespmem:$0x1F110] =	vst v63  }
0xd5: {  	_ =	swait.ge [sflag:s5], $0x4000  }
0xd6: {  	[sflag:s5] =	ssyncset.done $0x0  }
0xd7: {  	[sflag:s5] =	ssyncadd.s32 $0xFFFFC000  }
0xd8: {  	[tilespmem:s6], [sflag:$0x4] =	stream.linear.gather [spmem:s20], $0x400, $0x38;
	[tilespmem:$0x1F110] =	vst v63  }
0xd9: {  	_ =	swait.ge [sflag:s5], $0x400  }
0xda: {  	[sflag:s5] =	ssyncset.done $0x0  }
0xdb: {  	s19 =	smov.u32 s20;
	s20 =	rddreg [dreg:$0x11];
	[sflag:s5] =	ssyncadd.s32 $0xFFFFFC00  }
0xdc: {  	[hbm4b:s20+s4] =	stream.linear.scatter [tilespmem:s6], [sflag:$0x4], $0x400, $0x38;
	[tilespmem:$0x1F110] =	vst v63  }
0xdd: {  	_ =	swait.ge [sflag:s5], $0x400  }
0xde: {  	[sflag:s5] =	ssyncset.done $0x0  }
0xdf: {  	[sflag:s5] =	ssyncadd.s32 $0xFFFFFC00  }
0xe0: {  	[tilespmem:s7], [sflag:$0x4] =	stream.linear.gather [spmem:s21], $0x4000, $0x38;
	[tilespmem:$0x1F110] =	vst v63  }
0xe1: {  	_ =	swait.ge [sflag:s5], $0x4000  }
0xe2: {  	[sflag:s5] =	ssyncset.done $0x0  }
0xe3: {  	s28 =	smov.u32 s21;
	s21 =	rddreg [dreg:$0x6];
	[sflag:s5] =	ssyncadd.s32 $0xFFFFC000  }
0xe4: {  	[hbm4b:s21+s4] =	stream.linear.scatter [tilespmem:s7], [sflag:$0x4], $0x4000, $0x38;
	[tilespmem:$0x1F110] =	vst v63  }
0xe5: {  	_ =	swait.ge [sflag:s5], $0x4000  }
0xe6: {  	[sflag:s5] =	ssyncset.done $0x0  }
0xe7: {  	[sflag:s5] =	ssyncadd.s32 $0xFFFFC000  }
0xe8: {  	[tilespmem:s6], [sflag:$0x4] =	stream.linear.gather [spmem:s22], $0x400, $0x38;
	[tilespmem:$0x1F110] =	vst v63  }
0xe9: {  	_ =	swait.ge [sflag:s5], $0x400  }
0xea: {  	[sflag:s5] =	ssyncset.done $0x0  }
0xeb: {  	s29 =	smov.u32 s22;
	s22 =	rddreg [dreg:$0x12];
	[sflag:s5] =	ssyncadd.s32 $0xFFFFFC00  }
0xec: {  	[hbm4b:s22+s4] =	stream.linear.scatter [tilespmem:s6], [sflag:$0x4], $0x400, $0x38;
	[tilespmem:$0x1F110] =	vst v63  }
0xed: {  	_ =	swait.ge [sflag:s5], $0x400  }
0xee: {  	[sflag:s5] =	ssyncset.done $0x0  }
0xef: {  	[sflag:s5] =	ssyncadd.s32 $0xFFFFFC00  }
0xf0: {  	[tilespmem:s7], [sflag:$0x4] =	stream.linear.gather [spmem:s23], $0x4000, $0x38;
	[tilespmem:$0x1F110] =	vst v63  }
0xf1: {  	_ =	swait.ge [sflag:s5], $0x4000  }
0xf2: {  	[sflag:s5] =	ssyncset.done $0x0  }
0xf3: {  	s25 =	rddreg [dreg:$0x7];
	[sflag:s5] =	ssyncadd.s32 $0xFFFFC000  }
0xf4: {  	[hbm4b:s25+s4] =	stream.linear.scatter [tilespmem:s7], [sflag:$0x4], $0x4000, $0x38;
	[tilespmem:$0x1F110] =	vst v63  }
0xf5: {  	_ =	swait.ge [sflag:s5], $0x4000  }
0xf6: {  	[sflag:s5] =	ssyncset.done $0x0  }
0xf7: {  	s26 =	rddreg [dreg:$0x10];
	[sflag:s5] =	ssyncadd.s32 $0xFFFFC000  }
0xf8: {  	[tilespmem:s6], [sflag:$0x4] =	stream.linear.gather [spmem:s26], $0x400, $0x38;
	[tilespmem:$0x1F110] =	vst v63  }
0xf9: {  	_ =	swait.ge [sflag:s5], $0x400  }
0xfa: {  	[sflag:s5] =	ssyncset.done $0x0  }
0xfb: {  	s20 =	rddreg [dreg:$0x13];
	[sflag:s5] =	ssyncadd.s32 $0xFFFFFC00  }
0xfc: {  	[hbm4b:s20+s4] =	stream.linear.scatter [tilespmem:s6], [sflag:$0x4], $0x400, $0x38;
	[tilespmem:$0x1F110] =	vst v63  }
0xfd: {  	_ =	swait.ge [sflag:s5], $0x400  }
0xfe: {  	[sflag:s5] =	ssyncset.done $0x0  }
0xff: {  	[sflag:s5] =	ssyncadd.s32 $0xFFFFFC00  }
0x100: {  	[tilespmem:s7], [sflag:$0x4] =	stream.linear.gather [spmem:s24], $0x4000, $0x38;
	[tilespmem:$0x1F110] =	vst v63  }
0x101: {  	_ =	swait.ge [sflag:s5], $0x4000  }
0x102: {  	[sflag:s5] =	ssyncset.done $0x0  }
0x103: {  	s21 =	rddreg [dreg:$0x8];
	[sflag:s5] =	ssyncadd.s32 $0xFFFFC000  }
0x104: {  	[hbm4b:s21+s4] =	stream.linear.scatter [tilespmem:s7], [sflag:$0x4], $0x4000, $0x38;
	[tilespmem:$0x1F110] =	vst v63  }
0x105: {  	_ =	swait.ge [sflag:s5], $0x4000  }
0x106: {  	[sflag:s5] =	ssyncset.done $0x0  }
0x107: {  	[sflag:s5] =	ssyncadd.s32 $0xFFFFC000  }
0x108: {  	[tilespmem:s6], [sflag:$0x4] =	stream.linear.gather [spmem:s31], $0x400, $0x38;
	[tilespmem:$0x1F110] =	vst v63  }
0x109: {  	_ =	swait.ge [sflag:s5], $0x400  }
0x10a: {  	[sflag:s5] =	ssyncset.done $0x0  }
0x10b: {  	s22 =	rddreg [dreg:$0x14];
	[sflag:s5] =	ssyncadd.s32 $0xFFFFFC00  }
0x10c: {  	[hbm4b:s22+s4] =	stream.linear.scatter [tilespmem:s6], [sflag:$0x4], $0x400, $0x38;
	[tilespmem:$0x1F110] =	vst v63  }
0x10d: {  	_ =	swait.ge [sflag:s5], $0x400  }
0x10e: {  	[sflag:s5] =	ssyncset.done $0x0  }
0x10f: {  	[sflag:s5] =	ssyncadd.s32 $0xFFFFFC00  }
0x110: {  	[tilespmem:s7], [sflag:$0x4] =	stream.linear.gather [spmem:s1], $0x4000, $0x38;
	[tilespmem:$0x1F110] =	vst v63  }
0x111: {  	_ =	swait.ge [sflag:s5], $0x4000  }
0x112: {  	[sflag:s5] =	ssyncset.done $0x0  }
0x113: {  	s30 =	smov.u32 s23;
	s23 =	rddreg [dreg:$0x9];
	[sflag:s5] =	ssyncadd.s32 $0xFFFFC000  }
0x114: {  	[hbm4b:s23+s4] =	stream.linear.scatter [tilespmem:s7], [sflag:$0x4], $0x4000, $0x38;
	[tilespmem:$0x1F110] =	vst v63  }
0x115: {  	_ =	swait.ge [sflag:s5], $0x4000  }
0x116: {  	[sflag:s5] =	ssyncset.done $0x0  }
0x117: {  	[sflag:s5] =	ssyncadd.s32 $0xFFFFC000  }
0x118: {  	[tilespmem:s6], [sflag:$0x4] =	stream.linear.gather [spmem:s0], $0x400, $0x38;
	[tilespmem:$0x1F110] =	vst v63  }
0x119: {  	_ =	swait.ge [sflag:s5], $0x400  }
0x11a: {  	[sflag:s5] =	ssyncset.done $0x0  }
0x11b: {  	s25 =	rddreg [dreg:$0x15];
	[sflag:s5] =	ssyncadd.s32 $0xFFFFFC00  }
0x11c: {  	[hbm4b:s25+s4] =	stream.linear.scatter [tilespmem:s6], [sflag:$0x4], $0x400, $0x38;
	[tilespmem:$0x1F110] =	vst v63  }
0x11d: {  	_ =	swait.ge [sflag:s5], $0x400  }
0x11e: {  	s17 =	sadd.s32 $0x1, s17;
	s26 =	rddreg [dreg:$0xe]  }
0x11f: {  	p0 =	sne.s32 s17, s26  }
.Ltmp4:
0x120: {  	_ = 	snop;
	(pc) =	sbr.rel @p0 .LBB2_1-.Ltmp4, $3  }
0x121: {  	_ =	sdelay $0x1  }
0x122: {  	[sflag:s5] =	ssyncset.done $0x0  }
0x123: {  	[sflag:s5] =	ssyncadd.s32 $0xFFFFFC00  }
0x124: {  	_ =	sfence.sel $0x180000  }
0x125: {  	[bflag:$0x0] =	sbarrier.arrive $0xFFFF  }
0x126: {  	_ =	strace $0x9000004A  }
0x127: {  	s0 =	stileid.u32;
	[bflag:$0x2] =	sbarrier.arrive $0xFFFF  }
0x128: {  	p0 =	sne.s32 s0, $0x0;
	s0 =	rddreg [dreg:$0x4]  }
0x129: {  	s0 =	sadd.s32 @!p0 $0x100000, s0  }
0x12a: {  	[sflag:s0] =	ssyncadd.tile.s32 @!p0 $0x1;
	_ =	shalt  }
.Lfunc_end2:
_tile_overlayer_lowered:
.L_overlay_start_2:
0x12b: {  	(tag) =	ssettag $0x2  }
0x12c: {  	s0 =	rddreg [dreg:$0x0];
	s2 =	stileid.u32  }
0x12d: {  	s1 =	rddreg [dreg:$0x1];
	p0 =	sne.s32 s2, $0x0  }
0x12e: {  	s3 =	rddreg [dreg:$0x2];
	[bflag:$0x3] =	sbarrier.arrive $0xFFFF;
	s2 =	simm.s32 @!p0 $0x1C04  }
0x12f: {  	[timem:s3], [sflag:s2] =	dma.local @!p0 [hbm:s0], s1  }
0x130: {  	s0 =	simm.s32 @!p0 $0x4  }
0x131: {  	_ =	swait.ge @!p0 [sflag:s0], s1  }
0x132: {  	s1 =	ssub.s32 @!p0 $0x0, s1;
	[sflag:s0] =	ssyncset.done @!p0 $0x0  }
0x133: {  	[sflag:s0] =	ssyncadd.s32 @!p0 s1  }
0x134: {  	[bflag:$0x3] =	sbarrier.arrive $0xFFFF  }
0x135: {  	_ =	shalt  }

// kernel: kernel.7.cloned.1.call-start
scs
__scs_entry_jumppad:
0x0: {  	(pc) =	sbr.rel $0x88, $3  }
0x1: {  	(tag) =	ssettag $0x0;
	lr =	simm.s32 $0x1  }
0x2: {  	[smem:$0x3F95] =	sst lr;
	_ =	strace $0xD0000000  }
0x3: {  	_ = 	snop  }
0x4: {  	_ = 	snop  }
0x5: {  	_ = 	snop  }
0x6: {  	_ = 	snop  }
0x7: {  	_ = 	snop  }
__scs_overlays_trampoline_lowered:
0x8: {  	[smem:$0x3FA4] =	sst s0  }
0x9: {  	[smem:$0x3FA5] =	sst s1  }
0xa: {  	[smem:$0x3FA6] =	sst s2  }
0xb: {  	[smem:$0x3FA7] =	sst s3  }
0xc: {  	[smem:$0x3FA8] =	sst s4  }
0xd: {  	[smem:$0x3FA9] =	sst s5  }
0xe: {  	[smem:$0x3FAA] =	sst s6  }
0xf: {  	[smem:$0x3FAB] =	sst s7  }
0x10: {  	[smem:$0x3FAC] =	sst s8  }
0x11: {  	[smem:$0x3FAD] =	sst s9;
	s0 =	simm.s32 @!p0 $0x0  }
0x12: {  	s1 =	sld [smem:$0x3F93];
	s0 =	simm.s32 @p0 $0x1  }
0x13: {  	[smem:$0x3FAE] =	sst s0;
	s0 =	simm.s32 @!p1 $0x0  }
0x14: {  	s2 =	sld [smem:$0x3F92];
	s0 =	simm.s32 @p1 $0x1  }
0x15: {  	[smem:$0x3FAF] =	sst s0;
	s0 =	simm.s32 @!p2 $0x0  }
0x16: {  	s3 =	sld [smem:$0x3FDB];
	s0 =	simm.s32 @p2 $0x1  }
0x17: {  	s4 =	simm.s32 $0x1BF5;
	[smem:$0x3FB1] =	sst s0  }
0x18: {  	s0 =	sld [smem:$0x3F94];
	_ =	swait.ge [sflag:s4], $0x0  }
0x19: {  	s7 =	sld [smem:$0x3F95]  }
0x1a: {  	s8 =	sadd.s32 $0xFFFFE003, lr  }
0x1b: {  	s9 =	sadd.s32 $0xFFFFFEF7, lr;
	s5 =	simm.s32 $0xFFFFFFFF;
	p2 =	slt.u32 s8, $0xFFFFF086  }
0x1c: {  	p1 =	slt.u32 s9, $0xF7A;
	s5 =	simm.s32 @!p2 $0x0  }
0x1d: {  	s5 =	simm.s32 @p1 $0x1;
	p0 =	seq.s32 s7, s2  }
0x1e: {  	s7 =	smul.u32 @!p0 $0xF7A, s2;
	p2 =	seq.s32 @!p0 s5, $0x0  }
0x1f: {  	s9 =	smul.u32 $0xF7A, s1;
	s8 =	simm.s32 @!p0 $0x1BF5;
	p2 =	por !p2, p0  }
0x20: {  	[sflag:s8] =	ssyncset.s32 @!p0 $0xFFFFF086;
	s6 =	sadd.s32 @!p0 s3, s7;
	s7 =	simm.s32 @!p0 $0x108  }
0x21: {  	s3 =	sadd.s32 s3, s9;
	s6 =	sadd.s32 @!p0 $0x88, s6;
	s7 =	simm.s32 @p2 $0x1082  }
0x22: {  	[simem:s7], [sflag:s8] =	dma.local @!p0 [hbm:s6], $0xF7A  }
0x23: {  	s9 =	sor.u32 $0xD0000000, s2;
	s6 =	simm.s32 $0x108;
	_ =	swait.ge @!p0 [sflag:s8], $0x0  }
0x24: {  	s3 =	sadd.s32 $0x88, s3;
	s6 =	simm.s32 @!p1 $0x1082;
	[sflag:s4] =	ssyncset.s32 $0xFFFFF086  }
0x25: {  	[simem:s6], [sflag:s4] =	dma.local [hbm:s3], $0xF7A  }
0x26: {  	[smem:$0x3F95] =	sst s1;
	(tag) =	ssettag s2;
	_ =	strace s9  }
0x27: {  	s1 =	sld [smem:$0x3FA5]  }
0x28: {  	s2 =	sld [smem:$0x3FA6]  }
0x29: {  	s4 =	sld [smem:$0x3FA8]  }
0x2a: {  	p0 =	seq.s32 s5, $0x0;
	s5 =	sld [smem:$0x3FA9]  }
0x2b: {  	s6 =	sld [smem:$0x3FAA]  }
0x2c: {  	s7 =	sld [smem:$0x3FAB]  }
0x2d: {  	s3 =	simm.s32 $0x108;
	s8 =	sld [smem:$0x3FAC]  }
0x2e: {  	s3 =	simm.s32 @!p0 $0x1082;
	s9 =	sld [smem:$0x3FAD]  }
0x2f: {  	lr =	sadd.s32 s0, s3;
	s0 =	sld [smem:$0x3FA4]  }
0x30: {  	s3 =	sld [smem:$0x3FA7]  }
0x31: {  	[smem:$0x3FB0] =	sst s10  }
0x32: {  	s10 =	sld [smem:$0x3FAE];
	_ =	sdelay $0x3  }
0x33: {  	p0 =	seq.s32 s10, $0x1;
	s10 =	sld [smem:$0x3FB0];
	_ =	sdelay $0x3  }
0x34: {  	[smem:$0x3FB0] =	sst s10  }
0x35: {  	s10 =	sld [smem:$0x3FAF];
	_ =	sdelay $0x3  }
0x36: {  	p1 =	seq.s32 s10, $0x1;
	s10 =	sld [smem:$0x3FB0];
	_ =	sdelay $0x3  }
0x37: {  	[smem:$0x3FB0] =	sst s10  }
0x38: {  	s10 =	sld [smem:$0x3FB1]  }
0x39: {  	_ = 	snop;
	(pc) =	sbr.ind lr, $3  }
0x3a: {  	_ = 	snop  }
0x3b: {  	_ = 	snop  }
0x3c: {  	p2 =	seq.s32 s10, $0x1;
	s10 =	sld [smem:$0x3FB0]  }
0x3d: {  	_ =	shalt  }
0x3e: {  	_ =	shalt  }
0x3f: {  	_ =	shalt  }
0x40: {  	_ =	shalt  }
0x41: {  	_ =	shalt  }
0x42: {  	_ =	shalt  }
0x43: {  	_ =	shalt  }
0x44: {  	_ =	shalt  }
0x45: {  	_ =	shalt  }
0x46: {  	_ =	shalt  }
0x47: {  	_ =	shalt  }
0x48: {  	_ =	shalt  }
0x49: {  	_ =	shalt  }
0x4a: {  	_ =	shalt  }
0x4b: {  	_ =	shalt  }
0x4c: {  	_ =	shalt  }
0x4d: {  	_ =	shalt  }
0x4e: {  	_ =	shalt  }
0x4f: {  	_ =	shalt  }
0x50: {  	_ =	shalt  }
0x51: {  	_ =	shalt  }
0x52: {  	_ =	shalt  }
0x53: {  	_ =	shalt  }
0x54: {  	_ =	shalt  }
0x55: {  	_ =	shalt  }
0x56: {  	_ =	shalt  }
0x57: {  	_ =	shalt  }
0x58: {  	_ =	shalt  }
0x59: {  	_ =	shalt  }
0x5a: {  	_ =	shalt  }
0x5b: {  	_ =	shalt  }
0x5c: {  	_ =	shalt  }
0x5d: {  	_ =	shalt  }
0x5e: {  	_ =	shalt  }
0x5f: {  	_ =	shalt  }
0x60: {  	_ =	shalt  }
0x61: {  	_ =	shalt  }
0x62: {  	_ =	shalt  }
0x63: {  	_ =	shalt  }
0x64: {  	_ =	shalt  }
0x65: {  	_ =	shalt  }
0x66: {  	_ =	shalt  }
0x67: {  	_ =	shalt  }
0x68: {  	_ =	shalt  }
0x69: {  	_ =	shalt  }
0x6a: {  	_ =	shalt  }
0x6b: {  	_ =	shalt  }
0x6c: {  	_ =	shalt  }
0x6d: {  	_ =	shalt  }
0x6e: {  	_ =	shalt  }
0x6f: {  	_ =	shalt  }
0x70: {  	_ =	shalt  }
0x71: {  	_ =	shalt  }
0x72: {  	_ =	shalt  }
0x73: {  	_ =	shalt  }
0x74: {  	_ =	shalt  }
0x75: {  	_ =	shalt  }
0x76: {  	_ =	shalt  }
0x77: {  	_ =	shalt  }
0x78: {  	_ =	shalt  }
0x79: {  	_ =	shalt  }
0x7a: {  	_ =	shalt  }
0x7b: {  	_ =	shalt  }
0x7c: {  	_ =	shalt  }
0x7d: {  	_ =	shalt  }
0x7e: {  	_ =	shalt  }
0x7f: {  	_ =	shalt  }
0x80: {  	_ =	shalt  }
0x81: {  	_ =	shalt  }
0x82: {  	_ =	shalt  }
0x83: {  	_ =	shalt  }
0x84: {  	_ =	shalt  }
0x85: {  	_ =	shalt  }
0x86: {  	_ =	shalt  }
0x87: {  	_ =	shalt  }
.Lfunc_end0:
.L_simem_size_0:
called_computation_lowered:
.L_overlay_start_0:
0x88: {  	s2 =	sld [smem:$0x3FD9]  }
0x89: {  	s3 =	sld [smem:$0x3FFE];
	_ =	sdelay $0x1  }
0x8a: {  	s1 =	srdreg.scid  }
0x8b: {  	s0 =	sand.u32 $0x1, s1  }
0x8c: {  	s17 =	sshll.u32 s0, $0xA;
	s2 =	sadd.s32 s3, s2  }
0x8d: {  	s2 =	sadd.s32 s2, s17  }
0x8e: {  	[smem:$0x3FBC] =	sst s2  }
0x8f: {  	_ = 	snop  }
0x90: {  	s2 =	sld [smem:$0x3FD0];
	(tm) =	ssettm $0x1  }
0x91: {  	s18 =	sld [smem:$0x3FFB];
	_ =	sdelay $0x3  }
0x92: {  	_ =	strace s18  }
0x93: {  	s3 =	sld [smem:$0x3FFC];
	_ =	sdelay $0x3  }
0x94: {  	_ =	strace s3  }
0x95: {  	s3 =	sld [smem:$0x3FFD];
	_ =	sdelay $0x3  }
0x96: {  	_ =	strace s3  }
0x97: {  	_ =	strace $0x8FFFFFFF  }
0x98: {  	s19 =	sld [smem:$0x3FDB];
	_ =	sdelay $0x1  }
0x99: {  	s4 =	simm.s32 $_scs_section_size  }
0x9a: {  	s5 =	simm.s32 $_size__tile_overlayer_lowered;
	s6 =	simm.s32 $_tile_overlayer_lowered  }
0x9b: {  	s22 =	simm.s32 $0x1BFF;
	s21 =	sshll.u32 s6, $0x1;
	s3 =	sadd.s32 s4, s19  }
0x9c: {  	s7 =	simm.s32 $0x0;
	s20 =	sshll.u32 s5, $0x1;
	s5 =	sadd.s32 s21, s3  }
0x9d: {  	[timem:s7], [sflag:s22] =	dma.local [hbm:s5], s20  }
0x9e: {  	_ =	swait.ge [sflag:s22], s20  }
0x9f: {  	s4 =	ssub.s32 $0x0, s20;
	[sflag:s22] =	ssyncset.done $0x0  }
0xa0: {  	[sflag:s22] =	ssyncadd.s32 s4;
	_ =	sdelay $0x1  }
0xa1: {  	s23 =	simm.s32 $0x1B8B  }
0xa2: {  	_ =	swait.ge [sflag:s23], $0x1  }
0xa3: {  	[sflag:s23] =	ssyncset.done $0x0  }
0xa4: {  	s25 =	simm.s32 $0x1B8E;
	s24 =	sld [smem:$0x3FFE];
	[sflag:s23] =	ssyncadd.s32 $0xFFFFFFFF  }
0xa5: {  	s26 =	simm.s32 $execute0_lowered;
	[smem:$0x3FD2] =	sst s25  }
0xa6: {  	s5 =	sshll.u32 s26, $0x1;
	_ =	strace $0x80000046;
	[dreg:$0x1] =	wrdreg $0xFFFFFFFF  }
0xa7: {  	s28 =	simm.s32 $_size_execute0_lowered;
	s3 =	sadd.s32 s3, s5;
	[dreg:$0x0] =	wrdreg $0x0  }
0xa8: {  	s5 =	sshll.u32 s28, $0x1;
	[dreg:$0x2] =	wrdreg s3  }
0xa9: {  	[dreg:$0x3] =	wrdreg s5  }
0xaa: {  	[dreg:$0x4] =	wrdreg $0xC0  }
0xab: {  	_ =	task [dreg:s7], $0x5FFFF  }
0xac: {  	[dreg:$0x1] =	wrdreg $0xFFFFFFFF  }
0xad: {  	[dreg:$0x0] =	wrdreg $0x60  }
0xae: {  	[dreg:$0x2] =	wrdreg s24  }
0xaf: {  	[dreg:$0x3] =	wrdreg s2  }
0xb0: {  	[dreg:$0x4] =	wrdreg $0x9D100  }
0xb1: {  	[dreg:$0x5] =	wrdreg $0x1DD100  }
0xb2: {  	[dreg:$0x6] =	wrdreg $0x9  }
0xb3: {  	_ =	task.clear_ibuf [dreg:s7], $0x7FFFF;
	_ =	strace $0x90000046  }
0xb4: {  	s29 =	simm.s32 $0x9;
	_ =	strace $0x80000048  }
0xb5: {  	_ =	swait.ge [sflag:s29], $0x1  }
0xb6: {  	[sflag:s29] =	ssyncadd.s32 $0xFFFFFFFF  }
0xb7: {  	_ =	strace $0x90000048  }
0xb8: {  	_ =	sfence  }
0xb9: {  	s30 =	sld [smem:$0x0];
	_ =	sdelay $0x2  }
0xba: {  	s31 =	sshll.u32 s1, $0xD;
	s1 =	sshrl.u32 s1, $0x2  }
0xbb: {  	s3 =	sand.u32 $0x4000, s31;
	s1 =	sadd.s32 s1, s30  }
0xbc: {  	s0 =	sor.u32 s3, s0;
	s1 =	sshll.u32 s1, $0x11  }
0xbd: {  	s0 =	sor.u32 s1, s0  }
0xbe: {  	s0 =	sadd.s32 $0x8F2B, s0  }
0xbf: {  	[sflag:s0] =	ssyncadd.remote.s32 $0x1  }
0xc0: {  	_ =	sfence.sel $0xFFFF  }
0xc1: {  	[dreg:$0x0] =	wrdreg $0xFFFFFFFF;
	(pc) =	sbr.abs _section_cstart, $3  }
0xc2: {  	[dreg:$0x1] =	wrdreg $0xFFFFFFFF  }
0xc3: {  	_ =	task.clear_ibuf [dreg:s7], $0x2FFFF;
	_ =	strace $0x9FFFFFFF  }
0xc4: {  	(tm) =	ssettm $0x7FFFFFFF  }
0xc5: {  	_ =	shalt  }
tec
execute0_lowered:
.L_overlay_start_1:
0x0: {  	(tag) =	ssettag $0x1  }
0x1: {  	s0 =	rddreg [dreg:$0x0];
	s1 =	srdreg.scid  }
0x2: {  	s19 =	stileid.u32;
	s5 =	rddreg [dreg:$0x1]  }
0x3: {  	s2 =	rddreg [dreg:$0x2];
	s9 =	smul.u32 $0x280, s19  }
0x4: {  	s1 =	sand.u32 $0x1, s1;
	s3 =	sshll.u32 s19, $0x1;
	s14 =	smul.u32 $0x14000, s19  }
0x5: {  	s11 =	sadd.s32 $0x3EC00, s0;
	s4 =	sor.u32 s1, s3;
	s7 =	smul.u32 $0x2800, s1  }
0x6: {  	s3 =	rddreg [dreg:$0x3];
	s8 =	ssub.s32 $0x2, s1;
	s1 =	smul.u32 $0x140000, s1  }
0x7: {  	s6 =	smul.u32 $0x510, s4;
	s4 =	simm.s32 $0x0;
	s10 =	sshrl.u32 s8, $0x1  }
0x8: {  	s15 =	sadd.s32 $0x80, s9;
	s16 =	sadd.s32 $0x100, s9;
	s17 =	sadd.s32 $0x180, s9  }
0x9: {  	s25 =	sadd.s32 $0x200, s9;
	[smem:$0x7FF] =	sst s4;
	s8 =	ssub.s32 s8, s10  }
0xa: {  	s18 =	sshll.u32 s15, $0x7;
	s22 =	sshll.u32 s16, $0x7;
	s24 =	sshll.u32 s17, $0x7  }
0xb: {  	s23 =	sadd.s32 s1, s14;
	s26 =	sshll.u32 s25, $0x7;
	s7 =	sadd.s32 s7, s0  }
0xc: {  	_ =	strace $0x80000047;
	s12 =	sadd.s32 s1, s18;
	s10 =	sshrl.u32 s23, $0x3  }
0xd: {  	s20 =	sadd.s32 s1, s22;
	s21 =	sadd.s32 s1, s24;
	s1 =	sadd.s32 s1, s26  }
0xe: {  	s5 =	sadd.s32 s5, s6;
	s6 =	sadd.s32 s6, s0;
	s8 =	smax.u32 s8, $0x1  }
0xf: {  	s28 =	sadd.s32 s18, s2;
	s30 =	sadd.s32 s22, s2;
	s24 =	sadd.s32 s24, s2  }
0x10: {  	s22 =	sshll.u32 s17, $0x3;
	s12 =	sshrl.u32 s12, $0x3;
	s10 =	sadd.s32 s11, s10  }
0x11: {  	s23 =	sshrl.u32 s21, $0x3;
	s1 =	sshrl.u32 s1, $0x3;
	[dreg:$0xa] =	wrdreg s5  }
0x12: {  	s21 =	smul.u32 $0x5000, s19;
	[dreg:$0xe] =	wrdreg s8;
	s31 =	sadd.s32 s22, s3  }
0x13: {  	s8 =	simm.s32 $0x80;
	[dreg:$0x5] =	wrdreg s10;
	s13 =	sadd.s32 s11, s12  }
0x14: {  	s10 =	sshrl.u32 s20, $0x3;
	s1 =	sadd.s32 s11, s1;
	[dreg:$0x6] =	wrdreg s13  }
0x15: {  	s12 =	sadd.s32 $0x2D200, s0;
	s20 =	sadd.s32 $0x2FA00, s6;
	[dreg:$0x9] =	wrdreg s1  }
0x16: {  	s6 =	simm.s32 $0x9900;
	s10 =	sadd.s32 s11, s10;
	[dreg:$0xc] =	wrdreg s20  }
0x17: {  	s13 =	sadd.s32 $0x2AA00, s0;
	s1 =	sadd.s32 $0x39C00, s7;
	[dreg:$0x7] =	wrdreg s10  }
0x18: {  	s10 =	sadd.s32 s11, s23;
	s11 =	smul.u32 $0x50000, s19;
	s23 =	sadd.s32 s14, s2  }
0x19: {  	s14 =	sshll.u32 s16, $0x3;
	s18 =	sadd.s32 s9, s1;
	[dreg:$0x8] =	wrdreg s10  }
0x1a: {  	s20 =	sadd.s32 s15, s1;
	s9 =	simm.s32 $0x9100;
	[dreg:$0xd] =	wrdreg s23  }
0x1b: {  	s10 =	sadd.s32 $0x2800, s0;
	s0 =	sadd.s32 $0x2A800, s0;
	[dreg:$0x11] =	wrdreg s18  }
0x1c: {  	[dreg:$0x12] =	wrdreg s20;
	s23 =	sadd.s32 s17, s1;
	s17 =	simm.s32 $0x0  }
0x1d: {  	[dreg:$0xb] =	wrdreg s0;
	s7 =	sshrl.u32 s11, $0x2;
	s0 =	sshrl.u32 s21, $0x2  }
0x1e: {  	s11 =	sshll.u32 s15, $0x3;
	s21 =	sadd.s32 s16, s1;
	[dreg:$0x14] =	wrdreg s23  }
0x1f: {  	s1 =	sadd.s32 s25, s1;
	s25 =	sshll.u32 s25, $0x3;
	s15 =	simm.s32 $0x3  }
0x20: {  	s16 =	simm.s32 $0x1;
	s5 =	sadd.s32 s7, s2;
	s19 =	sadd.s32 s0, s3  }
0x21: {  	s29 =	sadd.s32 s11, s3;
	s0 =	sadd.s32 s14, s3;
	[dreg:$0x13] =	wrdreg s21  }
0x22: {  	v2 =	vlaneseq.u32;
	[dreg:$0x15] =	wrdreg s1;
	s1 =	sadd.s32 s26, s2;
	s7 =	simm.s32 $0x5100  }
0x23: {  	v1 =	vshrl.u32 v2, $0x3;
	s11 =	simm.s32 $0x9500;
	s14 =	simm.s32 $0x2;
	[dreg:$0xf] =	wrdreg s5  }
0x24: {  	v0 =	vimm.f32 $0.0e+00;
	v2 =	vand.u32 $0x7, v2;
	v1 =	vmul.u32 $0x8, v1;
	[dreg:$0x10] =	wrdreg s0;
	s0 =	sadd.s32 s25, s3;
	s5 =	simm.s32 $0x4  }
.LBB2_1:
0x25: {  	s18 =	rddreg [dreg:$0xa]  }
0x26: {  	[tilespmem:s4], [sflag:$0x4] =	stream.linear.gather [hbm4b:s18+s4], $0x2880, $0x38;
	[tilespmem:$0x1F110] =	vst v63  }
0x27: {  	_ =	swait.ge [sflag:s5], $0x2880  }
0x28: {  	[sflag:s5] =	ssyncset.done $0x0  }
0x29: {  	s20 =	simm.s32 $0x2880;
	s23 =	rddreg [dreg:$0xc];
	[sflag:s5] =	ssyncadd.s32 $0xFFFFD780  }
0x2a: {  	[tilespmem:s20], [sflag:$0x4] =	stream.linear.gather [hbm4b:s23+s4], $0x2880, $0x38;
	[tilespmem:$0x1F110] =	vst v63  }
0x2b: {  	_ =	swait.ge [sflag:s5], $0x2880  }
0x2c: {  	[sflag:s5] =	ssyncset.done $0x0  }
0x2d: {  	s26 =	simm.s32 $0x9D00;
	s25 =	rddreg [dreg:$0xb];
	[sflag:s5] =	ssyncadd.s32 $0xFFFFD780  }
0x2e: {  	[tilespmem:s26], [sflag:$0x4] =	stream.linear.gather [hbm4b:s25+s4], $0x10, $0x38;
	[tilespmem:$0x1F110] =	vst v63  }
0x2f: {  	_ =	swait.ge [sflag:s5], $0x10  }
0x30: {  	[sflag:s5] =	ssyncset.done $0x0  }
0x31: {  	[sflag:s5] =	ssyncadd.s32 $0xFFFFFFF0  }
0x32: {  	s18 =	simm.s32 $0x0;
	s25 =	simm.s32 $0x200;
	v3 =	vld [tilespmem:$0x9D00]  }
.LBB2_2:
0x33: {  	p0 =	sne.s32 s25, $0xFE00;
	[tilespmem:s18+$0x5170] =	vst v0  }
0x34: {  	[tilespmem:s18+$0x5100] =	vst v0  }
0x35: {  	[tilespmem:s18+$0x5110] =	vst v0  }
.Ltmp0:
0x36: {  	[tilespmem:s18+$0x5120] =	vst v0;
	(pc) =	sbr.rel @p0 .LBB2_2-.Ltmp0, $4  }
0x37: {  	[tilespmem:s18+$0x5130] =	vst v0  }
0x38: {  	[tilespmem:s18+$0x5140] =	vst v0  }
0x39: {  	[tilespmem:s18+$0x5150] =	vst v0  }
0x3a: {  	[tilespmem:s18+$0x5160] =	vst v0;
	s18 =	sshra.s32 s25, $0x2;
	s25 =	sadd.s32 $0x200, s25  }
0x3b: {  	[tilespmem:s18+$0x5170] =	vst v0  }
0x3c: {  	[tilespmem:s18+$0x5100] =	vst v0  }
0x3d: {  	[tilespmem:s18+$0x5110] =	vst v0  }
0x3e: {  	[tilespmem:s18+$0x5120] =	vst v0;
	s25 =	simm.s32 $0x0  }
0x3f: {  	[tilespmem:s18+$0x5130] =	vst v0;
	v4 =	vmov s25  }
0x40: {  	[tilespmem:s18+$0x5140] =	vst v0;
	v4 =	vshll.u32 v4, $0x3  }
0x41: {  	[tilespmem:s18+$0x5150] =	vst v0;
	v4 =	vor.u32 v1, v4  }
0x42: {  	[tilespmem:s18+$0x5160] =	vst v0;
	s18 =	simm.s32 $0x2;
	v4 =	vor.u32 v2, v4  }
.LBB2_4:
0x43: {  	p0 =	sne.s32 s18, $0x7E  }
.Ltmp1:
0x44: {  	_ = 	snop;
	(pc) =	sbr.rel @p0 .LBB2_4-.Ltmp1, $4  }
0x45: {  	v5 =	vmov s18  }
0x46: {  	v5 =	vshll.u32 v5, $0x3  }
0x47: {  	v5 =	vor.u32 v1, v5  }
0x48: {  	s18 =	sadd.s32 $0x2, s18;
	[tilespmem:v4+s6+$0x0] =	vst.idx.msk $0xffff, v0;
	v4 =	vor.u32 v2, v5  }
0x49: {  	_ =	sdelay $0x3  }
0x4a: {  	[tilespmem:v4+s6+$0x0] =	vst.idx.msk $0xffff, v0;
	s18 =	rddreg [dreg:$0xf]  }
0x4b: {  	[spmem:s18] =	stream.linear.scatter [tilespmem:s7], [sflag:$0x4], $0x4000, $0x38;
	[tilespmem:$0x1F110] =	vst v63  }
0x4c: {  	_ =	swait.ge [sflag:s5], $0x4000  }
0x4d: {  	[sflag:s5] =	ssyncset.done $0x0  }
0x4e: {  	[sflag:s5] =	ssyncadd.s32 $0xFFFFC000  }
0x4f: {  	[spmem:s19] =	stream.linear.scatter [tilespmem:s6], [sflag:$0x4], $0x400, $0x38;
	[tilespmem:$0x1F110] =	vst v63  }
0x50: {  	_ =	swait.ge [sflag:s5], $0x400  }
0x51: {  	[sflag:s5] =	ssyncset.done $0x0  }
0x52: {  	[sflag:s5] =	ssyncadd.s32 $0xFFFFFC00  }
0x53: {  	[spmem:s28] =	stream.linear.scatter [tilespmem:s7], [sflag:$0x4], $0x4000, $0x38;
	[tilespmem:$0x1F110] =	vst v63  }
0x54: {  	_ =	swait.ge [sflag:s5], $0x4000  }
0x55: {  	[sflag:s5] =	ssyncset.done $0x0  }
0x56: {  	[sflag:s5] =	ssyncadd.s32 $0xFFFFC000  }
0x57: {  	[spmem:s29] =	stream.linear.scatter [tilespmem:s6], [sflag:$0x4], $0x400, $0x38;
	[tilespmem:$0x1F110] =	vst v63  }
0x58: {  	_ =	swait.ge [sflag:s5], $0x400  }
0x59: {  	[sflag:s5] =	ssyncset.done $0x0  }
0x5a: {  	[sflag:s5] =	ssyncadd.s32 $0xFFFFFC00  }
0x5b: {  	[spmem:s30] =	stream.linear.scatter [tilespmem:s7], [sflag:$0x4], $0x4000, $0x38;
	[tilespmem:$0x1F110] =	vst v63  }
0x5c: {  	_ =	swait.ge [sflag:s5], $0x4000  }
0x5d: {  	[sflag:s5] =	ssyncset.done $0x0  }
0x5e: {  	s23 =	smov.u32 s30;
	s30 =	rddreg [dreg:$0x10];
	[sflag:s5] =	ssyncadd.s32 $0xFFFFC000  }
0x5f: {  	[spmem:s30] =	stream.linear.scatter [tilespmem:s6], [sflag:$0x4], $0x400, $0x38;
	[tilespmem:$0x1F110] =	vst v63  }
0x60: {  	_ =	swait.ge [sflag:s5], $0x400  }
0x61: {  	[sflag:s5] =	ssyncset.done $0x0  }
0x62: {  	[sflag:s5] =	ssyncadd.s32 $0xFFFFFC00  }
0x63: {  	[spmem:s24] =	stream.linear.scatter [tilespmem:s7], [sflag:$0x4], $0x4000, $0x38;
	[tilespmem:$0x1F110] =	vst v63  }
0x64: {  	_ =	swait.ge [sflag:s5], $0x4000  }
0x65: {  	[sflag:s5] =	ssyncset.done $0x0  }
0x66: {  	[sflag:s5] =	ssyncadd.s32 $0xFFFFC000  }
0x67: {  	[spmem:s31] =	stream.linear.scatter [tilespmem:s6], [sflag:$0x4], $0x400, $0x38;
	[tilespmem:$0x1F110] =	vst v63  }
0x68: {  	_ =	swait.ge [sflag:s5], $0x400  }
0x69: {  	[sflag:s5] =	ssyncset.done $0x0  }
0x6a: {  	[sflag:s5] =	ssyncadd.s32 $0xFFFFFC00  }
0x6b: {  	[spmem:s1] =	stream.linear.scatter [tilespmem:s7], [sflag:$0x4], $0x4000, $0x38;
	[tilespmem:$0x1F110] =	vst v63  }
0x6c: {  	_ =	swait.ge [sflag:s5], $0x4000  }
0x6d: {  	[sflag:s5] =	ssyncset.done $0x0  }
0x6e: {  	[sflag:s5] =	ssyncadd.s32 $0xFFFFC000  }
0x6f: {  	[spmem:s0] =	stream.linear.scatter [tilespmem:s6], [sflag:$0x4], $0x400, $0x38;
	[tilespmem:$0x1F110] =	vst v63  }
0x70: {  	_ =	swait.ge [sflag:s5], $0x400  }
0x71: {  	s20 =	smov.u32 s19;
	[sflag:s5] =	ssyncset.done $0x0  }
0x72: {  	s21 =	smov.u32 s28;
	s22 =	smov.u32 s29;
	[sflag:s5] =	ssyncadd.s32 $0xFFFFFC00  }
0x73: {  	s25 =	simm.s32 $0x0;
	s18 =	simm.s32 $0x0;
	[bflag:$0x0] =	sbarrier.arrive $0xFFFF  }
.LBB2_6:
0x74: {  	s26 =	sshll.u32 s25, $0x7  }
0x75: {  	[tilespmem:s7], [sflag:$0x1] =	stream.indirect.gather [hbm4b:s10+s8], $0x80, s26, s8, $0xb8;
	[tilespmem:$0x1F110] =	vst v63  }
0x76: {  	_ = 	snop  }
0x77: {  	[tilespmem:s9], [sflag:$0x2] =	stream.indirect.gather [hbm4b:s12+s8], $0x8, s26, s8, $0xb8;
	[tilespmem:$0x1F110] =	vst v63  }
0x78: {  	s26 =	sadd.s32 $0x2880, s26  }
0x79: {  	[tilespmem:s11], [sflag:$0x3] =	stream.indirect.gather [hbm4b:s13+s8], $0x8, s26, s8, $0xb8;
	[tilespmem:$0x1F110] =	vst v63  }
0x7a: {  	_ =	swait.ge [sflag:s14], $0x400  }
0x7b: {  	v4 =	vmov s18;
	[sflag:s14] =	ssyncset.done $0x0  }
0x7c: {  	v4 =	vshll.u32 v4, $0x3;
	[sflag:s14] =	ssyncadd.s32 $0xFFFFFC00  }
0x7d: {  	v4 =	vor.u32 v1, v4;
	_ =	swait.ge [sflag:s15], $0x400  }
0x7e: {  	v5 =	vor.u32 v2, v4;
	[sflag:s15] =	ssyncset.done $0x0  }
0x7f: {  	[sflag:s15] =	ssyncadd.s32 $0xFFFFFC00  }
0x80: {  	_ =	swait.ge [sflag:s16], $0x4000  }
0x81: {  	[sflag:s16] =	ssyncset.done $0x0  }
0x82: {  	[sflag:s16] =	ssyncadd.s32 $0xFFFFC000  }
0x83: {  	v4 =	vld.idx.msk [tilespmem:v5+s9+$0x0], $0xffff  }
0x84: {  	v6 =	vld.idx.msk [tilespmem:v5+s11+$0x0], $0xffff;
	_ =	sdelay $0x4  }
0x85: {  	v4 =	vadd.f32 v6, v4;
	_ =	sdelay $0x1  }
0x86: {  	v6 =	vmul.f32 $2.000000030e-01, v4;
	_ =	sdelay $0x1  }
0x87: {  	v4 =	vmax.f32 v4, v6  }
0x88: {  	v4 =	vsub.f32 v4, v3;
	_ =	sdelay $0x1  }
0x89: {  	v4 =	vmul.f32 $1.442695020e+00, v4;
	_ =	sdelay $0x1  }
0x8a: {  	(erf) = vpow2.f32 v4;
	_ =	sdelay $0x8  }
0x8b: {  	v4 =	vpop (erf)  }
0x8c: {  	s28 =	simm.s32 $0x5180;
	[tilespmem:v5+s6+$0x0] =	vst.idx.msk $0xffff, v4  }
0x8d: {  	v12 =	vld [tilespmem:s28+$0xFFFFFF80]  }
0x8e: {  	v6 =	vbroadcast v4, $0x5;
	v11 =	vld [tilespmem:s28+$0xFFFFFF90]  }
0x8f: {  	v5 =	vbroadcast v4, $0x9;
	v10 =	vbroadcast v4, $0x1;
	v9 =	vld [tilespmem:s28+$0xFFFFFFA0]  }
0x90: {  	s29 =	simm.s32 $0x2;
	s30 =	simm.s32 $0x5180;
	v7 =	vbroadcast v4, $0x6;
	v13 =	vbroadcast v4, $0x0;
	v8 =	vld [tilespmem:s28+$0xFFFFFFB0]  }
.LBB2_7:
0x91: {  	p0 =	sne.s32 s29, $0x7E  }
0x92: {  	v14 =	vld [tilespmem:s28+$0xFFFFFFC0];
	s30 =	sadd.s32 $0x100, s30;
	s19 =	smov.u32 s29;
	s29 =	sadd.s32 $0x2, s29  }
0x93: {  	v12 =	vmul.f32 v13, v12;
	v13 =	vbroadcast v4, $0x2;
	v15 =	vld [tilespmem:s28+$0xFFFFFFD0]  }
0x94: {  	v10 =	vmul.f32 v10, v11;
	v11 =	vbroadcast v4, $0x3;
	v16 =	vld [tilespmem:s28+$0xFFFFFFE0]  }
0x95: {  	[tilespmem:s28+$0xFFFFFF80] =	vst v12;
	v9 =	vmul.f32 v13, v9;
	v12 =	vbroadcast v4, $0x4;
	v13 =	vld [tilespmem:s28+$0xFFFFFFF0]  }
0x96: {  	[tilespmem:s28+$0xFFFFFF90] =	vst v10;
	v8 =	vmul.f32 v8, v11;
	v10 =	vld [tilespmem:s28+$0x0]  }
0x97: {  	[tilespmem:s28+$0xFFFFFFA0] =	vst v9;
	v9 =	vmul.f32 v14, v12;
	v11 =	vld [tilespmem:s28+$0x10]  }
0x98: {  	[tilespmem:s28+$0xFFFFFFB0] =	vst v8;
	v6 =	vmul.f32 v15, v6;
	v8 =	vbroadcast v4, $0x7;
	v12 =	vld [tilespmem:s28+$0x20]  }
0x99: {  	[tilespmem:s28+$0xFFFFFFC0] =	vst v9;
	v7 =	vmul.f32 v16, v7;
	v9 =	vbroadcast v4, $0x8;
	v14 =	vld [tilespmem:s28+$0x30]  }
0x9a: {  	[tilespmem:s28+$0xFFFFFFD0] =	vst v6;
	v6 =	vmul.f32 v13, v8;
	v8 =	vld [tilespmem:s28+$0x40]  }
0x9b: {  	v13 =	vmov s19;
	[tilespmem:s28+$0xFFFFFFE0] =	vst v7;
	v7 =	vmul.f32 v10, v9;
	v9 =	vbroadcast v4, $0xA;
	v10 =	vld [tilespmem:s28+$0x50]  }
0x9c: {  	v13 =	vshll.u32 v13, $0x3;
	[tilespmem:s28+$0xFFFFFFF0] =	vst v6;
	v5 =	vmul.f32 v11, v5;
	v6 =	vbroadcast v4, $0xB;
	v11 =	vld [tilespmem:s28+$0x60]  }
0x9d: {  	v13 =	vor.u32 v1, v13;
	[tilespmem:s28+$0x0] =	vst v7;
	v7 =	vmul.f32 v12, v9;
	v9 =	vbroadcast v4, $0xC;
	v12 =	vld [tilespmem:s28+$0x70]  }
0x9e: {  	v13 =	vor.u32 v2, v13;
	[tilespmem:s28+$0x10] =	vst v5;
	v5 =	vmul.f32 v14, v6;
	v6 =	vbroadcast v4, $0xD  }
0x9f: {  	[tilespmem:s28+$0x20] =	vst v7;
	v7 =	vmul.f32 v8, v9;
	v8 =	vbroadcast v4, $0xE  }
0xa0: {  	v4 =	vbroadcast v4, $0xF;
	[tilespmem:s28+$0x30] =	vst v5;
	v5 =	vmul.f32 v10, v6  }
0xa1: {  	[tilespmem:s28+$0x40] =	vst v7;
	v6 =	vmul.f32 v11, v8  }
0xa2: {  	[tilespmem:s28+$0x50] =	vst v5;
	v4 =	vmul.f32 v12, v4  }
0xa3: {  	[tilespmem:s28+$0x60] =	vst v6  }
0xa4: {  	[tilespmem:s28+$0x70] =	vst v4;
	s28 =	smov.u32 s30  }
0xa5: {  	v4 =	vld.idx.msk [tilespmem:v13+s9+$0x0], $0xffff  }
0xa6: {  	v5 =	vld.idx.msk [tilespmem:v13+s11+$0x0], $0xffff;
	_ =	sdelay $0x5  }
0xa7: {  	v4 =	vadd.f32 v5, v4;
	_ =	sdelay $0x1  }
0xa8: {  	v5 =	vmul.f32 $2.000000030e-01, v4;
	_ =	sdelay $0x1  }
0xa9: {  	v4 =	vmax.f32 v4, v5  }
0xaa: {  	v4 =	vsub.f32 v4, v3;
	_ =	sdelay $0x1  }
0xab: {  	v4 =	vmul.f32 $1.442695020e+00, v4;
	_ =	sdelay $0x1  }
0xac: {  	(erf) = vpow2.f32 v4;
	_ =	sdelay $0x8  }
0xad: {  	v4 =	vpop (erf)  }
.Ltmp2:
0xae: {  	[tilespmem:v13+s6+$0x0] =	vst.idx.msk $0xffff, v4;
	v6 =	vbroadcast v4, $0x5;
	v5 =	vbroadcast v4, $0x9;
	(pc) =	sbr.rel @p0 .LBB2_7-.Ltmp2, $4  }
0xaf: {  	v10 =	vbroadcast v4, $0x1;
	v7 =	vbroadcast v4, $0x6;
	v12 =	vld [tilespmem:s30+$0xFFFFFF80]  }
0xb0: {  	v11 =	vld [tilespmem:s30+$0xFFFFFF90]  }
0xb1: {  	v9 =	vld [tilespmem:s30+$0xFFFFFFA0]  }
0xb2: {  	v13 =	vbroadcast v4, $0x0;
	v8 =	vld [tilespmem:s30+$0xFFFFFFB0]  }
0xb3: {  	v14 =	vld [tilespmem:s28+$0xFFFFFFC0]  }
0xb4: {  	v39 =	vbroadcast v4, $0x2;
	v15 =	vld [tilespmem:s28+$0xFFFFFFD0];
	v12 =	vmul.f32 v13, v12  }
0xb5: {  	v40 =	vbroadcast v4, $0x3;
	v16 =	vld [tilespmem:s28+$0xFFFFFFE0];
	v10 =	vmul.f32 v10, v11  }
0xb6: {  	v41 =	vbroadcast v4, $0x4;
	v42 =	vld [tilespmem:s28+$0xFFFFFFF0];
	[tilespmem:s28+$0xFFFFFF80] =	vst v12;
	v9 =	vmul.f32 v39, v9  }
0xb7: {  	v43 =	vld [tilespmem:s28+$0x0];
	[tilespmem:s28+$0xFFFFFF90] =	vst v10;
	v8 =	vmul.f32 v8, v40  }
0xb8: {  	v45 =	vld [tilespmem:s28+$0x10];
	[tilespmem:s28+$0xFFFFFFA0] =	vst v9;
	v44 =	vmul.f32 v14, v41  }
0xb9: {  	v46 =	vbroadcast v4, $0x7;
	v47 =	vld [tilespmem:s28+$0x20];
	v6 =	vmul.f32 v15, v6;
	[tilespmem:s28+$0xFFFFFFB0] =	vst v8  }
0xba: {  	v48 =	vbroadcast v4, $0x8;
	v51 =	vld [tilespmem:s28+$0x40];
	v7 =	vmul.f32 v16, v7;
	[tilespmem:s28+$0xFFFFFFC0] =	vst v44  }
0xbb: {  	v53 =	vbroadcast v4, $0xA;
	v56 =	vld [tilespmem:s28+$0x60];
	v50 =	vmul.f32 v42, v46;
	[tilespmem:s28+$0xFFFFFFD0] =	vst v6  }
0xbc: {  	v49 =	vld [tilespmem:s28+$0x30];
	v55 =	vbroadcast v4, $0xB;
	v52 =	vmul.f32 v43, v48;
	[tilespmem:s28+$0xFFFFFFE0] =	vst v7  }
0xbd: {  	v58 =	vbroadcast v4, $0xC;
	v59 =	vld [tilespmem:s28+$0x70];
	v5 =	vmul.f32 v45, v5;
	[tilespmem:s28+$0xFFFFFFF0] =	vst v50  }
0xbe: {  	v54 =	vld [tilespmem:s28+$0x50];
	v62 =	vbroadcast v4, $0xE;
	v57 =	vmul.f32 v47, v53;
	[tilespmem:s28+$0x0] =	vst v52  }
0xbf: {  	v60 =	vbroadcast v4, $0xD;
	v61 =	vmul.f32 v51, v58;
	[tilespmem:s28+$0x10] =	vst v5  }
0xc0: {  	v4 =	vbroadcast v4, $0xF;
	v63 =	vmul.f32 v56, v62;
	[tilespmem:s28+$0x20] =	vst v57  }
0xc1: {  	v5 =	vmul.f32 v49, v55;
	[tilespmem:s28+$0x40] =	vst v61  }
0xc2: {  	v4 =	vmul.f32 v59, v4;
	[tilespmem:s28+$0x60] =	vst v63  }
0xc3: {  	[tilespmem:s28+$0x30] =	vst v5;
	v5 =	vmul.f32 v54, v60  }
0xc4: {  	[tilespmem:s28+$0x70] =	vst v4  }
0xc5: {  	[tilespmem:s28+$0x50] =	vst v5  }
0xc6: {  	[spmem:s3] =	stream.indirect.scatter.add.f32 [tilespmem:s6], [sflag:$0x4], $0x8, s26, s8, $0xb8;
	[tilespmem:$0x1F110] =	vst v63  }
0xc7: {  	s25 =	sadd.s32 $0x1, s25;
	_ =	swait.ge [sflag:s5], $0x400  }
0xc8: {  	p0 =	sne.s32 s25, $0x51;
	[sflag:s5] =	ssyncset.done $0x0  }
.Ltmp3:
0xc9: {  	[sflag:s5] =	ssyncadd.s32 $0xFFFFFC00;
	(pc) =	sbr.rel @p0 .LBB2_6-.Ltmp3, $4  }
0xca: {  	[spmem:s2] =	stream.indirect.scatter.add.f32 [tilespmem:s7], [sflag:$0x4], $0x80, s26, s8, $0xb8;
	[tilespmem:$0x1F110] =	vst v63  }
0xcb: {  	_ =	swait.ge [sflag:s5], $0x4000  }
0xcc: {  	[sflag:s5] =	ssyncset.done $0x0  }
0xcd: {  	[sflag:s5] =	ssyncadd.s32 $0xFFFFC000  }
0xce: {  	[bflag:$0x0] =	sbarrier.arrive $0xFFFF  }
0xcf: {  	s18 =	rddreg [dreg:$0xd]  }
0xd0: {  	[tilespmem:s7], [sflag:$0x4] =	stream.linear.gather [spmem:s18], $0x4000, $0x38;
	[tilespmem:$0x1F110] =	vst v63  }
0xd1: {  	_ =	swait.ge [sflag:s5], $0x4000  }
0xd2: {  	[sflag:s5] =	ssyncset.done $0x0  }
0xd3: {  	s19 =	rddreg [dreg:$0x5];
	[sflag:s5] =	ssyncadd.s32 $0xFFFFC000  }
0xd4: {  	[hbm4b:s19+s4] =	stream.linear.scatter [tilespmem:s7], [sflag:$0x4], $0x4000, $0x38;
	[tilespmem:$0x1F110] =	vst v63  }
0xd5: {  	_ =	swait.ge [sflag:s5], $0x4000  }
0xd6: {  	[sflag:s5] =	ssyncset.done $0x0  }
0xd7: {  	[sflag:s5] =	ssyncadd.s32 $0xFFFFC000  }
0xd8: {  	[tilespmem:s6], [sflag:$0x4] =	stream.linear.gather [spmem:s20], $0x400, $0x38;
	[tilespmem:$0x1F110] =	vst v63  }
0xd9: {  	_ =	swait.ge [sflag:s5], $0x400  }
0xda: {  	[sflag:s5] =	ssyncset.done $0x0  }
0xdb: {  	s19 =	smov.u32 s20;
	s20 =	rddreg [dreg:$0x11];
	[sflag:s5] =	ssyncadd.s32 $0xFFFFFC00  }
0xdc: {  	[hbm4b:s20+s4] =	stream.linear.scatter [tilespmem:s6], [sflag:$0x4], $0x400, $0x38;
	[tilespmem:$0x1F110] =	vst v63  }
0xdd: {  	_ =	swait.ge [sflag:s5], $0x400  }
0xde: {  	[sflag:s5] =	ssyncset.done $0x0  }
0xdf: {  	[sflag:s5] =	ssyncadd.s32 $0xFFFFFC00  }
0xe0: {  	[tilespmem:s7], [sflag:$0x4] =	stream.linear.gather [spmem:s21], $0x4000, $0x38;
	[tilespmem:$0x1F110] =	vst v63  }
0xe1: {  	_ =	swait.ge [sflag:s5], $0x4000  }
0xe2: {  	[sflag:s5] =	ssyncset.done $0x0  }
0xe3: {  	s28 =	smov.u32 s21;
	s21 =	rddreg [dreg:$0x6];
	[sflag:s5] =	ssyncadd.s32 $0xFFFFC000  }
0xe4: {  	[hbm4b:s21+s4] =	stream.linear.scatter [tilespmem:s7], [sflag:$0x4], $0x4000, $0x38;
	[tilespmem:$0x1F110] =	vst v63  }
0xe5: {  	_ =	swait.ge [sflag:s5], $0x4000  }
0xe6: {  	[sflag:s5] =	ssyncset.done $0x0  }
0xe7: {  	[sflag:s5] =	ssyncadd.s32 $0xFFFFC000  }
0xe8: {  	[tilespmem:s6], [sflag:$0x4] =	stream.linear.gather [spmem:s22], $0x400, $0x38;
	[tilespmem:$0x1F110] =	vst v63  }
0xe9: {  	_ =	swait.ge [sflag:s5], $0x400  }
0xea: {  	[sflag:s5] =	ssyncset.done $0x0  }
0xeb: {  	s29 =	smov.u32 s22;
	s22 =	rddreg [dreg:$0x12];
	[sflag:s5] =	ssyncadd.s32 $0xFFFFFC00  }
0xec: {  	[hbm4b:s22+s4] =	stream.linear.scatter [tilespmem:s6], [sflag:$0x4], $0x400, $0x38;
	[tilespmem:$0x1F110] =	vst v63  }
0xed: {  	_ =	swait.ge [sflag:s5], $0x400  }
0xee: {  	[sflag:s5] =	ssyncset.done $0x0  }
0xef: {  	[sflag:s5] =	ssyncadd.s32 $0xFFFFFC00  }
0xf0: {  	[tilespmem:s7], [sflag:$0x4] =	stream.linear.gather [spmem:s23], $0x4000, $0x38;
	[tilespmem:$0x1F110] =	vst v63  }
0xf1: {  	_ =	swait.ge [sflag:s5], $0x4000  }
0xf2: {  	[sflag:s5] =	ssyncset.done $0x0  }
0xf3: {  	s25 =	rddreg [dreg:$0x7];
	[sflag:s5] =	ssyncadd.s32 $0xFFFFC000  }
0xf4: {  	[hbm4b:s25+s4] =	stream.linear.scatter [tilespmem:s7], [sflag:$0x4], $0x4000, $0x38;
	[tilespmem:$0x1F110] =	vst v63  }
0xf5: {  	_ =	swait.ge [sflag:s5], $0x4000  }
0xf6: {  	[sflag:s5] =	ssyncset.done $0x0  }
0xf7: {  	s26 =	rddreg [dreg:$0x10];
	[sflag:s5] =	ssyncadd.s32 $0xFFFFC000  }
0xf8: {  	[tilespmem:s6], [sflag:$0x4] =	stream.linear.gather [spmem:s26], $0x400, $0x38;
	[tilespmem:$0x1F110] =	vst v63  }
0xf9: {  	_ =	swait.ge [sflag:s5], $0x400  }
0xfa: {  	[sflag:s5] =	ssyncset.done $0x0  }
0xfb: {  	s20 =	rddreg [dreg:$0x13];
	[sflag:s5] =	ssyncadd.s32 $0xFFFFFC00  }
0xfc: {  	[hbm4b:s20+s4] =	stream.linear.scatter [tilespmem:s6], [sflag:$0x4], $0x400, $0x38;
	[tilespmem:$0x1F110] =	vst v63  }
0xfd: {  	_ =	swait.ge [sflag:s5], $0x400  }
0xfe: {  	[sflag:s5] =	ssyncset.done $0x0  }
0xff: {  	[sflag:s5] =	ssyncadd.s32 $0xFFFFFC00  }
0x100: {  	[tilespmem:s7], [sflag:$0x4] =	stream.linear.gather [spmem:s24], $0x4000, $0x38;
	[tilespmem:$0x1F110] =	vst v63  }
0x101: {  	_ =	swait.ge [sflag:s5], $0x4000  }
0x102: {  	[sflag:s5] =	ssyncset.done $0x0  }
0x103: {  	s21 =	rddreg [dreg:$0x8];
	[sflag:s5] =	ssyncadd.s32 $0xFFFFC000  }
0x104: {  	[hbm4b:s21+s4] =	stream.linear.scatter [tilespmem:s7], [sflag:$0x4], $0x4000, $0x38;
	[tilespmem:$0x1F110] =	vst v63  }
0x105: {  	_ =	swait.ge [sflag:s5], $0x4000  }
0x106: {  	[sflag:s5] =	ssyncset.done $0x0  }
0x107: {  	[sflag:s5] =	ssyncadd.s32 $0xFFFFC000  }
0x108: {  	[tilespmem:s6], [sflag:$0x4] =	stream.linear.gather [spmem:s31], $0x400, $0x38;
	[tilespmem:$0x1F110] =	vst v63  }
0x109: {  	_ =	swait.ge [sflag:s5], $0x400  }
0x10a: {  	[sflag:s5] =	ssyncset.done $0x0  }
0x10b: {  	s22 =	rddreg [dreg:$0x14];
	[sflag:s5] =	ssyncadd.s32 $0xFFFFFC00  }
0x10c: {  	[hbm4b:s22+s4] =	stream.linear.scatter [tilespmem:s6], [sflag:$0x4], $0x400, $0x38;
	[tilespmem:$0x1F110] =	vst v63  }
0x10d: {  	_ =	swait.ge [sflag:s5], $0x400  }
0x10e: {  	[sflag:s5] =	ssyncset.done $0x0  }
0x10f: {  	[sflag:s5] =	ssyncadd.s32 $0xFFFFFC00  }
0x110: {  	[tilespmem:s7], [sflag:$0x4] =	stream.linear.gather [spmem:s1], $0x4000, $0x38;
	[tilespmem:$0x1F110] =	vst v63  }
0x111: {  	_ =	swait.ge [sflag:s5], $0x4000  }
0x112: {  	[sflag:s5] =	ssyncset.done $0x0  }
0x113: {  	s30 =	smov.u32 s23;
	s23 =	rddreg [dreg:$0x9];
	[sflag:s5] =	ssyncadd.s32 $0xFFFFC000  }
0x114: {  	[hbm4b:s23+s4] =	stream.linear.scatter [tilespmem:s7], [sflag:$0x4], $0x4000, $0x38;
	[tilespmem:$0x1F110] =	vst v63  }
0x115: {  	_ =	swait.ge [sflag:s5], $0x4000  }
0x116: {  	[sflag:s5] =	ssyncset.done $0x0  }
0x117: {  	[sflag:s5] =	ssyncadd.s32 $0xFFFFC000  }
0x118: {  	[tilespmem:s6], [sflag:$0x4] =	stream.linear.gather [spmem:s0], $0x400, $0x38;
	[tilespmem:$0x1F110] =	vst v63  }
0x119: {  	_ =	swait.ge [sflag:s5], $0x400  }
0x11a: {  	[sflag:s5] =	ssyncset.done $0x0  }
0x11b: {  	s25 =	rddreg [dreg:$0x15];
	[sflag:s5] =	ssyncadd.s32 $0xFFFFFC00  }
0x11c: {  	[hbm4b:s25+s4] =	stream.linear.scatter [tilespmem:s6], [sflag:$0x4], $0x400, $0x38;
	[tilespmem:$0x1F110] =	vst v63  }
0x11d: {  	_ =	swait.ge [sflag:s5], $0x400  }
0x11e: {  	s17 =	sadd.s32 $0x1, s17;
	s26 =	rddreg [dreg:$0xe]  }
0x11f: {  	p0 =	sne.s32 s17, s26  }
.Ltmp4:
0x120: {  	_ = 	snop;
	(pc) =	sbr.rel @p0 .LBB2_1-.Ltmp4, $3  }
0x121: {  	_ =	sdelay $0x1  }
0x122: {  	[sflag:s5] =	ssyncset.done $0x0  }
0x123: {  	[sflag:s5] =	ssyncadd.s32 $0xFFFFFC00  }
0x124: {  	_ =	sfence.sel $0x180000  }
0x125: {  	[bflag:$0x0] =	sbarrier.arrive $0xFFFF  }
0x126: {  	_ =	strace $0x90000047  }
0x127: {  	s0 =	stileid.u32;
	[bflag:$0x2] =	sbarrier.arrive $0xFFFF  }
0x128: {  	p0 =	sne.s32 s0, $0x0;
	s0 =	rddreg [dreg:$0x4]  }
0x129: {  	s0 =	sadd.s32 @!p0 $0x100000, s0  }
0x12a: {  	[sflag:s0] =	ssyncadd.tile.s32 @!p0 $0x1;
	_ =	shalt  }
.Lfunc_end2:
_tile_overlayer_lowered:
.L_overlay_start_2:
0x12b: {  	(tag) =	ssettag $0x2  }
0x12c: {  	s0 =	rddreg [dreg:$0x0];
	s2 =	stileid.u32  }
0x12d: {  	s1 =	rddreg [dreg:$0x1];
	p0 =	sne.s32 s2, $0x0  }
0x12e: {  	s3 =	rddreg [dreg:$0x2];
	[bflag:$0x3] =	sbarrier.arrive $0xFFFF;
	s2 =	simm.s32 @!p0 $0x1C04  }
0x12f: {  	[timem:s3], [sflag:s2] =	dma.local @!p0 [hbm:s0], s1  }
0x130: {  	s0 =	simm.s32 @!p0 $0x4  }
0x131: {  	_ =	swait.ge @!p0 [sflag:s0], s1  }
0x132: {  	s1 =	ssub.s32 @!p0 $0x0, s1;
	[sflag:s0] =	ssyncset.done @!p0 $0x0  }
0x133: {  	[sflag:s0] =	ssyncadd.s32 @!p0 s1  }
0x134: {  	[bflag:$0x3] =	sbarrier.arrive $0xFFFF  }
0x135: {  	_ =	shalt  }

</sc_bundles>
